<compile_context>
chip_gen: v7x
topology: tpu7x:2x2x1
jax: 0.10.2.dev20260603
libtpu: 0.0.44.dev20260713+nightly
codegen_flags: <defaults>
</compile_context>

<pallas_src>
import functools

import jax
import jax.numpy as jnp
from jax import lax
from jax.experimental import pallas as pl
from jax.experimental.pallas import tpu as pltpu
from jax.experimental.pallas import tpu_sc as plsc

N = 10000
E = 320000
D_IN = 128
D_HID = 256
D_OUT = 128

L = 16
NS = 16
NC = 2
NROWS = 10112
NT = 10016
TW = 144
CH = 128
EPAD = ((E + NS * CH - 1) // (NS * CH)) * (NS * CH)
EPT = EPAD // NS
NCHUNK = EPT // CH
RPT = NROWS // NS
RCHUNKS = [(o, min(CH, RPT - o)) for o in range(0, RPT, CH)]
TRASH = N



def _mm_body(x_ref, w_ref, o_ref):
    o_ref[...] = jnp.dot(x_ref[...], w_ref[...],
                         preferred_element_type=jnp.float32)


def _matmul(x, w, bm=512):
    m, k = x.shape
    n = w.shape[1]
    return pl.pallas_call(
        _mm_body,
        grid=(m // bm,),
        in_specs=[pl.BlockSpec((bm, k), lambda i: (i, 0)),
                  pl.BlockSpec((k, n), lambda i: (0, 0))],
        out_specs=pl.BlockSpec((bm, n), lambda i: (i, 0)),
        out_shape=jax.ShapeDtypeStruct((m, n), jnp.float32),
    )(x, w)


def _ep1_body(acc_ref, hpre_ref, s_ref, as_ref, ad_ref, b_ref, w_ref, o_ref):
    e = as_ref[...] + ad_ref[...]
    wl = jnp.exp(jnp.where(e < 0.0, 0.2 * e, e))
    h1 = (acc_ref[...] + wl * hpre_ref[...]) / (s_ref[...] + wl)
    h1 = jnp.maximum(h1 + b_ref[0:1, :], 0.0)
    o_ref[...] = jnp.dot(h1, w_ref[...], preferred_element_type=jnp.float32)


def _ep1_matmul(acc, hpre, s_b, as_b, ad_b, b1, w, bm=512):
    m = acc.shape[0]
    n = w.shape[1]
    row = lambda i: (i, 0)
    return pl.pallas_call(
        _ep1_body,
        grid=(m // bm,),
        in_specs=[pl.BlockSpec((bm, D_HID), row),
                  pl.BlockSpec((bm, D_HID), row),
                  pl.BlockSpec((bm, D_HID), row),
                  pl.BlockSpec((bm, D_HID), row),
                  pl.BlockSpec((bm, D_HID), row),
                  pl.BlockSpec((8, D_HID), lambda i: (0, 0)),
                  pl.BlockSpec((D_HID, n), lambda i: (0, 0))],
        out_specs=pl.BlockSpec((bm, n), row),
        out_shape=jax.ShapeDtypeStruct((m, n), jnp.float32),
    )(acc, hpre, s_b, as_b, ad_b, b1, w)


def _ep2_body(acc_ref, h_ref, s_ref, as_ref, ad_ref, b_ref, o_ref):
    e = as_ref[...] + ad_ref[...]
    wl = jnp.exp(jnp.where(e < 0.0, 0.2 * e, e))
    o_ref[...] = ((acc_ref[...] + wl * h_ref[...]) / (s_ref[...] + wl)
                  + b_ref[0:1, :])


def _ep2(acc, h, s_b, as_b, ad_b, b, bm=512):
    m = acc.shape[0]
    row = lambda i: (i, 0)
    return pl.pallas_call(
        _ep2_body,
        grid=(m // bm,),
        in_specs=[pl.BlockSpec((bm, D_HID), row),
                  pl.BlockSpec((bm, D_HID), row),
                  pl.BlockSpec((bm, D_HID), row),
                  pl.BlockSpec((bm, D_HID), row),
                  pl.BlockSpec((bm, D_HID), row),
                  pl.BlockSpec((8, D_HID), lambda i: (0, 0))],
        out_specs=pl.BlockSpec((bm, D_HID), row),
        out_shape=jax.ShapeDtypeStruct((m, D_HID), jnp.float32),
    )(acc, h, s_b, as_b, ad_b, b)



_SC_MESH = plsc.VectorSubcoreMesh(core_axis_name="c", subcore_axis_name="s")


@functools.partial(
    pl.kernel,
    out_type=jax.ShapeDtypeStruct((NC, NROWS, TW), jnp.float32),
    mesh=_SC_MESH,
    compiler_params=pltpu.CompilerParams(
        needs_layout_passes=False, use_tc_tiling_on_sc=False),
    scratch_types=[
        pltpu.VMEM_SHARED((NROWS, TW), jnp.float32),
        pltpu.VMEM((NT,), jnp.float32),
        pltpu.VMEM((NT,), jnp.float32),
        pltpu.VMEM((CH,), jnp.int32),
        pltpu.VMEM((CH,), jnp.int32),
        pltpu.VMEM((CH,), jnp.int32),
        pltpu.VMEM((CH + L,), jnp.float32),
        pltpu.VMEM((CH, TW), jnp.float32),
        pltpu.SemaphoreType.DMA,
    ],
)
def _edge_kernel(t_hbm, asrc_hbm, adst_hbm, src_hbm, dst_hbm, out_hbm,
                 acc, asrc_v, adst_v, sidx, didx, gidx, w_v, rows, sem):
    c = lax.axis_index("c")
    s = lax.axis_index("s")

    pltpu.sync_copy(asrc_hbm.at[c], asrc_v)
    pltpu.sync_copy(adst_hbm.at[c], adst_v)

    def _zrow(r, carry):
        for j in range(TW // L):
            rows[r, pl.ds(j * L, L)] = jnp.zeros((L,), jnp.float32)
        return carry

    lax.fori_loop(0, CH, _zrow, 0)
    for o, sz in RCHUNKS:
        pltpu.sync_copy(rows.at[pl.ds(0, sz), :],
                        acc.at[pl.ds(s * RPT + o, sz), :])
    plsc.subcore_barrier()

    def _chunk(k, carry):
        eb = s * EPT + k * CH
        pltpu.sync_copy(src_hbm.at[pl.ds(eb, CH)], sidx)
        pltpu.sync_copy(dst_hbm.at[pl.ds(eb, CH)], didx)
        for g in range(CH // L):
            gidx[pl.ds(g * L, L)] = sidx[pl.ds(g * L, L)] + c * NROWS
        cp = pltpu.async_copy(t_hbm.at[gidx], rows, sem)
        for g in range(CH // L):
            a_s = plsc.load_gather(asrc_v, [sidx[pl.ds(g * L, L)]])
            a_d = plsc.load_gather(adst_v, [didx[pl.ds(g * L, L)]])
            e = a_s + a_d
            e = jnp.where(e < 0.0, 0.2 * e, e)
            w_v[pl.ds(g * L, L)] = jnp.exp(e)
        cp.wait()

        @plsc.parallel_loop(0, CH, 1, unroll=4)
        def _srow(r):
            wv = w_v[pl.ds(r, L)][0]
            for j in range(TW // L):
                rows[r, pl.ds(j * L, L)] = rows[r, pl.ds(j * L, L)] * wv

        pltpu.sync_copy(rows, acc.at[didx], add=True)
        return carry

    lax.fori_loop(0, NCHUNK, _chunk, 0)
    plsc.subcore_barrier()

    for o, sz in RCHUNKS:
        r0 = s * RPT + o
        pltpu.sync_copy(acc.at[pl.ds(r0, sz), :], rows.at[pl.ds(0, sz), :])
        pltpu.sync_copy(rows.at[pl.ds(0, sz), :],
                        out_hbm.at[c, pl.ds(r0, sz), :])



def _bcast(v):
    return jnp.broadcast_to(v[:, None], (NROWS, D_OUT))


def _make_table(h):
    ones = jnp.ones((NROWS, 1), jnp.float32)
    zpad = jnp.zeros((NROWS, TW - 129), jnp.float32)
    t0 = jnp.concatenate([h[:, :D_OUT], ones, zpad], axis=1)
    t1 = jnp.concatenate([h[:, D_OUT:D_HID], ones, zpad], axis=1)
    return jnp.concatenate([t0, t1], axis=0)


def kernel(x, edge_index, W1, att_src1, att_dst1, b1,
           W_mu, att_src_mu, att_dst_mu, b_mu,
           W_ls, att_src_ls, att_dst_ls, b_ls):
    f32 = jnp.float32
    src = jnp.concatenate(
        [edge_index[0].astype(jnp.int32),
         jnp.zeros((EPAD - E,), jnp.int32)])
    dst = jnp.concatenate(
        [edge_index[1].astype(jnp.int32),
         jnp.full((EPAD - E,), TRASH, jnp.int32)])

    w_as1 = W1 @ att_src1
    w_ad1 = W1 @ att_dst1
    wide1 = jnp.zeros((D_IN, 384), f32)
    wide1 = wide1.at[:, :D_HID].set(W1)
    wide1 = wide1.at[:, D_HID].set(w_as1)
    wide1 = wide1.at[:, D_HID + 1].set(w_ad1)

    wide2 = jnp.zeros((D_HID, 384), f32)
    wide2 = wide2.at[:, :D_OUT].set(W_mu)
    wide2 = wide2.at[:, D_OUT:D_HID].set(W_ls)
    wide2 = wide2.at[:, D_HID].set(W_mu @ att_src_mu)
    wide2 = wide2.at[:, D_HID + 1].set(W_mu @ att_dst_mu)
    wide2 = wide2.at[:, D_HID + 2].set(W_ls @ att_src_ls)
    wide2 = wide2.at[:, D_HID + 3].set(W_ls @ att_dst_ls)

    x_pad = jnp.zeros((NROWS, D_IN), f32).at[:N].set(x)

    a1 = _matmul(x_pad, wide1)
    h1pre = a1[:, :D_HID]
    as1 = a1[:, D_HID]
    ad1 = a1[:, D_HID + 1]

    t1 = _make_table(h1pre)
    asrc1 = jnp.broadcast_to(
        jnp.pad(as1[:N], (0, NT - N))[None, :], (NC, NT))
    adst1 = jnp.broadcast_to(
        jnp.pad(ad1[:N], (0, NT - N))[None, :], (NC, NT))

    sc1 = _edge_kernel(t1, asrc1, adst1, src, dst)
    acc1 = jnp.concatenate([sc1[0, :, :D_OUT], sc1[1, :, :D_OUT]], axis=1)
    s1 = sc1[0, :, D_OUT]

    b1p = jnp.zeros((8, D_HID), f32).at[0].set(b1)
    s1b = jnp.concatenate([_bcast(s1), _bcast(s1)], axis=1)
    as1b = jnp.concatenate([_bcast(as1), _bcast(as1)], axis=1)
    ad1b = jnp.concatenate([_bcast(ad1), _bcast(ad1)], axis=1)
    a2 = _ep1_matmul(acc1, h1pre, s1b, as1b, ad1b, b1p, wide2)
    hcat = a2[:, :D_HID]
    as_mu = a2[:, D_HID]
    ad_mu = a2[:, D_HID + 1]
    as_ls = a2[:, D_HID + 2]
    ad_ls = a2[:, D_HID + 3]

    t2 = _make_table(hcat)
    asrc2 = jnp.stack([jnp.pad(as_mu[:N], (0, NT - N)),
                       jnp.pad(as_ls[:N], (0, NT - N))])
    adst2 = jnp.stack([jnp.pad(ad_mu[:N], (0, NT - N)),
                       jnp.pad(ad_ls[:N], (0, NT - N))])

    sc2 = _edge_kernel(t2, asrc2, adst2, src, dst)
    acc2 = jnp.concatenate([sc2[0, :, :D_OUT], sc2[1, :, :D_OUT]], axis=1)
    s2b = jnp.concatenate([_bcast(sc2[0, :, D_OUT]),
                           _bcast(sc2[1, :, D_OUT])], axis=1)
    as2b = jnp.concatenate([_bcast(as_mu), _bcast(as_ls)], axis=1)
    ad2b = jnp.concatenate([_bcast(ad_mu), _bcast(ad_ls)], axis=1)
    bcat = jnp.zeros((8, D_HID), f32).at[0].set(
        jnp.concatenate([b_mu, b_ls]))

    out = _ep2(acc2, hcat, s2b, as2b, ad2b, bcat)
    return (out[:N, :D_OUT], out[:N, D_OUT:])

# --- scband reference (transcript-rebuilt; emitter-appended) ---
"""Pipeline reference for scband-gatencoder-9921374454402 (READ-ONLY COPY).

The authoritative reference and input builder live on the scoring server;
editing this copy changes nothing except your own understanding.
"""

import jax, jax.numpy as jnp
import numpy as np

N = 10000
E = 320000
D_IN = 128
D_HID = 256  # 2 * out_channels
D_OUT = 128


def setup_inputs(seed: int = 0) -> dict:
    key = jax.random.key(seed)
    ks = jax.random.split(key, 16)
    inp = {}
    inp['x'] = jax.random.normal(ks[0], (N, D_IN), dtype=jnp.float32)
    inp['edge_index'] = jax.random.randint(ks[1], (2, E), 0, N, dtype=jnp.int64)
    # conv1: in 128 -> out 256
    inp['W1'] = jax.random.normal(ks[2], (D_IN, D_HID), dtype=jnp.float32) * 0.05
    inp['att_src1'] = jax.random.normal(ks[3], (D_HID,), dtype=jnp.float32) * 0.05
    inp['att_dst1'] = jax.random.normal(ks[4], (D_HID,), dtype=jnp.float32) * 0.05
    inp['b1'] = jnp.zeros((D_HID,), dtype=jnp.float32)
    # conv_mu: in 256 -> out 128
    inp['W_mu'] = jax.random.normal(ks[5], (D_HID, D_OUT), dtype=jnp.float32) * 0.05
    inp['att_src_mu'] = jax.random.normal(ks[6], (D_OUT,), dtype=jnp.float32) * 0.05
    inp['att_dst_mu'] = jax.random.normal(ks[7], (D_OUT,), dtype=jnp.float32) * 0.05
    inp['b_mu'] = jnp.zeros((D_OUT,), dtype=jnp.float32)
    # conv_logstd: in 256 -> out 128
    inp['W_ls'] = jax.random.normal(ks[8], (D_HID, D_OUT), dtype=jnp.float32) * 0.05
    inp['att_src_ls'] = jax.random.normal(ks[9], (D_OUT,), dtype=jnp.float32) * 0.05
    inp['att_dst_ls'] = jax.random.normal(ks[10], (D_OUT,), dtype=jnp.float32) * 0.05
    inp['b_ls'] = jnp.zeros((D_OUT,), dtype=jnp.float32)
    return inp


def _gat_conv(x, src, dst, W, a_src, a_dst, b, n):
    # PyG GATConv, heads=1, concat=True, negative_slope=0.2, add_self_loops already applied
    h = x @ W
    alpha_src = (h * a_src).sum(-1)
    alpha_dst = (h * a_dst).sum(-1)
    e = jax.nn.leaky_relu(alpha_src[src] + alpha_dst[dst], negative_slope=0.2)
    m = jax.ops.segment_max(e, dst, num_segments=n)
    m = jnp.where(jnp.isfinite(m), m, 0.0)
    ex = jnp.exp(e - m[dst])
    s = jax.ops.segment_sum(ex, dst, num_segments=n)
    alpha = ex / (s[dst] + 1e-16)
    out = jax.ops.segment_sum(alpha[:, None] * h[src], dst, num_segments=n)
    return out + b


def reference(x, edge_index, W1, att_src1, att_dst1, b1,
              W_mu, att_src_mu, att_dst_mu, b_mu,
              W_ls, att_src_ls, att_dst_ls, b_ls):
    n = x.shape[0]
    loops = jnp.arange(n, dtype=edge_index.dtype)
    src = jnp.concatenate([edge_index[0], loops])
    dst = jnp.concatenate([edge_index[1], loops])
    h1 = jax.nn.relu(_gat_conv(x, src, dst, W1, att_src1, att_dst1, b1, n))
    mu = _gat_conv(h1, src, dst, W_mu, att_src_mu, att_dst_mu, b_mu, n)
    logstd = _gat_conv(h1, src, dst, W_ls, att_src_ls, att_dst_ls, b_ls, n)
    return (mu, logstd)

if __name__ == "__main__":
    import jax
    _d = setup_inputs()
    print(jax.jit(kernel)(*tuple(_d.values())))

</pallas_src>

<mosaic_0001>
#map = affine_map<(d0, d1) -> (0, 0)>
#map1 = affine_map<(d0, d1) -> (0)>
#map2 = affine_map<(d0, d1) -> (0, 0, 0)>
module attributes {stable_mosaic.version = 14 : i64} {
  func.func @_edge_kernel(%arg0: i32, %arg1: i32, %arg2: memref<20224x144xf32, #tpu.memory_space<hbm>>, %arg3: memref<2x10016xf32, #tpu.memory_space<hbm>>, %arg4: memref<2x10016xf32, #tpu.memory_space<hbm>>, %arg5: memref<321536xi32, #tpu.memory_space<hbm>>, %arg6: memref<321536xi32, #tpu.memory_space<hbm>>, %arg7: memref<2x10112x144xf32, #tpu.memory_space<hbm>>, %arg8: memref<10112x144xf32, #tpu.memory_space<vmem_shared>>, %arg9: memref<10016xf32, #tpu.memory_space<vmem>>, %arg10: memref<10016xf32, #tpu.memory_space<vmem>>, %arg11: memref<128xi32, #tpu.memory_space<vmem>>, %arg12: memref<128xi32, #tpu.memory_space<vmem>>, %arg13: memref<128xi32, #tpu.memory_space<vmem>>, %arg14: memref<144xf32, #tpu.memory_space<vmem>>, %arg15: memref<128x144xf32, #tpu.memory_space<vmem>>, %arg16: memref<!tpu.dma_semaphore, #tpu.memory_space<semaphore_mem>>) attributes {dimension_semantics = [#tpu.dimension_semantics<core_parallel>, #tpu.dimension_semantics<subcore_parallel>], iteration_bounds = array<i64: 2, 16>, scalar_prefetch = 0 : i64, scratch_operands = 9 : i64, tpu.core_type = #tpu.core_type<sc_vector_subcore>, window_params = [{transform_indices = #map}, {transform_indices = #map}, {transform_indices = #map}, {transform_indices = #map1}, {transform_indices = #map1}, {transform_indices = #map2}]} {
    "tpu.region"() ({
      %run_scoped3A = tpu.sem_alloc : memref<!tpu.dma_semaphore, #tpu.memory_space<semaphore_mem>>
      %dma_start3A = arith.constant 0 : i32
      %dma_start3A_50 = tpu.memref_slice %arg3[%arg0, %dma_start3A] : memref<2x10016xf32, #tpu.memory_space<hbm>> -> memref<1x10016xf32, #tpu.memory_space<hbm>>
      %dma_start3A_51 = tpu.memref_squeeze %dma_start3A_50 : memref<1x10016xf32, #tpu.memory_space<hbm>> -> memref<10016xf32, #tpu.memory_space<hbm>>
      %dma_start3A_52 = arith.constant 0 : i32
      %dma_start3A_53 = tpu.memref_slice %arg3[%arg0, %dma_start3A_52] : memref<2x10016xf32, #tpu.memory_space<hbm>> -> memref<1x10016xf32, #tpu.memory_space<hbm>>
      %dma_start3A_54 = tpu.memref_squeeze %dma_start3A_53 : memref<1x10016xf32, #tpu.memory_space<hbm>> -> memref<10016xf32, #tpu.memory_space<hbm>>
      tpu.enqueue_dma source(%dma_start3A_54 : memref<10016xf32, #tpu.memory_space<hbm>>) target(%arg9 : memref<10016xf32, #tpu.memory_space<vmem>>) target_semaphore(%run_scoped3A : memref<!tpu.dma_semaphore, #tpu.memory_space<semaphore_mem>>)
      %dma_wait3A = arith.constant 0 : i32
      %dma_wait3A_55 = tpu.memref_slice %arg3[%arg0, %dma_wait3A] : memref<2x10016xf32, #tpu.memory_space<hbm>> -> memref<1x10016xf32, #tpu.memory_space<hbm>>
      %dma_wait3A_56 = tpu.memref_squeeze %dma_wait3A_55 : memref<1x10016xf32, #tpu.memory_space<hbm>> -> memref<10016xf32, #tpu.memory_space<hbm>>
      %dma_wait3A_57 = arith.constant 0 : i32
      %dma_wait3A_58 = tpu.memref_slice %arg3[%arg0, %dma_wait3A_57] : memref<2x10016xf32, #tpu.memory_space<hbm>> -> memref<1x10016xf32, #tpu.memory_space<hbm>>
      %dma_wait3A_59 = tpu.memref_squeeze %dma_wait3A_58 : memref<1x10016xf32, #tpu.memory_space<hbm>> -> memref<10016xf32, #tpu.memory_space<hbm>>
      tpu.wait_dma2 semaphore(%run_scoped3A : memref<!tpu.dma_semaphore, #tpu.memory_space<semaphore_mem>>) src(%dma_wait3A_59 : memref<10016xf32, #tpu.memory_space<hbm>>) dst(%arg9 : memref<10016xf32, #tpu.memory_space<vmem>>)
      tpu.yield
    }) : () -> ()
    "tpu.region"() ({
      %run_scoped3A = tpu.sem_alloc : memref<!tpu.dma_semaphore, #tpu.memory_space<semaphore_mem>>
      %dma_start3A = arith.constant 0 : i32
      %dma_start3A_50 = tpu.memref_slice %arg4[%arg0, %dma_start3A] : memref<2x10016xf32, #tpu.memory_space<hbm>> -> memref<1x10016xf32, #tpu.memory_space<hbm>>
      %dma_start3A_51 = tpu.memref_squeeze %dma_start3A_50 : memref<1x10016xf32, #tpu.memory_space<hbm>> -> memref<10016xf32, #tpu.memory_space<hbm>>
      %dma_start3A_52 = arith.constant 0 : i32
      %dma_start3A_53 = tpu.memref_slice %arg4[%arg0, %dma_start3A_52] : memref<2x10016xf32, #tpu.memory_space<hbm>> -> memref<1x10016xf32, #tpu.memory_space<hbm>>
      %dma_start3A_54 = tpu.memref_squeeze %dma_start3A_53 : memref<1x10016xf32, #tpu.memory_space<hbm>> -> memref<10016xf32, #tpu.memory_space<hbm>>
      tpu.enqueue_dma source(%dma_start3A_54 : memref<10016xf32, #tpu.memory_space<hbm>>) target(%arg10 : memref<10016xf32, #tpu.memory_space<vmem>>) target_semaphore(%run_scoped3A : memref<!tpu.dma_semaphore, #tpu.memory_space<semaphore_mem>>)
      %dma_wait3A = arith.constant 0 : i32
      %dma_wait3A_55 = tpu.memref_slice %arg4[%arg0, %dma_wait3A] : memref<2x10016xf32, #tpu.memory_space<hbm>> -> memref<1x10016xf32, #tpu.memory_space<hbm>>
      %dma_wait3A_56 = tpu.memref_squeeze %dma_wait3A_55 : memref<1x10016xf32, #tpu.memory_space<hbm>> -> memref<10016xf32, #tpu.memory_space<hbm>>
      %dma_wait3A_57 = arith.constant 0 : i32
      %dma_wait3A_58 = tpu.memref_slice %arg4[%arg0, %dma_wait3A_57] : memref<2x10016xf32, #tpu.memory_space<hbm>> -> memref<1x10016xf32, #tpu.memory_space<hbm>>
      %dma_wait3A_59 = tpu.memref_squeeze %dma_wait3A_58 : memref<1x10016xf32, #tpu.memory_space<hbm>> -> memref<10016xf32, #tpu.memory_space<hbm>>
      tpu.wait_dma2 semaphore(%run_scoped3A : memref<!tpu.dma_semaphore, #tpu.memory_space<semaphore_mem>>) src(%dma_wait3A_59 : memref<10016xf32, #tpu.memory_space<hbm>>) dst(%arg10 : memref<10016xf32, #tpu.memory_space<vmem>>)
      tpu.yield
    }) : () -> ()
    %scan3A = arith.constant 0 : i32
    %scan3A_0 = arith.constant 0 : i32
    %scan3A_1 = arith.constant 128 : i32
    %scan3A_2 = arith.addi %scan3A_0, %scan3A_1 : i32
    %scan3A_3 = arith.constant 1 : i32
    scf.for %scan3A_50 = %scan3A_0 to %scan3A_2 step %scan3A_3  : i32 {
      %broadcast_in_dim3A = arith.constant 0.000000e+00 : f32
      %broadcast_in_dim3A_51 = vector.broadcast %broadcast_in_dim3A : f32 to vector<16xf32>
      %swap3A = arith.index_cast %scan3A_50 : i32 to index
      %swap3A_52 = arith.constant 0 : index
      %swap3A_53 = tpu.vector_load %arg15[%swap3A, %swap3A_52] {strides = array<i32>} : memref<128x144xf32, #tpu.memory_space<vmem>>, vector<16xf32>,
      tpu.vector_store %arg15[%swap3A, %swap3A_52], %broadcast_in_dim3A_51 {strides = array<i32>} : memref<128x144xf32, #tpu.memory_space<vmem>>, vector<16xf32>,
      %broadcast_in_dim3A_54 = arith.constant 0.000000e+00 : f32
      %broadcast_in_dim3A_55 = vector.broadcast %broadcast_in_dim3A_54 : f32 to vector<16xf32>
      %swap3A_56 = arith.index_cast %scan3A_50 : i32 to index
      %swap3A_57 = arith.constant 16 : index
      %swap3A_58 = tpu.vector_load %arg15[%swap3A_56, %swap3A_57] {strides = array<i32>} : memref<128x144xf32, #tpu.memory_space<vmem>>, vector<16xf32>,
      tpu.vector_store %arg15[%swap3A_56, %swap3A_57], %broadcast_in_dim3A_55 {strides = array<i32>} : memref<128x144xf32, #tpu.memory_space<vmem>>, vector<16xf32>,
      %broadcast_in_dim3A_59 = arith.constant 0.000000e+00 : f32
      %broadcast_in_dim3A_60 = vector.broadcast %broadcast_in_dim3A_59 : f32 to vector<16xf32>
      %swap3A_61 = arith.index_cast %scan3A_50 : i32 to index
      %swap3A_62 = arith.constant 32 : index
      %swap3A_63 = tpu.vector_load %arg15[%swap3A_61, %swap3A_62] {strides = array<i32>} : memref<128x144xf32, #tpu.memory_space<vmem>>, vector<16xf32>,
      tpu.vector_store %arg15[%swap3A_61, %swap3A_62], %broadcast_in_dim3A_60 {strides = array<i32>} : memref<128x144xf32, #tpu.memory_space<vmem>>, vector<16xf32>,
      %broadcast_in_dim3A_64 = arith.constant 0.000000e+00 : f32
      %broadcast_in_dim3A_65 = vector.broadcast %broadcast_in_dim3A_64 : f32 to vector<16xf32>
      %swap3A_66 = arith.index_cast %scan3A_50 : i32 to index
      %swap3A_67 = arith.constant 48 : index
      %swap3A_68 = tpu.vector_load %arg15[%swap3A_66, %swap3A_67] {strides = array<i32>} : memref<128x144xf32, #tpu.memory_space<vmem>>, vector<16xf32>,
      tpu.vector_store %arg15[%swap3A_66, %swap3A_67], %broadcast_in_dim3A_65 {strides = array<i32>} : memref<128x144xf32, #tpu.memory_space<vmem>>, vector<16xf32>,
      %broadcast_in_dim3A_69 = arith.constant 0.000000e+00 : f32
      %broadcast_in_dim3A_70 = vector.broadcast %broadcast_in_dim3A_69 : f32 to vector<16xf32>
      %swap3A_71 = arith.index_cast %scan3A_50 : i32 to index
      %swap3A_72 = arith.constant 64 : index
      %swap3A_73 = tpu.vector_load %arg15[%swap3A_71, %swap3A_72] {strides = array<i32>} : memref<128x144xf32, #tpu.memory_space<vmem>>, vector<16xf32>,
      tpu.vector_store %arg15[%swap3A_71, %swap3A_72], %broadcast_in_dim3A_70 {strides = array<i32>} : memref<128x144xf32, #tpu.memory_space<vmem>>, vector<16xf32>,
      %broadcast_in_dim3A_74 = arith.constant 0.000000e+00 : f32
      %broadcast_in_dim3A_75 = vector.broadcast %broadcast_in_dim3A_74 : f32 to vector<16xf32>
      %swap3A_76 = arith.index_cast %scan3A_50 : i32 to index
      %swap3A_77 = arith.constant 80 : index
      %swap3A_78 = tpu.vector_load %arg15[%swap3A_76, %swap3A_77] {strides = array<i32>} : memref<128x144xf32, #tpu.memory_space<vmem>>, vector<16xf32>,
      tpu.vector_store %arg15[%swap3A_76, %swap3A_77], %broadcast_in_dim3A_75 {strides = array<i32>} : memref<128x144xf32, #tpu.memory_space<vmem>>, vector<16xf32>,
      %broadcast_in_dim3A_79 = arith.constant 0.000000e+00 : f32
      %broadcast_in_dim3A_80 = vector.broadcast %broadcast_in_dim3A_79 : f32 to vector<16xf32>
      %swap3A_81 = arith.index_cast %scan3A_50 : i32 to index
      %swap3A_82 = arith.constant 96 : index
      %swap3A_83 = tpu.vector_load %arg15[%swap3A_81, %swap3A_82] {strides = array<i32>} : memref<128x144xf32, #tpu.memory_space<vmem>>, vector<16xf32>,
      tpu.vector_store %arg15[%swap3A_81, %swap3A_82], %broadcast_in_dim3A_80 {strides = array<i32>} : memref<128x144xf32, #tpu.memory_space<vmem>>, vector<16xf32>,
      %broadcast_in_dim3A_84 = arith.constant 0.000000e+00 : f32
      %broadcast_in_dim3A_85 = vector.broadcast %broadcast_in_dim3A_84 : f32 to vector<16xf32>
      %swap3A_86 = arith.index_cast %scan3A_50 : i32 to index
      %swap3A_87 = arith.constant 112 : index
      %swap3A_88 = tpu.vector_load %arg15[%swap3A_86, %swap3A_87] {strides = array<i32>} : memref<128x144xf32, #tpu.memory_space<vmem>>, vector<16xf32>,
      tpu.vector_store %arg15[%swap3A_86, %swap3A_87], %broadcast_in_dim3A_85 {strides = array<i32>} : memref<128x144xf32, #tpu.memory_space<vmem>>, vector<16xf32>,
      %broadcast_in_dim3A_89 = arith.constant 0.000000e+00 : f32
      %broadcast_in_dim3A_90 = vector.broadcast %broadcast_in_dim3A_89 : f32 to vector<16xf32>
      %swap3A_91 = arith.index_cast %scan3A_50 : i32 to index
      %swap3A_92 = arith.constant 128 : index
      %swap3A_93 = tpu.vector_load %arg15[%swap3A_91, %swap3A_92] {strides = array<i32>} : memref<128x144xf32, #tpu.memory_space<vmem>>, vector<16xf32>,
      tpu.vector_store %arg15[%swap3A_91, %swap3A_92], %broadcast_in_dim3A_90 {strides = array<i32>} : memref<128x144xf32, #tpu.memory_space<vmem>>, vector<16xf32>,
    }
    %scan3A_4 = arith.constant 128 : i32
    %mul3A = arith.constant 632 : i32
    %mul3A_5 = arith.muli %arg1, %mul3A : i32
    %add3A = arith.constant 0 : i32
    %add3A_6 = arith.addi %mul3A_5, %add3A : i32
    "tpu.region"() ({
      %run_scoped3A = tpu.sem_alloc : memref<!tpu.dma_semaphore, #tpu.memory_space<semaphore_mem>>
      %dma_start3A = arith.constant 0 : i32
      %dma_start3A_50 = arith.constant 0 : i32
      %dma_start3A_51 = tpu.memref_slice %arg15[%dma_start3A, %dma_start3A_50] : memref<128x144xf32, #tpu.memory_space<vmem>> -> memref<128x144xf32, #tpu.memory_space<vmem>>
      %dma_start3A_52 = arith.constant 0 : i32
      %dma_start3A_53 = tpu.memref_slice %arg8[%add3A_6, %dma_start3A_52] : memref<10112x144xf32, #tpu.memory_space<vmem_shared>> -> memref<128x144xf32, #tpu.memory_space<vmem_shared>>
      %dma_start3A_54 = arith.constant 0 : i32
      %dma_start3A_55 = tpu.memref_slice %arg8[%add3A_6, %dma_start3A_54] : memref<10112x144xf32, #tpu.memory_space<vmem_shared>> -> memref<128x144xf32, #tpu.memory_space<vmem_shared>>
      %dma_start3A_56 = arith.constant 0 : i32
      %dma_start3A_57 = arith.constant 0 : i32
      %dma_start3A_58 = tpu.memref_slice %arg15[%dma_start3A_56, %dma_start3A_57] : memref<128x144xf32, #tpu.memory_space<vmem>> -> memref<128x144xf32, #tpu.memory_space<vmem>>
      tpu.enqueue_dma source(%dma_start3A_58 : memref<128x144xf32, #tpu.memory_space<vmem>>) target(%dma_start3A_55 : memref<128x144xf32, #tpu.memory_space<vmem_shared>>) target_semaphore(%run_scoped3A : memref<!tpu.dma_semaphore, #tpu.memory_space<semaphore_mem>>)
      %dma_wait3A = arith.constant 0 : i32
      %dma_wait3A_59 = arith.constant 0 : i32
      %dma_wait3A_60 = tpu.memref_slice %arg15[%dma_wait3A, %dma_wait3A_59] : memref<128x144xf32, #tpu.memory_space<vmem>> -> memref<128x144xf32, #tpu.memory_space<vmem>>
      %dma_wait3A_61 = arith.constant 0 : i32
      %dma_wait3A_62 = tpu.memref_slice %arg8[%add3A_6, %dma_wait3A_61] : memref<10112x144xf32, #tpu.memory_space<vmem_shared>> -> memref<128x144xf32, #tpu.memory_space<vmem_shared>>
      %dma_wait3A_63 = arith.constant 0 : i32
      %dma_wait3A_64 = tpu.memref_slice %arg8[%add3A_6, %dma_wait3A_63] : memref<10112x144xf32, #tpu.memory_space<vmem_shared>> -> memref<128x144xf32, #tpu.memory_space<vmem_shared>>
      %dma_wait3A_65 = arith.constant 0 : i32
      %dma_wait3A_66 = arith.constant 0 : i32
      %dma_wait3A_67 = tpu.memref_slice %arg15[%dma_wait3A_65, %dma_wait3A_66] : memref<128x144xf32, #tpu.memory_space<vmem>> -> memref<128x144xf32, #tpu.memory_space<vmem>>
      tpu.wait_dma2 semaphore(%run_scoped3A : memref<!tpu.dma_semaphore, #tpu.memory_space<semaphore_mem>>) src(%dma_wait3A_67 : memref<128x144xf32, #tpu.memory_space<vmem>>) dst(%dma_wait3A_64 : memref<128x144xf32, #tpu.memory_space<vmem_shared>>)
      tpu.yield
    }) : () -> ()
    %mul3A_7 = arith.constant 632 : i32
    %mul3A_8 = arith.muli %arg1, %mul3A_7 : i32
    %add3A_9 = arith.constant 128 : i32
    %add3A_10 = arith.addi %mul3A_8, %add3A_9 : i32
    "tpu.region"() ({
      %run_scoped3A = tpu.sem_alloc : memref<!tpu.dma_semaphore, #tpu.memory_space<semaphore_mem>>
      %dma_start3A = arith.constant 0 : i32
      %dma_start3A_50 = arith.constant 0 : i32
      %dma_start3A_51 = tpu.memref_slice %arg15[%dma_start3A, %dma_start3A_50] : memref<128x144xf32, #tpu.memory_space<vmem>> -> memref<128x144xf32, #tpu.memory_space<vmem>>
      %dma_start3A_52 = arith.constant 0 : i32
      %dma_start3A_53 = tpu.memref_slice %arg8[%add3A_10, %dma_start3A_52] : memref<10112x144xf32, #tpu.memory_space<vmem_shared>> -> memref<128x144xf32, #tpu.memory_space<vmem_shared>>
      %dma_start3A_54 = arith.constant 0 : i32
      %dma_start3A_55 = tpu.memref_slice %arg8[%add3A_10, %dma_start3A_54] : memref<10112x144xf32, #tpu.memory_space<vmem_shared>> -> memref<128x144xf32, #tpu.memory_space<vmem_shared>>
      %dma_start3A_56 = arith.constant 0 : i32
      %dma_start3A_57 = arith.constant 0 : i32
      %dma_start3A_58 = tpu.memref_slice %arg15[%dma_start3A_56, %dma_start3A_57] : memref<128x144xf32, #tpu.memory_space<vmem>> -> memref<128x144xf32, #tpu.memory_space<vmem>>
      tpu.enqueue_dma source(%dma_start3A_58 : memref<128x144xf32, #tpu.memory_space<vmem>>) target(%dma_start3A_55 : memref<128x144xf32, #tpu.memory_space<vmem_shared>>) target_semaphore(%run_scoped3A : memref<!tpu.dma_semaphore, #tpu.memory_space<semaphore_mem>>)
      %dma_wait3A = arith.constant 0 : i32
      %dma_wait3A_59 = arith.constant 0 : i32
      %dma_wait3A_60 = tpu.memref_slice %arg15[%dma_wait3A, %dma_wait3A_59] : memref<128x144xf32, #tpu.memory_space<vmem>> -> memref<128x144xf32, #tpu.memory_space<vmem>>
      %dma_wait3A_61 = arith.constant 0 : i32
      %dma_wait3A_62 = tpu.memref_slice %arg8[%add3A_10, %dma_wait3A_61] : memref<10112x144xf32, #tpu.memory_space<vmem_shared>> -> memref<128x144xf32, #tpu.memory_space<vmem_shared>>
      %dma_wait3A_63 = arith.constant 0 : i32
      %dma_wait3A_64 = tpu.memref_slice %arg8[%add3A_10, %dma_wait3A_63] : memref<10112x144xf32, #tpu.memory_space<vmem_shared>> -> memref<128x144xf32, #tpu.memory_space<vmem_shared>>
      %dma_wait3A_65 = arith.constant 0 : i32
      %dma_wait3A_66 = arith.constant 0 : i32
      %dma_wait3A_67 = tpu.memref_slice %arg15[%dma_wait3A_65, %dma_wait3A_66] : memref<128x144xf32, #tpu.memory_space<vmem>> -> memref<128x144xf32, #tpu.memory_space<vmem>>
      tpu.wait_dma2 semaphore(%run_scoped3A : memref<!tpu.dma_semaphore, #tpu.memory_space<semaphore_mem>>) src(%dma_wait3A_67 : memref<128x144xf32, #tpu.memory_space<vmem>>) dst(%dma_wait3A_64 : memref<128x144xf32, #tpu.memory_space<vmem_shared>>)
      tpu.yield
    }) : () -> ()
    %mul3A_11 = arith.constant 632 : i32
    %mul3A_12 = arith.muli %arg1, %mul3A_11 : i32
    %add3A_13 = arith.constant 256 : i32
    %add3A_14 = arith.addi %mul3A_12, %add3A_13 : i32
    "tpu.region"() ({
      %run_scoped3A = tpu.sem_alloc : memref<!tpu.dma_semaphore, #tpu.memory_space<semaphore_mem>>
      %dma_start3A = arith.constant 0 : i32
      %dma_start3A_50 = arith.constant 0 : i32
      %dma_start3A_51 = tpu.memref_slice %arg15[%dma_start3A, %dma_start3A_50] : memref<128x144xf32, #tpu.memory_space<vmem>> -> memref<128x144xf32, #tpu.memory_space<vmem>>
      %dma_start3A_52 = arith.constant 0 : i32
      %dma_start3A_53 = tpu.memref_slice %arg8[%add3A_14, %dma_start3A_52] : memref<10112x144xf32, #tpu.memory_space<vmem_shared>> -> memref<128x144xf32, #tpu.memory_space<vmem_shared>>
      %dma_start3A_54 = arith.constant 0 : i32
      %dma_start3A_55 = tpu.memref_slice %arg8[%add3A_14, %dma_start3A_54] : memref<10112x144xf32, #tpu.memory_space<vmem_shared>> -> memref<128x144xf32, #tpu.memory_space<vmem_shared>>
      %dma_start3A_56 = arith.constant 0 : i32
      %dma_start3A_57 = arith.constant 0 : i32
      %dma_start3A_58 = tpu.memref_slice %arg15[%dma_start3A_56, %dma_start3A_57] : memref<128x144xf32, #tpu.memory_space<vmem>> -> memref<128x144xf32, #tpu.memory_space<vmem>>
      tpu.enqueue_dma source(%dma_start3A_58 : memref<128x144xf32, #tpu.memory_space<vmem>>) target(%dma_start3A_55 : memref<128x144xf32, #tpu.memory_space<vmem_shared>>) target_semaphore(%run_scoped3A : memref<!tpu.dma_semaphore, #tpu.memory_space<semaphore_mem>>)
      %dma_wait3A = arith.constant 0 : i32
      %dma_wait3A_59 = arith.constant 0 : i32
      %dma_wait3A_60 = tpu.memref_slice %arg15[%dma_wait3A, %dma_wait3A_59] : memref<128x144xf32, #tpu.memory_space<vmem>> -> memref<128x144xf32, #tpu.memory_space<vmem>>
      %dma_wait3A_61 = arith.constant 0 : i32
      %dma_wait3A_62 = tpu.memref_slice %arg8[%add3A_14, %dma_wait3A_61] : memref<10112x144xf32, #tpu.memory_space<vmem_shared>> -> memref<128x144xf32, #tpu.memory_space<vmem_shared>>
      %dma_wait3A_63 = arith.constant 0 : i32
      %dma_wait3A_64 = tpu.memref_slice %arg8[%add3A_14, %dma_wait3A_63] : memref<10112x144xf32, #tpu.memory_space<vmem_shared>> -> memref<128x144xf32, #tpu.memory_space<vmem_shared>>
      %dma_wait3A_65 = arith.constant 0 : i32
      %dma_wait3A_66 = arith.constant 0 : i32
      %dma_wait3A_67 = tpu.memref_slice %arg15[%dma_wait3A_65, %dma_wait3A_66] : memref<128x144xf32, #tpu.memory_space<vmem>> -> memref<128x144xf32, #tpu.memory_space<vmem>>
      tpu.wait_dma2 semaphore(%run_scoped3A : memref<!tpu.dma_semaphore, #tpu.memory_space<semaphore_mem>>) src(%dma_wait3A_67 : memref<128x144xf32, #tpu.memory_space<vmem>>) dst(%dma_wait3A_64 : memref<128x144xf32, #tpu.memory_space<vmem_shared>>)
      tpu.yield
    }) : () -> ()
    %mul3A_15 = arith.constant 632 : i32
    %mul3A_16 = arith.muli %arg1, %mul3A_15 : i32
    %add3A_17 = arith.constant 384 : i32
    %add3A_18 = arith.addi %mul3A_16, %add3A_17 : i32
    "tpu.region"() ({
      %run_scoped3A = tpu.sem_alloc : memref<!tpu.dma_semaphore, #tpu.memory_space<semaphore_mem>>
      %dma_start3A = arith.constant 0 : i32
      %dma_start3A_50 = arith.constant 0 : i32
      %dma_start3A_51 = tpu.memref_slice %arg15[%dma_start3A, %dma_start3A_50] : memref<128x144xf32, #tpu.memory_space<vmem>> -> memref<128x144xf32, #tpu.memory_space<vmem>>
      %dma_start3A_52 = arith.constant 0 : i32
      %dma_start3A_53 = tpu.memref_slice %arg8[%add3A_18, %dma_start3A_52] : memref<10112x144xf32, #tpu.memory_space<vmem_shared>> -> memref<128x144xf32, #tpu.memory_space<vmem_shared>>
      %dma_start3A_54 = arith.constant 0 : i32
      %dma_start3A_55 = tpu.memref_slice %arg8[%add3A_18, %dma_start3A_54] : memref<10112x144xf32, #tpu.memory_space<vmem_shared>> -> memref<128x144xf32, #tpu.memory_space<vmem_shared>>
      %dma_start3A_56 = arith.constant 0 : i32
      %dma_start3A_57 = arith.constant 0 : i32
      %dma_start3A_58 = tpu.memref_slice %arg15[%dma_start3A_56, %dma_start3A_57] : memref<128x144xf32, #tpu.memory_space<vmem>> -> memref<128x144xf32, #tpu.memory_space<vmem>>
      tpu.enqueue_dma source(%dma_start3A_58 : memref<128x144xf32, #tpu.memory_space<vmem>>) target(%dma_start3A_55 : memref<128x144xf32, #tpu.memory_space<vmem_shared>>) target_semaphore(%run_scoped3A : memref<!tpu.dma_semaphore, #tpu.memory_space<semaphore_mem>>)
      %dma_wait3A = arith.constant 0 : i32
      %dma_wait3A_59 = arith.constant 0 : i32
      %dma_wait3A_60 = tpu.memref_slice %arg15[%dma_wait3A, %dma_wait3A_59] : memref<128x144xf32, #tpu.memory_space<vmem>> -> memref<128x144xf32, #tpu.memory_space<vmem>>
      %dma_wait3A_61 = arith.constant 0 : i32
      %dma_wait3A_62 = tpu.memref_slice %arg8[%add3A_18, %dma_wait3A_61] : memref<10112x144xf32, #tpu.memory_space<vmem_shared>> -> memref<128x144xf32, #tpu.memory_space<vmem_shared>>
      %dma_wait3A_63 = arith.constant 0 : i32
      %dma_wait3A_64 = tpu.memref_slice %arg8[%add3A_18, %dma_wait3A_63] : memref<10112x144xf32, #tpu.memory_space<vmem_shared>> -> memref<128x144xf32, #tpu.memory_space<vmem_shared>>
      %dma_wait3A_65 = arith.constant 0 : i32
      %dma_wait3A_66 = arith.constant 0 : i32
      %dma_wait3A_67 = tpu.memref_slice %arg15[%dma_wait3A_65, %dma_wait3A_66] : memref<128x144xf32, #tpu.memory_space<vmem>> -> memref<128x144xf32, #tpu.memory_space<vmem>>
      tpu.wait_dma2 semaphore(%run_scoped3A : memref<!tpu.dma_semaphore, #tpu.memory_space<semaphore_mem>>) src(%dma_wait3A_67 : memref<128x144xf32, #tpu.memory_space<vmem>>) dst(%dma_wait3A_64 : memref<128x144xf32, #tpu.memory_space<vmem_shared>>)
      tpu.yield
    }) : () -> ()
    %mul3A_19 = arith.constant 632 : i32
    %mul3A_20 = arith.muli %arg1, %mul3A_19 : i32
    %add3A_21 = arith.constant 512 : i32
    %add3A_22 = arith.addi %mul3A_20, %add3A_21 : i32
    "tpu.region"() ({
      %run_scoped3A = tpu.sem_alloc : memref<!tpu.dma_semaphore, #tpu.memory_space<semaphore_mem>>
      %dma_start3A = arith.constant 0 : i32
      %dma_start3A_50 = arith.constant 0 : i32
      %dma_start3A_51 = tpu.memref_slice %arg15[%dma_start3A, %dma_start3A_50] : memref<128x144xf32, #tpu.memory_space<vmem>> -> memref<120x144xf32, #tpu.memory_space<vmem>>
      %dma_start3A_52 = arith.constant 0 : i32
      %dma_start3A_53 = tpu.memref_slice %arg8[%add3A_22, %dma_start3A_52] : memref<10112x144xf32, #tpu.memory_space<vmem_shared>> -> memref<120x144xf32, #tpu.memory_space<vmem_shared>>
      %dma_start3A_54 = arith.constant 0 : i32
      %dma_start3A_55 = tpu.memref_slice %arg8[%add3A_22, %dma_start3A_54] : memref<10112x144xf32, #tpu.memory_space<vmem_shared>> -> memref<120x144xf32, #tpu.memory_space<vmem_shared>>
      %dma_start3A_56 = arith.constant 0 : i32
      %dma_start3A_57 = arith.constant 0 : i32
      %dma_start3A_58 = tpu.memref_slice %arg15[%dma_start3A_56, %dma_start3A_57] : memref<128x144xf32, #tpu.memory_space<vmem>> -> memref<120x144xf32, #tpu.memory_space<vmem>>
      tpu.enqueue_dma source(%dma_start3A_58 : memref<120x144xf32, #tpu.memory_space<vmem>>) target(%dma_start3A_55 : memref<120x144xf32, #tpu.memory_space<vmem_shared>>) target_semaphore(%run_scoped3A : memref<!tpu.dma_semaphore, #tpu.memory_space<semaphore_mem>>)
      %dma_wait3A = arith.constant 0 : i32
      %dma_wait3A_59 = arith.constant 0 : i32
      %dma_wait3A_60 = tpu.memref_slice %arg15[%dma_wait3A, %dma_wait3A_59] : memref<128x144xf32, #tpu.memory_space<vmem>> -> memref<120x144xf32, #tpu.memory_space<vmem>>
      %dma_wait3A_61 = arith.constant 0 : i32
      %dma_wait3A_62 = tpu.memref_slice %arg8[%add3A_22, %dma_wait3A_61] : memref<10112x144xf32, #tpu.memory_space<vmem_shared>> -> memref<120x144xf32, #tpu.memory_space<vmem_shared>>
      %dma_wait3A_63 = arith.constant 0 : i32
      %dma_wait3A_64 = tpu.memref_slice %arg8[%add3A_22, %dma_wait3A_63] : memref<10112x144xf32, #tpu.memory_space<vmem_shared>> -> memref<120x144xf32, #tpu.memory_space<vmem_shared>>
      %dma_wait3A_65 = arith.constant 0 : i32
      %dma_wait3A_66 = arith.constant 0 : i32
      %dma_wait3A_67 = tpu.memref_slice %arg15[%dma_wait3A_65, %dma_wait3A_66] : memref<128x144xf32, #tpu.memory_space<vmem>> -> memref<120x144xf32, #tpu.memory_space<vmem>>
      tpu.wait_dma2 semaphore(%run_scoped3A : memref<!tpu.dma_semaphore, #tpu.memory_space<semaphore_mem>>) src(%dma_wait3A_67 : memref<120x144xf32, #tpu.memory_space<vmem>>) dst(%dma_wait3A_64 : memref<120x144xf32, #tpu.memory_space<vmem_shared>>)
      tpu.yield
    }) : () -> ()
    %barrier3A = arith.constant 0 : index
    tpu.barrier barrier_id(%barrier3A)
    %scan3A_23 = arith.constant 0 : i32
    %scan3A_24 = arith.constant 0 : i32
    %scan3A_25 = arith.constant 157 : i32
    %scan3A_26 = arith.addi %scan3A_24, %scan3A_25 : i32
    %scan3A_27 = arith.constant 1 : i32
    scf.for %scan3A_50 = %scan3A_24 to %scan3A_26 step %scan3A_27  : i32 {
      %mul3A_51 = arith.constant 20096 : i32
      %mul3A_52 = arith.muli %arg1, %mul3A_51 : i32
      %mul3A_53 = arith.constant 128 : i32
      %mul3A_54 = arith.muli %scan3A_50, %mul3A_53 : i32
      %add3A_55 = arith.addi %mul3A_52, %mul3A_54 : i32
      "tpu.region"() ({
        %run_scoped3A = tpu.sem_alloc : memref<!tpu.dma_semaphore, #tpu.memory_space<semaphore_mem>>
        %dma_start3A_256 = tpu.memref_slice %arg5[%add3A_55] : memref<321536xi32, #tpu.memory_space<hbm>> -> memref<128xi32, #tpu.memory_space<hbm>>
        %dma_start3A_257 = tpu.memref_slice %arg5[%add3A_55] : memref<321536xi32, #tpu.memory_space<hbm>> -> memref<128xi32, #tpu.memory_space<hbm>>
        tpu.enqueue_dma source(%dma_start3A_257 : memref<128xi32, #tpu.memory_space<hbm>>) target(%arg11 : memref<128xi32, #tpu.memory_space<vmem>>) target_semaphore(%run_scoped3A : memref<!tpu.dma_semaphore, #tpu.memory_space<semaphore_mem>>)
        %dma_wait3A_258 = tpu.memref_slice %arg5[%add3A_55] : memref<321536xi32, #tpu.memory_space<hbm>> -> memref<128xi32, #tpu.memory_space<hbm>>
        %dma_wait3A_259 = tpu.memref_slice %arg5[%add3A_55] : memref<321536xi32, #tpu.memory_space<hbm>> -> memref<128xi32, #tpu.memory_space<hbm>>
        tpu.wait_dma2 semaphore(%run_scoped3A : memref<!tpu.dma_semaphore, #tpu.memory_space<semaphore_mem>>) src(%dma_wait3A_259 : memref<128xi32, #tpu.memory_space<hbm>>) dst(%arg11 : memref<128xi32, #tpu.memory_space<vmem>>)
        tpu.yield
      }) : () -> ()
      "tpu.region"() ({
        %run_scoped3A = tpu.sem_alloc : memref<!tpu.dma_semaphore, #tpu.memory_space<semaphore_mem>>
        %dma_start3A_256 = tpu.memref_slice %arg6[%add3A_55] : memref<321536xi32, #tpu.memory_space<hbm>> -> memref<128xi32, #tpu.memory_space<hbm>>
        %dma_start3A_257 = tpu.memref_slice %arg6[%add3A_55] : memref<321536xi32, #tpu.memory_space<hbm>> -> memref<128xi32, #tpu.memory_space<hbm>>
        tpu.enqueue_dma source(%dma_start3A_257 : memref<128xi32, #tpu.memory_space<hbm>>) target(%arg12 : memref<128xi32, #tpu.memory_space<vmem>>) target_semaphore(%run_scoped3A : memref<!tpu.dma_semaphore, #tpu.memory_space<semaphore_mem>>)
        %dma_wait3A_258 = tpu.memref_slice %arg6[%add3A_55] : memref<321536xi32, #tpu.memory_space<hbm>> -> memref<128xi32, #tpu.memory_space<hbm>>
        %dma_wait3A_259 = tpu.memref_slice %arg6[%add3A_55] : memref<321536xi32, #tpu.memory_space<hbm>> -> memref<128xi32, #tpu.memory_space<hbm>>
        tpu.wait_dma2 semaphore(%run_scoped3A : memref<!tpu.dma_semaphore, #tpu.memory_space<semaphore_mem>>) src(%dma_wait3A_259 : memref<128xi32, #tpu.memory_space<hbm>>) dst(%arg12 : memref<128xi32, #tpu.memory_space<vmem>>)
        tpu.yield
      }) : () -> ()
      %get3A = arith.constant 0 : index
      %get3A_56 = tpu.vector_load %arg11[%get3A] {strides = array<i32>} : memref<128xi32, #tpu.memory_space<vmem>>, vector<16xi32>,
      %mul3A_57 = arith.constant 10112 : i32
      %mul3A_58 = arith.muli %arg0, %mul3A_57 : i32
      %add3A_59 = vector.broadcast %mul3A_58 : i32 to vector<16xi32>
      %add3A_60 = arith.addi %get3A_56, %add3A_59 : vector<16xi32>
      %swap3A = arith.constant 0 : index
      %swap3A_61 = tpu.vector_load %arg13[%swap3A] {strides = array<i32>} : memref<128xi32, #tpu.memory_space<vmem>>, vector<16xi32>,
      tpu.vector_store %arg13[%swap3A], %add3A_60 {strides = array<i32>} : memref<128xi32, #tpu.memory_space<vmem>>, vector<16xi32>,
      %get3A_62 = arith.constant 16 : index
      %get3A_63 = tpu.vector_load %arg11[%get3A_62] {strides = array<i32>} : memref<128xi32, #tpu.memory_space<vmem>>, vector<16xi32>,
      %mul3A_64 = arith.constant 10112 : i32
      %mul3A_65 = arith.muli %arg0, %mul3A_64 : i32
      %add3A_66 = vector.broadcast %mul3A_65 : i32 to vector<16xi32>
      %add3A_67 = arith.addi %get3A_63, %add3A_66 : vector<16xi32>
      %swap3A_68 = arith.constant 16 : index
      %swap3A_69 = tpu.vector_load %arg13[%swap3A_68] {strides = array<i32>} : memref<128xi32, #tpu.memory_space<vmem>>, vector<16xi32>,
      tpu.vector_store %arg13[%swap3A_68], %add3A_67 {strides = array<i32>} : memref<128xi32, #tpu.memory_space<vmem>>, vector<16xi32>,
      %get3A_70 = arith.constant 32 : index
      %get3A_71 = tpu.vector_load %arg11[%get3A_70] {strides = array<i32>} : memref<128xi32, #tpu.memory_space<vmem>>, vector<16xi32>,
      %mul3A_72 = arith.constant 10112 : i32
      %mul3A_73 = arith.muli %arg0, %mul3A_72 : i32
      %add3A_74 = vector.broadcast %mul3A_73 : i32 to vector<16xi32>
      %add3A_75 = arith.addi %get3A_71, %add3A_74 : vector<16xi32>
      %swap3A_76 = arith.constant 32 : index
      %swap3A_77 = tpu.vector_load %arg13[%swap3A_76] {strides = array<i32>} : memref<128xi32, #tpu.memory_space<vmem>>, vector<16xi32>,
      tpu.vector_store %arg13[%swap3A_76], %add3A_75 {strides = array<i32>} : memref<128xi32, #tpu.memory_space<vmem>>, vector<16xi32>,
      %get3A_78 = arith.constant 48 : index
      %get3A_79 = tpu.vector_load %arg11[%get3A_78] {strides = array<i32>} : memref<128xi32, #tpu.memory_space<vmem>>, vector<16xi32>,
      %mul3A_80 = arith.constant 10112 : i32
      %mul3A_81 = arith.muli %arg0, %mul3A_80 : i32
      %add3A_82 = vector.broadcast %mul3A_81 : i32 to vector<16xi32>
      %add3A_83 = arith.addi %get3A_79, %add3A_82 : vector<16xi32>
      %swap3A_84 = arith.constant 48 : index
      %swap3A_85 = tpu.vector_load %arg13[%swap3A_84] {strides = array<i32>} : memref<128xi32, #tpu.memory_space<vmem>>, vector<16xi32>,
      tpu.vector_store %arg13[%swap3A_84], %add3A_83 {strides = array<i32>} : memref<128xi32, #tpu.memory_space<vmem>>, vector<16xi32>,
      %get3A_86 = arith.constant 64 : index
      %get3A_87 = tpu.vector_load %arg11[%get3A_86] {strides = array<i32>} : memref<128xi32, #tpu.memory_space<vmem>>, vector<16xi32>,
      %mul3A_88 = arith.constant 10112 : i32
      %mul3A_89 = arith.muli %arg0, %mul3A_88 : i32
      %add3A_90 = vector.broadcast %mul3A_89 : i32 to vector<16xi32>
      %add3A_91 = arith.addi %get3A_87, %add3A_90 : vector<16xi32>
      %swap3A_92 = arith.constant 64 : index
      %swap3A_93 = tpu.vector_load %arg13[%swap3A_92] {strides = array<i32>} : memref<128xi32, #tpu.memory_space<vmem>>, vector<16xi32>,
      tpu.vector_store %arg13[%swap3A_92], %add3A_91 {strides = array<i32>} : memref<128xi32, #tpu.memory_space<vmem>>, vector<16xi32>,
      %get3A_94 = arith.constant 80 : index
      %get3A_95 = tpu.vector_load %arg11[%get3A_94] {strides = array<i32>} : memref<128xi32, #tpu.memory_space<vmem>>, vector<16xi32>,
      %mul3A_96 = arith.constant 10112 : i32
      %mul3A_97 = arith.muli %arg0, %mul3A_96 : i32
      %add3A_98 = vector.broadcast %mul3A_97 : i32 to vector<16xi32>
      %add3A_99 = arith.addi %get3A_95, %add3A_98 : vector<16xi32>
      %swap3A_100 = arith.constant 80 : index
      %swap3A_101 = tpu.vector_load %arg13[%swap3A_100] {strides = array<i32>} : memref<128xi32, #tpu.memory_space<vmem>>, vector<16xi32>,
      tpu.vector_store %arg13[%swap3A_100], %add3A_99 {strides = array<i32>} : memref<128xi32, #tpu.memory_space<vmem>>, vector<16xi32>,
      %get3A_102 = arith.constant 96 : index
      %get3A_103 = tpu.vector_load %arg11[%get3A_102] {strides = array<i32>} : memref<128xi32, #tpu.memory_space<vmem>>, vector<16xi32>,
      %mul3A_104 = arith.constant 10112 : i32
      %mul3A_105 = arith.muli %arg0, %mul3A_104 : i32
      %add3A_106 = vector.broadcast %mul3A_105 : i32 to vector<16xi32>
      %add3A_107 = arith.addi %get3A_103, %add3A_106 : vector<16xi32>
      %swap3A_108 = arith.constant 96 : index
      %swap3A_109 = tpu.vector_load %arg13[%swap3A_108] {strides = array<i32>} : memref<128xi32, #tpu.memory_space<vmem>>, vector<16xi32>,
      tpu.vector_store %arg13[%swap3A_108], %add3A_107 {strides = array<i32>} : memref<128xi32, #tpu.memory_space<vmem>>, vector<16xi32>,
      %get3A_110 = arith.constant 112 : index
      %get3A_111 = tpu.vector_load %arg11[%get3A_110] {strides = array<i32>} : memref<128xi32, #tpu.memory_space<vmem>>, vector<16xi32>,
      %mul3A_112 = arith.constant 10112 : i32
      %mul3A_113 = arith.muli %arg0, %mul3A_112 : i32
      %add3A_114 = vector.broadcast %mul3A_113 : i32 to vector<16xi32>
      %add3A_115 = arith.addi %get3A_111, %add3A_114 : vector<16xi32>
      %swap3A_116 = arith.constant 112 : index
      %swap3A_117 = tpu.vector_load %arg13[%swap3A_116] {strides = array<i32>} : memref<128xi32, #tpu.memory_space<vmem>>, vector<16xi32>,
      tpu.vector_store %arg13[%swap3A_116], %add3A_115 {strides = array<i32>} : memref<128xi32, #tpu.memory_space<vmem>>, vector<16xi32>,
      %dma_start3A = arith.constant 0 : i32
      %dma_start3A_118 = arith.constant 0 : i32
      %dma_start3A_119 = tpu.memref_slice %arg2[%dma_start3A, %dma_start3A_118] : memref<20224x144xf32, #tpu.memory_space<hbm>> -> memref<20224x144xf32, #tpu.memory_space<hbm>>
      tpu.enqueue_indirect_dma source(%dma_start3A_119 : memref<20224x144xf32, #tpu.memory_space<hbm>>) target(%arg15 : memref<128x144xf32, #tpu.memory_space<vmem>>) offsets(%arg13 : memref<128xi32, #tpu.memory_space<vmem>>) semaphore(%arg16 : memref<!tpu.dma_semaphore, #tpu.memory_space<semaphore_mem>>)
      %get3A_120 = arith.constant 0 : index
      %get3A_121 = tpu.vector_load %arg11[%get3A_120] {strides = array<i32>} : memref<128xi32, #tpu.memory_space<vmem>>, vector<16xi32>,
      %gather3A = tpu.vector_load_idx %arg9[%get3A_121] : memref<10016xf32, #tpu.memory_space<vmem>>[vector<16xi32>], vector<16xf32>,
      %get3A_122 = arith.constant 0 : index
      %get3A_123 = tpu.vector_load %arg12[%get3A_122] {strides = array<i32>} : memref<128xi32, #tpu.memory_space<vmem>>, vector<16xi32>,
      %gather3A_124 = tpu.vector_load_idx %arg10[%get3A_123] : memref<10016xf32, #tpu.memory_space<vmem>>[vector<16xi32>], vector<16xf32>,
      %add3A_125 = arith.addf %gather3A, %gather3A_124 : vector<16xf32>
      %lt3A = arith.constant 0.000000e+00 : f32
      %lt3A_126 = vector.broadcast %lt3A : f32 to vector<16xf32>
      %lt3A_127 = arith.cmpf olt, %add3A_125, %lt3A_126 : vector<16xf32>
      %mul3A_128 = arith.constant 2.000000e-01 : f32
      %mul3A_129 = vector.broadcast %mul3A_128 : f32 to vector<16xf32>
      %mul3A_130 = arith.mulf %mul3A_129, %add3A_125 : vector<16xf32>
      %select_n3A = arith.select %lt3A_127, %mul3A_130, %add3A_125 : vector<16xi1>, vector<16xf32>
      %exp3A = math.exp %select_n3A : vector<16xf32>
      %swap3A_131 = arith.constant 0 : index
      %swap3A_132 = tpu.vector_load %arg14[%swap3A_131] {strides = array<i32>} : memref<144xf32, #tpu.memory_space<vmem>>, vector<16xf32>,
      tpu.vector_store %arg14[%swap3A_131], %exp3A {strides = array<i32>} : memref<144xf32, #tpu.memory_space<vmem>>, vector<16xf32>,
      %get3A_133 = arith.constant 16 : index
      %get3A_134 = tpu.vector_load %arg11[%get3A_133] {strides = array<i32>} : memref<128xi32, #tpu.memory_space<vmem>>, vector<16xi32>,
      %gather3A_135 = tpu.vector_load_idx %arg9[%get3A_134] : memref<10016xf32, #tpu.memory_space<vmem>>[vector<16xi32>], vector<16xf32>,
      %get3A_136 = arith.constant 16 : index
      %get3A_137 = tpu.vector_load %arg12[%get3A_136] {strides = array<i32>} : memref<128xi32, #tpu.memory_space<vmem>>, vector<16xi32>,
      %gather3A_138 = tpu.vector_load_idx %arg10[%get3A_137] : memref<10016xf32, #tpu.memory_space<vmem>>[vector<16xi32>], vector<16xf32>,
      %add3A_139 = arith.addf %gather3A_135, %gather3A_138 : vector<16xf32>
      %lt3A_140 = arith.constant 0.000000e+00 : f32
      %lt3A_141 = vector.broadcast %lt3A_140 : f32 to vector<16xf32>
      %lt3A_142 = arith.cmpf olt, %add3A_139, %lt3A_141 : vector<16xf32>
      %mul3A_143 = arith.constant 2.000000e-01 : f32
      %mul3A_144 = vector.broadcast %mul3A_143 : f32 to vector<16xf32>
      %mul3A_145 = arith.mulf %mul3A_144, %add3A_139 : vector<16xf32>
      %select_n3A_146 = arith.select %lt3A_142, %mul3A_145, %add3A_139 : vector<16xi1>, vector<16xf32>
      %exp3A_147 = math.exp %select_n3A_146 : vector<16xf32>
      %swap3A_148 = arith.constant 16 : index
      %swap3A_149 = tpu.vector_load %arg14[%swap3A_148] {strides = array<i32>} : memref<144xf32, #tpu.memory_space<vmem>>, vector<16xf32>,
      tpu.vector_store %arg14[%swap3A_148], %exp3A_147 {strides = array<i32>} : memref<144xf32, #tpu.memory_space<vmem>>, vector<16xf32>,
      %get3A_150 = arith.constant 32 : index
      %get3A_151 = tpu.vector_load %arg11[%get3A_150] {strides = array<i32>} : memref<128xi32, #tpu.memory_space<vmem>>, vector<16xi32>,
      %gather3A_152 = tpu.vector_load_idx %arg9[%get3A_151] : memref<10016xf32, #tpu.memory_space<vmem>>[vector<16xi32>], vector<16xf32>,
      %get3A_153 = arith.constant 32 : index
      %get3A_154 = tpu.vector_load %arg12[%get3A_153] {strides = array<i32>} : memref<128xi32, #tpu.memory_space<vmem>>, vector<16xi32>,
      %gather3A_155 = tpu.vector_load_idx %arg10[%get3A_154] : memref<10016xf32, #tpu.memory_space<vmem>>[vector<16xi32>], vector<16xf32>,
      %add3A_156 = arith.addf %gather3A_152, %gather3A_155 : vector<16xf32>
      %lt3A_157 = arith.constant 0.000000e+00 : f32
      %lt3A_158 = vector.broadcast %lt3A_157 : f32 to vector<16xf32>
      %lt3A_159 = arith.cmpf olt, %add3A_156, %lt3A_158 : vector<16xf32>
      %mul3A_160 = arith.constant 2.000000e-01 : f32
      %mul3A_161 = vector.broadcast %mul3A_160 : f32 to vector<16xf32>
      %mul3A_162 = arith.mulf %mul3A_161, %add3A_156 : vector<16xf32>
      %select_n3A_163 = arith.select %lt3A_159, %mul3A_162, %add3A_156 : vector<16xi1>, vector<16xf32>
      %exp3A_164 = math.exp %select_n3A_163 : vector<16xf32>
      %swap3A_165 = arith.constant 32 : index
      %swap3A_166 = tpu.vector_load %arg14[%swap3A_165] {strides = array<i32>} : memref<144xf32, #tpu.memory_space<vmem>>, vector<16xf32>,
      tpu.vector_store %arg14[%swap3A_165], %exp3A_164 {strides = array<i32>} : memref<144xf32, #tpu.memory_space<vmem>>, vector<16xf32>,
      %get3A_167 = arith.constant 48 : index
      %get3A_168 = tpu.vector_load %arg11[%get3A_167] {strides = array<i32>} : memref<128xi32, #tpu.memory_space<vmem>>, vector<16xi32>,
      %gather3A_169 = tpu.vector_load_idx %arg9[%get3A_168] : memref<10016xf32, #tpu.memory_space<vmem>>[vector<16xi32>], vector<16xf32>,
      %get3A_170 = arith.constant 48 : index
      %get3A_171 = tpu.vector_load %arg12[%get3A_170] {strides = array<i32>} : memref<128xi32, #tpu.memory_space<vmem>>, vector<16xi32>,
      %gather3A_172 = tpu.vector_load_idx %arg10[%get3A_171] : memref<10016xf32, #tpu.memory_space<vmem>>[vector<16xi32>], vector<16xf32>,
      %add3A_173 = arith.addf %gather3A_169, %gather3A_172 : vector<16xf32>
      %lt3A_174 = arith.constant 0.000000e+00 : f32
      %lt3A_175 = vector.broadcast %lt3A_174 : f32 to vector<16xf32>
      %lt3A_176 = arith.cmpf olt, %add3A_173, %lt3A_175 : vector<16xf32>
      %mul3A_177 = arith.constant 2.000000e-01 : f32
      %mul3A_178 = vector.broadcast %mul3A_177 : f32 to vector<16xf32>
      %mul3A_179 = arith.mulf %mul3A_178, %add3A_173 : vector<16xf32>
      %select_n3A_180 = arith.select %lt3A_176, %mul3A_179, %add3A_173 : vector<16xi1>, vector<16xf32>
      %exp3A_181 = math.exp %select_n3A_180 : vector<16xf32>
      %swap3A_182 = arith.constant 48 : index
      %swap3A_183 = tpu.vector_load %arg14[%swap3A_182] {strides = array<i32>} : memref<144xf32, #tpu.memory_space<vmem>>, vector<16xf32>,
      tpu.vector_store %arg14[%swap3A_182], %exp3A_181 {strides = array<i32>} : memref<144xf32, #tpu.memory_space<vmem>>, vector<16xf32>,
      %get3A_184 = arith.constant 64 : index
      %get3A_185 = tpu.vector_load %arg11[%get3A_184] {strides = array<i32>} : memref<128xi32, #tpu.memory_space<vmem>>, vector<16xi32>,
      %gather3A_186 = tpu.vector_load_idx %arg9[%get3A_185] : memref<10016xf32, #tpu.memory_space<vmem>>[vector<16xi32>], vector<16xf32>,
      %get3A_187 = arith.constant 64 : index
      %get3A_188 = tpu.vector_load %arg12[%get3A_187] {strides = array<i32>} : memref<128xi32, #tpu.memory_space<vmem>>, vector<16xi32>,
      %gather3A_189 = tpu.vector_load_idx %arg10[%get3A_188] : memref<10016xf32, #tpu.memory_space<vmem>>[vector<16xi32>], vector<16xf32>,
      %add3A_190 = arith.addf %gather3A_186, %gather3A_189 : vector<16xf32>
      %lt3A_191 = arith.constant 0.000000e+00 : f32
      %lt3A_192 = vector.broadcast %lt3A_191 : f32 to vector<16xf32>
      %lt3A_193 = arith.cmpf olt, %add3A_190, %lt3A_192 : vector<16xf32>
      %mul3A_194 = arith.constant 2.000000e-01 : f32
      %mul3A_195 = vector.broadcast %mul3A_194 : f32 to vector<16xf32>
      %mul3A_196 = arith.mulf %mul3A_195, %add3A_190 : vector<16xf32>
      %select_n3A_197 = arith.select %lt3A_193, %mul3A_196, %add3A_190 : vector<16xi1>, vector<16xf32>
      %exp3A_198 = math.exp %select_n3A_197 : vector<16xf32>
      %swap3A_199 = arith.constant 64 : index
      %swap3A_200 = tpu.vector_load %arg14[%swap3A_199] {strides = array<i32>} : memref<144xf32, #tpu.memory_space<vmem>>, vector<16xf32>,
      tpu.vector_store %arg14[%swap3A_199], %exp3A_198 {strides = array<i32>} : memref<144xf32, #tpu.memory_space<vmem>>, vector<16xf32>,
      %get3A_201 = arith.constant 80 : index
      %get3A_202 = tpu.vector_load %arg11[%get3A_201] {strides = array<i32>} : memref<128xi32, #tpu.memory_space<vmem>>, vector<16xi32>,
      %gather3A_203 = tpu.vector_load_idx %arg9[%get3A_202] : memref<10016xf32, #tpu.memory_space<vmem>>[vector<16xi32>], vector<16xf32>,
      %get3A_204 = arith.constant 80 : index
      %get3A_205 = tpu.vector_load %arg12[%get3A_204] {strides = array<i32>} : memref<128xi32, #tpu.memory_space<vmem>>, vector<16xi32>,
      %gather3A_206 = tpu.vector_load_idx %arg10[%get3A_205] : memref<10016xf32, #tpu.memory_space<vmem>>[vector<16xi32>], vector<16xf32>,
      %add3A_207 = arith.addf %gather3A_203, %gather3A_206 : vector<16xf32>
      %lt3A_208 = arith.constant 0.000000e+00 : f32
      %lt3A_209 = vector.broadcast %lt3A_208 : f32 to vector<16xf32>
      %lt3A_210 = arith.cmpf olt, %add3A_207, %lt3A_209 : vector<16xf32>
      %mul3A_211 = arith.constant 2.000000e-01 : f32
      %mul3A_212 = vector.broadcast %mul3A_211 : f32 to vector<16xf32>
      %mul3A_213 = arith.mulf %mul3A_212, %add3A_207 : vector<16xf32>
      %select_n3A_214 = arith.select %lt3A_210, %mul3A_213, %add3A_207 : vector<16xi1>, vector<16xf32>
      %exp3A_215 = math.exp %select_n3A_214 : vector<16xf32>
      %swap3A_216 = arith.constant 80 : index
      %swap3A_217 = tpu.vector_load %arg14[%swap3A_216] {strides = array<i32>} : memref<144xf32, #tpu.memory_space<vmem>>, vector<16xf32>,
      tpu.vector_store %arg14[%swap3A_216], %exp3A_215 {strides = array<i32>} : memref<144xf32, #tpu.memory_space<vmem>>, vector<16xf32>,
      %get3A_218 = arith.constant 96 : index
      %get3A_219 = tpu.vector_load %arg11[%get3A_218] {strides = array<i32>} : memref<128xi32, #tpu.memory_space<vmem>>, vector<16xi32>,
      %gather3A_220 = tpu.vector_load_idx %arg9[%get3A_219] : memref<10016xf32, #tpu.memory_space<vmem>>[vector<16xi32>], vector<16xf32>,
      %get3A_221 = arith.constant 96 : index
      %get3A_222 = tpu.vector_load %arg12[%get3A_221] {strides = array<i32>} : memref<128xi32, #tpu.memory_space<vmem>>, vector<16xi32>,
      %gather3A_223 = tpu.vector_load_idx %arg10[%get3A_222] : memref<10016xf32, #tpu.memory_space<vmem>>[vector<16xi32>], vector<16xf32>,
      %add3A_224 = arith.addf %gather3A_220, %gather3A_223 : vector<16xf32>
      %lt3A_225 = arith.constant 0.000000e+00 : f32
      %lt3A_226 = vector.broadcast %lt3A_225 : f32 to vector<16xf32>
      %lt3A_227 = arith.cmpf olt, %add3A_224, %lt3A_226 : vector<16xf32>
      %mul3A_228 = arith.constant 2.000000e-01 : f32
      %mul3A_229 = vector.broadcast %mul3A_228 : f32 to vector<16xf32>
      %mul3A_230 = arith.mulf %mul3A_229, %add3A_224 : vector<16xf32>
      %select_n3A_231 = arith.select %lt3A_227, %mul3A_230, %add3A_224 : vector<16xi1>, vector<16xf32>
      %exp3A_232 = math.exp %select_n3A_231 : vector<16xf32>
      %swap3A_233 = arith.constant 96 : index
      %swap3A_234 = tpu.vector_load %arg14[%swap3A_233] {strides = array<i32>} : memref<144xf32, #tpu.memory_space<vmem>>, vector<16xf32>,
      tpu.vector_store %arg14[%swap3A_233], %exp3A_232 {strides = array<i32>} : memref<144xf32, #tpu.memory_space<vmem>>, vector<16xf32>,
      %get3A_235 = arith.constant 112 : index
      %get3A_236 = tpu.vector_load %arg11[%get3A_235] {strides = array<i32>} : memref<128xi32, #tpu.memory_space<vmem>>, vector<16xi32>,
      %gather3A_237 = tpu.vector_load_idx %arg9[%get3A_236] : memref<10016xf32, #tpu.memory_space<vmem>>[vector<16xi32>], vector<16xf32>,
      %get3A_238 = arith.constant 112 : index
      %get3A_239 = tpu.vector_load %arg12[%get3A_238] {strides = array<i32>} : memref<128xi32, #tpu.memory_space<vmem>>, vector<16xi32>,
      %gather3A_240 = tpu.vector_load_idx %arg10[%get3A_239] : memref<10016xf32, #tpu.memory_space<vmem>>[vector<16xi32>], vector<16xf32>,
      %add3A_241 = arith.addf %gather3A_237, %gather3A_240 : vector<16xf32>
      %lt3A_242 = arith.constant 0.000000e+00 : f32
      %lt3A_243 = vector.broadcast %lt3A_242 : f32 to vector<16xf32>
      %lt3A_244 = arith.cmpf olt, %add3A_241, %lt3A_243 : vector<16xf32>
      %mul3A_245 = arith.constant 2.000000e-01 : f32
      %mul3A_246 = vector.broadcast %mul3A_245 : f32 to vector<16xf32>
      %mul3A_247 = arith.mulf %mul3A_246, %add3A_241 : vector<16xf32>
      %select_n3A_248 = arith.select %lt3A_244, %mul3A_247, %add3A_241 : vector<16xi1>, vector<16xf32>
      %exp3A_249 = math.exp %select_n3A_248 : vector<16xf32>
      %swap3A_250 = arith.constant 112 : index
      %swap3A_251 = tpu.vector_load %arg14[%swap3A_250] {strides = array<i32>} : memref<144xf32, #tpu.memory_space<vmem>>, vector<16xf32>,
      tpu.vector_store %arg14[%swap3A_250], %exp3A_249 {strides = array<i32>} : memref<144xf32, #tpu.memory_space<vmem>>, vector<16xf32>,
      %dma_wait3A = arith.constant 0 : i32
      %dma_wait3A_252 = arith.constant 0 : i32
      %dma_wait3A_253 = tpu.memref_slice %arg2[%dma_wait3A, %dma_wait3A_252] : memref<20224x144xf32, #tpu.memory_space<hbm>> -> memref<20224x144xf32, #tpu.memory_space<hbm>>
      tpu.wait_indirect_dma semaphore(%arg16 : memref<!tpu.dma_semaphore, #tpu.memory_space<semaphore_mem>>) src(%dma_wait3A_253 : memref<20224x144xf32, #tpu.memory_space<hbm>>) dst(%arg15 : memref<128x144xf32, #tpu.memory_space<vmem>>)
      %parallel_loop3A = arith.constant 0 : i32
      %parallel_loop3A_254 = arith.constant 128 : i32
      %parallel_loop3A_255 = arith.constant 1 : i32
      scf.for %parallel_loop3A_256 = %parallel_loop3A to %parallel_loop3A_254 step %parallel_loop3A_255  : i32 {
        %parallel_loop3A_257 = arith.index_cast %parallel_loop3A_256 : i32 to index
        %parallel_loop3A_258 = tpu.vector_load %arg14[%parallel_loop3A_257] {strides = array<i32>} : memref<144xf32, #tpu.memory_space<vmem>>, vector<16xf32>,
        %parallel_loop3A_259 = vector.extract_strided_slice %parallel_loop3A_258 {offsets = [0], sizes = [1], strides = [1]} : vector<16xf32> to vector<1xf32>
        %parallel_loop3A_260 = vector.extract %parallel_loop3A_259[0] : f32 from vector<1xf32>
        %parallel_loop3A_261 = arith.index_cast %parallel_loop3A_256 : i32 to index
        %parallel_loop3A_262 = arith.constant 0 : index
        %parallel_loop3A_263 = tpu.vector_load %arg15[%parallel_loop3A_261, %parallel_loop3A_262] {strides = array<i32>} : memref<128x144xf32, #tpu.memory_space<vmem>>, vector<16xf32>,
        %parallel_loop3A_264 = vector.broadcast %parallel_loop3A_260 : f32 to vector<16xf32>
        %parallel_loop3A_265 = arith.mulf %parallel_loop3A_263, %parallel_loop3A_264 : vector<16xf32>
        %parallel_loop3A_266 = arith.index_cast %parallel_loop3A_256 : i32 to index
        %parallel_loop3A_267 = arith.constant 0 : index
        %parallel_loop3A_268 = tpu.vector_load %arg15[%parallel_loop3A_266, %parallel_loop3A_267] {strides = array<i32>} : memref<128x144xf32, #tpu.memory_space<vmem>>, vector<16xf32>,
        tpu.vector_store %arg15[%parallel_loop3A_266, %parallel_loop3A_267], %parallel_loop3A_265 {strides = array<i32>} : memref<128x144xf32, #tpu.memory_space<vmem>>, vector<16xf32>,
        %parallel_loop3A_269 = arith.index_cast %parallel_loop3A_256 : i32 to index
        %parallel_loop3A_270 = arith.constant 16 : index
        %parallel_loop3A_271 = tpu.vector_load %arg15[%parallel_loop3A_269, %parallel_loop3A_270] {strides = array<i32>} : memref<128x144xf32, #tpu.memory_space<vmem>>, vector<16xf32>,
        %parallel_loop3A_272 = vector.broadcast %parallel_loop3A_260 : f32 to vector<16xf32>
        %parallel_loop3A_273 = arith.mulf %parallel_loop3A_271, %parallel_loop3A_272 : vector<16xf32>
        %parallel_loop3A_274 = arith.index_cast %parallel_loop3A_256 : i32 to index
        %parallel_loop3A_275 = arith.constant 16 : index
        %parallel_loop3A_276 = tpu.vector_load %arg15[%parallel_loop3A_274, %parallel_loop3A_275] {strides = array<i32>} : memref<128x144xf32, #tpu.memory_space<vmem>>, vector<16xf32>,
        tpu.vector_store %arg15[%parallel_loop3A_274, %parallel_loop3A_275], %parallel_loop3A_273 {strides = array<i32>} : memref<128x144xf32, #tpu.memory_space<vmem>>, vector<16xf32>,
        %parallel_loop3A_277 = arith.index_cast %parallel_loop3A_256 : i32 to index
        %parallel_loop3A_278 = arith.constant 32 : index
        %parallel_loop3A_279 = tpu.vector_load %arg15[%parallel_loop3A_277, %parallel_loop3A_278] {strides = array<i32>} : memref<128x144xf32, #tpu.memory_space<vmem>>, vector<16xf32>,
        %parallel_loop3A_280 = vector.broadcast %parallel_loop3A_260 : f32 to vector<16xf32>
        %parallel_loop3A_281 = arith.mulf %parallel_loop3A_279, %parallel_loop3A_280 : vector<16xf32>
        %parallel_loop3A_282 = arith.index_cast %parallel_loop3A_256 : i32 to index
        %parallel_loop3A_283 = arith.constant 32 : index
        %parallel_loop3A_284 = tpu.vector_load %arg15[%parallel_loop3A_282, %parallel_loop3A_283] {strides = array<i32>} : memref<128x144xf32, #tpu.memory_space<vmem>>, vector<16xf32>,
        tpu.vector_store %arg15[%parallel_loop3A_282, %parallel_loop3A_283], %parallel_loop3A_281 {strides = array<i32>} : memref<128x144xf32, #tpu.memory_space<vmem>>, vector<16xf32>,
        %parallel_loop3A_285 = arith.index_cast %parallel_loop3A_256 : i32 to index
        %parallel_loop3A_286 = arith.constant 48 : index
        %parallel_loop3A_287 = tpu.vector_load %arg15[%parallel_loop3A_285, %parallel_loop3A_286] {strides = array<i32>} : memref<128x144xf32, #tpu.memory_space<vmem>>, vector<16xf32>,
        %parallel_loop3A_288 = vector.broadcast %parallel_loop3A_260 : f32 to vector<16xf32>
        %parallel_loop3A_289 = arith.mulf %parallel_loop3A_287, %parallel_loop3A_288 : vector<16xf32>
        %parallel_loop3A_290 = arith.index_cast %parallel_loop3A_256 : i32 to index
        %parallel_loop3A_291 = arith.constant 48 : index
        %parallel_loop3A_292 = tpu.vector_load %arg15[%parallel_loop3A_290, %parallel_loop3A_291] {strides = array<i32>} : memref<128x144xf32, #tpu.memory_space<vmem>>, vector<16xf32>,
        tpu.vector_store %arg15[%parallel_loop3A_290, %parallel_loop3A_291], %parallel_loop3A_289 {strides = array<i32>} : memref<128x144xf32, #tpu.memory_space<vmem>>, vector<16xf32>,
        %parallel_loop3A_293 = arith.index_cast %parallel_loop3A_256 : i32 to index
        %parallel_loop3A_294 = arith.constant 64 : index
        %parallel_loop3A_295 = tpu.vector_load %arg15[%parallel_loop3A_293, %parallel_loop3A_294] {strides = array<i32>} : memref<128x144xf32, #tpu.memory_space<vmem>>, vector<16xf32>,
        %parallel_loop3A_296 = vector.broadcast %parallel_loop3A_260 : f32 to vector<16xf32>
        %parallel_loop3A_297 = arith.mulf %parallel_loop3A_295, %parallel_loop3A_296 : vector<16xf32>
        %parallel_loop3A_298 = arith.index_cast %parallel_loop3A_256 : i32 to index
        %parallel_loop3A_299 = arith.constant 64 : index
        %parallel_loop3A_300 = tpu.vector_load %arg15[%parallel_loop3A_298, %parallel_loop3A_299] {strides = array<i32>} : memref<128x144xf32, #tpu.memory_space<vmem>>, vector<16xf32>,
        tpu.vector_store %arg15[%parallel_loop3A_298, %parallel_loop3A_299], %parallel_loop3A_297 {strides = array<i32>} : memref<128x144xf32, #tpu.memory_space<vmem>>, vector<16xf32>,
        %parallel_loop3A_301 = arith.index_cast %parallel_loop3A_256 : i32 to index
        %parallel_loop3A_302 = arith.constant 80 : index
        %parallel_loop3A_303 = tpu.vector_load %arg15[%parallel_loop3A_301, %parallel_loop3A_302] {strides = array<i32>} : memref<128x144xf32, #tpu.memory_space<vmem>>, vector<16xf32>,
        %parallel_loop3A_304 = vector.broadcast %parallel_loop3A_260 : f32 to vector<16xf32>
        %parallel_loop3A_305 = arith.mulf %parallel_loop3A_303, %parallel_loop3A_304 : vector<16xf32>
        %parallel_loop3A_306 = arith.index_cast %parallel_loop3A_256 : i32 to index
        %parallel_loop3A_307 = arith.constant 80 : index
        %parallel_loop3A_308 = tpu.vector_load %arg15[%parallel_loop3A_306, %parallel_loop3A_307] {strides = array<i32>} : memref<128x144xf32, #tpu.memory_space<vmem>>, vector<16xf32>,
        tpu.vector_store %arg15[%parallel_loop3A_306, %parallel_loop3A_307], %parallel_loop3A_305 {strides = array<i32>} : memref<128x144xf32, #tpu.memory_space<vmem>>, vector<16xf32>,
        %parallel_loop3A_309 = arith.index_cast %parallel_loop3A_256 : i32 to index
        %parallel_loop3A_310 = arith.constant 96 : index
        %parallel_loop3A_311 = tpu.vector_load %arg15[%parallel_loop3A_309, %parallel_loop3A_310] {strides = array<i32>} : memref<128x144xf32, #tpu.memory_space<vmem>>, vector<16xf32>,
        %parallel_loop3A_312 = vector.broadcast %parallel_loop3A_260 : f32 to vector<16xf32>
        %parallel_loop3A_313 = arith.mulf %parallel_loop3A_311, %parallel_loop3A_312 : vector<16xf32>
        %parallel_loop3A_314 = arith.index_cast %parallel_loop3A_256 : i32 to index
        %parallel_loop3A_315 = arith.constant 96 : index
        %parallel_loop3A_316 = tpu.vector_load %arg15[%parallel_loop3A_314, %parallel_loop3A_315] {strides = array<i32>} : memref<128x144xf32, #tpu.memory_space<vmem>>, vector<16xf32>,
        tpu.vector_store %arg15[%parallel_loop3A_314, %parallel_loop3A_315], %parallel_loop3A_313 {strides = array<i32>} : memref<128x144xf32, #tpu.memory_space<vmem>>, vector<16xf32>,
        %parallel_loop3A_317 = arith.index_cast %parallel_loop3A_256 : i32 to index
        %parallel_loop3A_318 = arith.constant 112 : index
        %parallel_loop3A_319 = tpu.vector_load %arg15[%parallel_loop3A_317, %parallel_loop3A_318] {strides = array<i32>} : memref<128x144xf32, #tpu.memory_space<vmem>>, vector<16xf32>,
        %parallel_loop3A_320 = vector.broadcast %parallel_loop3A_260 : f32 to vector<16xf32>
        %parallel_loop3A_321 = arith.mulf %parallel_loop3A_319, %parallel_loop3A_320 : vector<16xf32>
        %parallel_loop3A_322 = arith.index_cast %parallel_loop3A_256 : i32 to index
        %parallel_loop3A_323 = arith.constant 112 : index
        %parallel_loop3A_324 = tpu.vector_load %arg15[%parallel_loop3A_322, %parallel_loop3A_323] {strides = array<i32>} : memref<128x144xf32, #tpu.memory_space<vmem>>, vector<16xf32>,
        tpu.vector_store %arg15[%parallel_loop3A_322, %parallel_loop3A_323], %parallel_loop3A_321 {strides = array<i32>} : memref<128x144xf32, #tpu.memory_space<vmem>>, vector<16xf32>,
        %parallel_loop3A_325 = arith.index_cast %parallel_loop3A_256 : i32 to index
        %parallel_loop3A_326 = arith.constant 128 : index
        %parallel_loop3A_327 = tpu.vector_load %arg15[%parallel_loop3A_325, %parallel_loop3A_326] {strides = array<i32>} : memref<128x144xf32, #tpu.memory_space<vmem>>, vector<16xf32>,
        %parallel_loop3A_328 = vector.broadcast %parallel_loop3A_260 : f32 to vector<16xf32>
        %parallel_loop3A_329 = arith.mulf %parallel_loop3A_327, %parallel_loop3A_328 : vector<16xf32>
        %parallel_loop3A_330 = arith.index_cast %parallel_loop3A_256 : i32 to index
        %parallel_loop3A_331 = arith.constant 128 : index
        %parallel_loop3A_332 = tpu.vector_load %arg15[%parallel_loop3A_330, %parallel_loop3A_331] {strides = array<i32>} : memref<128x144xf32, #tpu.memory_space<vmem>>, vector<16xf32>,
        tpu.vector_store %arg15[%parallel_loop3A_330, %parallel_loop3A_331], %parallel_loop3A_329 {strides = array<i32>} : memref<128x144xf32, #tpu.memory_space<vmem>>, vector<16xf32>,
      } {sc.loop_unroll_factor = 4 : i64, sc.parallel_access}
      "tpu.region"() ({
        %run_scoped3A = tpu.sem_alloc : memref<!tpu.dma_semaphore, #tpu.memory_space<semaphore_mem>>
        %dma_start3A_256 = arith.constant 0 : i32
        %dma_start3A_257 = arith.constant 0 : i32
        %dma_start3A_258 = tpu.memref_slice %arg8[%dma_start3A_256, %dma_start3A_257] : memref<10112x144xf32, #tpu.memory_space<vmem_shared>> -> memref<10112x144xf32, #tpu.memory_space<vmem_shared>>
        tpu.enqueue_indirect_dma source(%arg15 : memref<128x144xf32, #tpu.memory_space<vmem>>) target(%dma_start3A_258 : memref<10112x144xf32, #tpu.memory_space<vmem_shared>>) offsets(%arg12 : memref<128xi32, #tpu.memory_space<vmem>>) semaphore(%run_scoped3A : memref<!tpu.dma_semaphore, #tpu.memory_space<semaphore_mem>>) {add = true}
        %dma_wait3A_259 = arith.constant 0 : i32
        %dma_wait3A_260 = arith.constant 0 : i32
        %dma_wait3A_261 = tpu.memref_slice %arg8[%dma_wait3A_259, %dma_wait3A_260] : memref<10112x144xf32, #tpu.memory_space<vmem_shared>> -> memref<10112x144xf32, #tpu.memory_space<vmem_shared>>
        tpu.wait_indirect_dma semaphore(%run_scoped3A : memref<!tpu.dma_semaphore, #tpu.memory_space<semaphore_mem>>) src(%arg15 : memref<128x144xf32, #tpu.memory_space<vmem>>) dst(%dma_wait3A_261 : memref<10112x144xf32, #tpu.memory_space<vmem_shared>>)
        tpu.yield
      }) : () -> ()
    }
    %scan3A_28 = arith.constant 157 : i32
    %barrier3A_29 = arith.constant 0 : index
    tpu.barrier barrier_id(%barrier3A_29)
    %mul3A_30 = arith.constant 632 : i32
    %mul3A_31 = arith.muli %arg1, %mul3A_30 : i32
    %add3A_32 = arith.constant 0 : i32
    %add3A_33 = arith.addi %mul3A_31, %add3A_32 : i32
    "tpu.region"() ({
      %run_scoped3A = tpu.sem_alloc : memref<!tpu.dma_semaphore, #tpu.memory_space<semaphore_mem>>
      %dma_start3A = arith.constant 0 : i32
      %dma_start3A_50 = arith.constant 0 : i32
      %dma_start3A_51 = tpu.memref_slice %arg15[%dma_start3A, %dma_start3A_50] : memref<128x144xf32, #tpu.memory_space<vmem>> -> memref<128x144xf32, #tpu.memory_space<vmem>>
      %dma_start3A_52 = arith.constant 0 : i32
      %dma_start3A_53 = tpu.memref_slice %arg8[%add3A_33, %dma_start3A_52] : memref<10112x144xf32, #tpu.memory_space<vmem_shared>> -> memref<128x144xf32, #tpu.memory_space<vmem_shared>>
      %dma_start3A_54 = arith.constant 0 : i32
      %dma_start3A_55 = arith.constant 0 : i32
      %dma_start3A_56 = tpu.memref_slice %arg15[%dma_start3A_54, %dma_start3A_55] : memref<128x144xf32, #tpu.memory_space<vmem>> -> memref<128x144xf32, #tpu.memory_space<vmem>>
      %dma_start3A_57 = arith.constant 0 : i32
      %dma_start3A_58 = tpu.memref_slice %arg8[%add3A_33, %dma_start3A_57] : memref<10112x144xf32, #tpu.memory_space<vmem_shared>> -> memref<128x144xf32, #tpu.memory_space<vmem_shared>>
      tpu.enqueue_dma source(%dma_start3A_58 : memref<128x144xf32, #tpu.memory_space<vmem_shared>>) target(%dma_start3A_56 : memref<128x144xf32, #tpu.memory_space<vmem>>) target_semaphore(%run_scoped3A : memref<!tpu.dma_semaphore, #tpu.memory_space<semaphore_mem>>)
      %dma_wait3A = arith.constant 0 : i32
      %dma_wait3A_59 = arith.constant 0 : i32
      %dma_wait3A_60 = tpu.memref_slice %arg15[%dma_wait3A, %dma_wait3A_59] : memref<128x144xf32, #tpu.memory_space<vmem>> -> memref<128x144xf32, #tpu.memory_space<vmem>>
      %dma_wait3A_61 = arith.constant 0 : i32
      %dma_wait3A_62 = tpu.memref_slice %arg8[%add3A_33, %dma_wait3A_61] : memref<10112x144xf32, #tpu.memory_space<vmem_shared>> -> memref<128x144xf32, #tpu.memory_space<vmem_shared>>
      %dma_wait3A_63 = arith.constant 0 : i32
      %dma_wait3A_64 = arith.constant 0 : i32
      %dma_wait3A_65 = tpu.memref_slice %arg15[%dma_wait3A_63, %dma_wait3A_64] : memref<128x144xf32, #tpu.memory_space<vmem>> -> memref<128x144xf32, #tpu.memory_space<vmem>>
      %dma_wait3A_66 = arith.constant 0 : i32
      %dma_wait3A_67 = tpu.memref_slice %arg8[%add3A_33, %dma_wait3A_66] : memref<10112x144xf32, #tpu.memory_space<vmem_shared>> -> memref<128x144xf32, #tpu.memory_space<vmem_shared>>
      tpu.wait_dma2 semaphore(%run_scoped3A : memref<!tpu.dma_semaphore, #tpu.memory_space<semaphore_mem>>) src(%dma_wait3A_67 : memref<128x144xf32, #tpu.memory_space<vmem_shared>>) dst(%dma_wait3A_65 : memref<128x144xf32, #tpu.memory_space<vmem>>)
      tpu.yield
    }) : () -> ()
    "tpu.region"() ({
      %run_scoped3A = tpu.sem_alloc : memref<!tpu.dma_semaphore, #tpu.memory_space<semaphore_mem>>
      %dma_start3A = arith.constant 0 : i32
      %dma_start3A_50 = arith.constant 0 : i32
      %dma_start3A_51 = tpu.memref_slice %arg15[%dma_start3A, %dma_start3A_50] : memref<128x144xf32, #tpu.memory_space<vmem>> -> memref<128x144xf32, #tpu.memory_space<vmem>>
      %dma_start3A_52 = arith.constant 0 : i32
      %dma_start3A_53 = tpu.memref_slice %arg7[%arg0, %add3A_33, %dma_start3A_52] : memref<2x10112x144xf32, #tpu.memory_space<hbm>> -> memref<1x128x144xf32, #tpu.memory_space<hbm>>
      %dma_start3A_54 = tpu.memref_squeeze %dma_start3A_53 : memref<1x128x144xf32, #tpu.memory_space<hbm>> -> memref<128x144xf32, #tpu.memory_space<hbm>>
      %dma_start3A_55 = arith.constant 0 : i32
      %dma_start3A_56 = tpu.memref_slice %arg7[%arg0, %add3A_33, %dma_start3A_55] : memref<2x10112x144xf32, #tpu.memory_space<hbm>> -> memref<1x128x144xf32, #tpu.memory_space<hbm>>
      %dma_start3A_57 = tpu.memref_squeeze %dma_start3A_56 : memref<1x128x144xf32, #tpu.memory_space<hbm>> -> memref<128x144xf32, #tpu.memory_space<hbm>>
      %dma_start3A_58 = arith.constant 0 : i32
      %dma_start3A_59 = arith.constant 0 : i32
      %dma_start3A_60 = tpu.memref_slice %arg15[%dma_start3A_58, %dma_start3A_59] : memref<128x144xf32, #tpu.memory_space<vmem>> -> memref<128x144xf32, #tpu.memory_space<vmem>>
      tpu.enqueue_dma source(%dma_start3A_60 : memref<128x144xf32, #tpu.memory_space<vmem>>) target(%dma_start3A_57 : memref<128x144xf32, #tpu.memory_space<hbm>>) target_semaphore(%run_scoped3A : memref<!tpu.dma_semaphore, #tpu.memory_space<semaphore_mem>>)
      %dma_wait3A = arith.constant 0 : i32
      %dma_wait3A_61 = arith.constant 0 : i32
      %dma_wait3A_62 = tpu.memref_slice %arg15[%dma_wait3A, %dma_wait3A_61] : memref<128x144xf32, #tpu.memory_space<vmem>> -> memref<128x144xf32, #tpu.memory_space<vmem>>
      %dma_wait3A_63 = arith.constant 0 : i32
      %dma_wait3A_64 = tpu.memref_slice %arg7[%arg0, %add3A_33, %dma_wait3A_63] : memref<2x10112x144xf32, #tpu.memory_space<hbm>> -> memref<1x128x144xf32, #tpu.memory_space<hbm>>
      %dma_wait3A_65 = tpu.memref_squeeze %dma_wait3A_64 : memref<1x128x144xf32, #tpu.memory_space<hbm>> -> memref<128x144xf32, #tpu.memory_space<hbm>>
      %dma_wait3A_66 = arith.constant 0 : i32
      %dma_wait3A_67 = tpu.memref_slice %arg7[%arg0, %add3A_33, %dma_wait3A_66] : memref<2x10112x144xf32, #tpu.memory_space<hbm>> -> memref<1x128x144xf32, #tpu.memory_space<hbm>>
      %dma_wait3A_68 = tpu.memref_squeeze %dma_wait3A_67 : memref<1x128x144xf32, #tpu.memory_space<hbm>> -> memref<128x144xf32, #tpu.memory_space<hbm>>
      %dma_wait3A_69 = arith.constant 0 : i32
      %dma_wait3A_70 = arith.constant 0 : i32
      %dma_wait3A_71 = tpu.memref_slice %arg15[%dma_wait3A_69, %dma_wait3A_70] : memref<128x144xf32, #tpu.memory_space<vmem>> -> memref<128x144xf32, #tpu.memory_space<vmem>>
      tpu.wait_dma2 semaphore(%run_scoped3A : memref<!tpu.dma_semaphore, #tpu.memory_space<semaphore_mem>>) src(%dma_wait3A_71 : memref<128x144xf32, #tpu.memory_space<vmem>>) dst(%dma_wait3A_68 : memref<128x144xf32, #tpu.memory_space<hbm>>)
      tpu.yield
    }) : () -> ()
    %mul3A_34 = arith.constant 632 : i32
    %mul3A_35 = arith.muli %arg1, %mul3A_34 : i32
    %add3A_36 = arith.constant 128 : i32
    %add3A_37 = arith.addi %mul3A_35, %add3A_36 : i32
    "tpu.region"() ({
      %run_scoped3A = tpu.sem_alloc : memref<!tpu.dma_semaphore, #tpu.memory_space<semaphore_mem>>
      %dma_start3A = arith.constant 0 : i32
      %dma_start3A_50 = arith.constant 0 : i32
      %dma_start3A_51 = tpu.memref_slice %arg15[%dma_start3A, %dma_start3A_50] : memref<128x144xf32, #tpu.memory_space<vmem>> -> memref<128x144xf32, #tpu.memory_space<vmem>>
      %dma_start3A_52 = arith.constant 0 : i32
      %dma_start3A_53 = tpu.memref_slice %arg8[%add3A_37, %dma_start3A_52] : memref<10112x144xf32, #tpu.memory_space<vmem_shared>> -> memref<128x144xf32, #tpu.memory_space<vmem_shared>>
      %dma_start3A_54 = arith.constant 0 : i32
      %dma_start3A_55 = arith.constant 0 : i32
      %dma_start3A_56 = tpu.memref_slice %arg15[%dma_start3A_54, %dma_start3A_55] : memref<128x144xf32, #tpu.memory_space<vmem>> -> memref<128x144xf32, #tpu.memory_space<vmem>>
      %dma_start3A_57 = arith.constant 0 : i32
      %dma_start3A_58 = tpu.memref_slice %arg8[%add3A_37, %dma_start3A_57] : memref<10112x144xf32, #tpu.memory_space<vmem_shared>> -> memref<128x144xf32, #tpu.memory_space<vmem_shared>>
      tpu.enqueue_dma source(%dma_start3A_58 : memref<128x144xf32, #tpu.memory_space<vmem_shared>>) target(%dma_start3A_56 : memref<128x144xf32, #tpu.memory_space<vmem>>) target_semaphore(%run_scoped3A : memref<!tpu.dma_semaphore, #tpu.memory_space<semaphore_mem>>)
      %dma_wait3A = arith.constant 0 : i32
      %dma_wait3A_59 = arith.constant 0 : i32
      %dma_wait3A_60 = tpu.memref_slice %arg15[%dma_wait3A, %dma_wait3A_59] : memref<128x144xf32, #tpu.memory_space<vmem>> -> memref<128x144xf32, #tpu.memory_space<vmem>>
      %dma_wait3A_61 = arith.constant 0 : i32
      %dma_wait3A_62 = tpu.memref_slice %arg8[%add3A_37, %dma_wait3A_61] : memref<10112x144xf32, #tpu.memory_space<vmem_shared>> -> memref<128x144xf32, #tpu.memory_space<vmem_shared>>
      %dma_wait3A_63 = arith.constant 0 : i32
      %dma_wait3A_64 = arith.constant 0 : i32
      %dma_wait3A_65 = tpu.memref_slice %arg15[%dma_wait3A_63, %dma_wait3A_64] : memref<128x144xf32, #tpu.memory_space<vmem>> -> memref<128x144xf32, #tpu.memory_space<vmem>>
      %dma_wait3A_66 = arith.constant 0 : i32
      %dma_wait3A_67 = tpu.memref_slice %arg8[%add3A_37, %dma_wait3A_66] : memref<10112x144xf32, #tpu.memory_space<vmem_shared>> -> memref<128x144xf32, #tpu.memory_space<vmem_shared>>
      tpu.wait_dma2 semaphore(%run_scoped3A : memref<!tpu.dma_semaphore, #tpu.memory_space<semaphore_mem>>) src(%dma_wait3A_67 : memref<128x144xf32, #tpu.memory_space<vmem_shared>>) dst(%dma_wait3A_65 : memref<128x144xf32, #tpu.memory_space<vmem>>)
      tpu.yield
    }) : () -> ()
    "tpu.region"() ({
      %run_scoped3A = tpu.sem_alloc : memref<!tpu.dma_semaphore, #tpu.memory_space<semaphore_mem>>
      %dma_start3A = arith.constant 0 : i32
      %dma_start3A_50 = arith.constant 0 : i32
      %dma_start3A_51 = tpu.memref_slice %arg15[%dma_start3A, %dma_start3A_50] : memref<128x144xf32, #tpu.memory_space<vmem>> -> memref<128x144xf32, #tpu.memory_space<vmem>>
      %dma_start3A_52 = arith.constant 0 : i32
      %dma_start3A_53 = tpu.memref_slice %arg7[%arg0, %add3A_37, %dma_start3A_52] : memref<2x10112x144xf32, #tpu.memory_space<hbm>> -> memref<1x128x144xf32, #tpu.memory_space<hbm>>
      %dma_start3A_54 = tpu.memref_squeeze %dma_start3A_53 : memref<1x128x144xf32, #tpu.memory_space<hbm>> -> memref<128x144xf32, #tpu.memory_space<hbm>>
      %dma_start3A_55 = arith.constant 0 : i32
      %dma_start3A_56 = tpu.memref_slice %arg7[%arg0, %add3A_37, %dma_start3A_55] : memref<2x10112x144xf32, #tpu.memory_space<hbm>> -> memref<1x128x144xf32, #tpu.memory_space<hbm>>
      %dma_start3A_57 = tpu.memref_squeeze %dma_start3A_56 : memref<1x128x144xf32, #tpu.memory_space<hbm>> -> memref<128x144xf32, #tpu.memory_space<hbm>>
      %dma_start3A_58 = arith.constant 0 : i32
      %dma_start3A_59 = arith.constant 0 : i32
      %dma_start3A_60 = tpu.memref_slice %arg15[%dma_start3A_58, %dma_start3A_59] : memref<128x144xf32, #tpu.memory_space<vmem>> -> memref<128x144xf32, #tpu.memory_space<vmem>>
      tpu.enqueue_dma source(%dma_start3A_60 : memref<128x144xf32, #tpu.memory_space<vmem>>) target(%dma_start3A_57 : memref<128x144xf32, #tpu.memory_space<hbm>>) target_semaphore(%run_scoped3A : memref<!tpu.dma_semaphore, #tpu.memory_space<semaphore_mem>>)
      %dma_wait3A = arith.constant 0 : i32
      %dma_wait3A_61 = arith.constant 0 : i32
      %dma_wait3A_62 = tpu.memref_slice %arg15[%dma_wait3A, %dma_wait3A_61] : memref<128x144xf32, #tpu.memory_space<vmem>> -> memref<128x144xf32, #tpu.memory_space<vmem>>
      %dma_wait3A_63 = arith.constant 0 : i32
      %dma_wait3A_64 = tpu.memref_slice %arg7[%arg0, %add3A_37, %dma_wait3A_63] : memref<2x10112x144xf32, #tpu.memory_space<hbm>> -> memref<1x128x144xf32, #tpu.memory_space<hbm>>
      %dma_wait3A_65 = tpu.memref_squeeze %dma_wait3A_64 : memref<1x128x144xf32, #tpu.memory_space<hbm>> -> memref<128x144xf32, #tpu.memory_space<hbm>>
      %dma_wait3A_66 = arith.constant 0 : i32
      %dma_wait3A_67 = tpu.memref_slice %arg7[%arg0, %add3A_37, %dma_wait3A_66] : memref<2x10112x144xf32, #tpu.memory_space<hbm>> -> memref<1x128x144xf32, #tpu.memory_space<hbm>>
      %dma_wait3A_68 = tpu.memref_squeeze %dma_wait3A_67 : memref<1x128x144xf32, #tpu.memory_space<hbm>> -> memref<128x144xf32, #tpu.memory_space<hbm>>
      %dma_wait3A_69 = arith.constant 0 : i32
      %dma_wait3A_70 = arith.constant 0 : i32
      %dma_wait3A_71 = tpu.memref_slice %arg15[%dma_wait3A_69, %dma_wait3A_70] : memref<128x144xf32, #tpu.memory_space<vmem>> -> memref<128x144xf32, #tpu.memory_space<vmem>>
      tpu.wait_dma2 semaphore(%run_scoped3A : memref<!tpu.dma_semaphore, #tpu.memory_space<semaphore_mem>>) src(%dma_wait3A_71 : memref<128x144xf32, #tpu.memory_space<vmem>>) dst(%dma_wait3A_68 : memref<128x144xf32, #tpu.memory_space<hbm>>)
      tpu.yield
    }) : () -> ()
    %mul3A_38 = arith.constant 632 : i32
    %mul3A_39 = arith.muli %arg1, %mul3A_38 : i32
    %add3A_40 = arith.constant 256 : i32
    %add3A_41 = arith.addi %mul3A_39, %add3A_40 : i32
    "tpu.region"() ({
      %run_scoped3A = tpu.sem_alloc : memref<!tpu.dma_semaphore, #tpu.memory_space<semaphore_mem>>
      %dma_start3A = arith.constant 0 : i32
      %dma_start3A_50 = arith.constant 0 : i32
      %dma_start3A_51 = tpu.memref_slice %arg15[%dma_start3A, %dma_start3A_50] : memref<128x144xf32, #tpu.memory_space<vmem>> -> memref<128x144xf32, #tpu.memory_space<vmem>>
      %dma_start3A_52 = arith.constant 0 : i32
      %dma_start3A_53 = tpu.memref_slice %arg8[%add3A_41, %dma_start3A_52] : memref<10112x144xf32, #tpu.memory_space<vmem_shared>> -> memref<128x144xf32, #tpu.memory_space<vmem_shared>>
      %dma_start3A_54 = arith.constant 0 : i32
      %dma_start3A_55 = arith.constant 0 : i32
      %dma_start3A_56 = tpu.memref_slice %arg15[%dma_start3A_54, %dma_start3A_55] : memref<128x144xf32, #tpu.memory_space<vmem>> -> memref<128x144xf32, #tpu.memory_space<vmem>>
      %dma_start3A_57 = arith.constant 0 : i32
      %dma_start3A_58 = tpu.memref_slice %arg8[%add3A_41, %dma_start3A_57] : memref<10112x144xf32, #tpu.memory_space<vmem_shared>> -> memref<128x144xf32, #tpu.memory_space<vmem_shared>>
      tpu.enqueue_dma source(%dma_start3A_58 : memref<128x144xf32, #tpu.memory_space<vmem_shared>>) target(%dma_start3A_56 : memref<128x144xf32, #tpu.memory_space<vmem>>) target_semaphore(%run_scoped3A : memref<!tpu.dma_semaphore, #tpu.memory_space<semaphore_mem>>)
      %dma_wait3A = arith.constant 0 : i32
      %dma_wait3A_59 = arith.constant 0 : i32
      %dma_wait3A_60 = tpu.memref_slice %arg15[%dma_wait3A, %dma_wait3A_59] : memref<128x144xf32, #tpu.memory_space<vmem>> -> memref<128x144xf32, #tpu.memory_space<vmem>>
      %dma_wait3A_61 = arith.constant 0 : i32
      %dma_wait3A_62 = tpu.memref_slice %arg8[%add3A_41, %dma_wait3A_61] : memref<10112x144xf32, #tpu.memory_space<vmem_shared>> -> memref<128x144xf32, #tpu.memory_space<vmem_shared>>
      %dma_wait3A_63 = arith.constant 0 : i32
      %dma_wait3A_64 = arith.constant 0 : i32
      %dma_wait3A_65 = tpu.memref_slice %arg15[%dma_wait3A_63, %dma_wait3A_64] : memref<128x144xf32, #tpu.memory_space<vmem>> -> memref<128x144xf32, #tpu.memory_space<vmem>>
      %dma_wait3A_66 = arith.constant 0 : i32
      %dma_wait3A_67 = tpu.memref_slice %arg8[%add3A_41, %dma_wait3A_66] : memref<10112x144xf32, #tpu.memory_space<vmem_shared>> -> memref<128x144xf32, #tpu.memory_space<vmem_shared>>
      tpu.wait_dma2 semaphore(%run_scoped3A : memref<!tpu.dma_semaphore, #tpu.memory_space<semaphore_mem>>) src(%dma_wait3A_67 : memref<128x144xf32, #tpu.memory_space<vmem_shared>>) dst(%dma_wait3A_65 : memref<128x144xf32, #tpu.memory_space<vmem>>)
      tpu.yield
    }) : () -> ()
    "tpu.region"() ({
      %run_scoped3A = tpu.sem_alloc : memref<!tpu.dma_semaphore, #tpu.memory_space<semaphore_mem>>
      %dma_start3A = arith.constant 0 : i32
      %dma_start3A_50 = arith.constant 0 : i32
      %dma_start3A_51 = tpu.memref_slice %arg15[%dma_start3A, %dma_start3A_50] : memref<128x144xf32, #tpu.memory_space<vmem>> -> memref<128x144xf32, #tpu.memory_space<vmem>>
      %dma_start3A_52 = arith.constant 0 : i32
      %dma_start3A_53 = tpu.memref_slice %arg7[%arg0, %add3A_41, %dma_start3A_52] : memref<2x10112x144xf32, #tpu.memory_space<hbm>> -> memref<1x128x144xf32, #tpu.memory_space<hbm>>
      %dma_start3A_54 = tpu.memref_squeeze %dma_start3A_53 : memref<1x128x144xf32, #tpu.memory_space<hbm>> -> memref<128x144xf32, #tpu.memory_space<hbm>>
      %dma_start3A_55 = arith.constant 0 : i32
      %dma_start3A_56 = tpu.memref_slice %arg7[%arg0, %add3A_41, %dma_start3A_55] : memref<2x10112x144xf32, #tpu.memory_space<hbm>> -> memref<1x128x144xf32, #tpu.memory_space<hbm>>
      %dma_start3A_57 = tpu.memref_squeeze %dma_start3A_56 : memref<1x128x144xf32, #tpu.memory_space<hbm>> -> memref<128x144xf32, #tpu.memory_space<hbm>>
      %dma_start3A_58 = arith.constant 0 : i32
      %dma_start3A_59 = arith.constant 0 : i32
      %dma_start3A_60 = tpu.memref_slice %arg15[%dma_start3A_58, %dma_start3A_59] : memref<128x144xf32, #tpu.memory_space<vmem>> -> memref<128x144xf32, #tpu.memory_space<vmem>>
      tpu.enqueue_dma source(%dma_start3A_60 : memref<128x144xf32, #tpu.memory_space<vmem>>) target(%dma_start3A_57 : memref<128x144xf32, #tpu.memory_space<hbm>>) target_semaphore(%run_scoped3A : memref<!tpu.dma_semaphore, #tpu.memory_space<semaphore_mem>>)
      %dma_wait3A = arith.constant 0 : i32
      %dma_wait3A_61 = arith.constant 0 : i32
      %dma_wait3A_62 = tpu.memref_slice %arg15[%dma_wait3A, %dma_wait3A_61] : memref<128x144xf32, #tpu.memory_space<vmem>> -> memref<128x144xf32, #tpu.memory_space<vmem>>
      %dma_wait3A_63 = arith.constant 0 : i32
      %dma_wait3A_64 = tpu.memref_slice %arg7[%arg0, %add3A_41, %dma_wait3A_63] : memref<2x10112x144xf32, #tpu.memory_space<hbm>> -> memref<1x128x144xf32, #tpu.memory_space<hbm>>
      %dma_wait3A_65 = tpu.memref_squeeze %dma_wait3A_64 : memref<1x128x144xf32, #tpu.memory_space<hbm>> -> memref<128x144xf32, #tpu.memory_space<hbm>>
      %dma_wait3A_66 = arith.constant 0 : i32
      %dma_wait3A_67 = tpu.memref_slice %arg7[%arg0, %add3A_41, %dma_wait3A_66] : memref<2x10112x144xf32, #tpu.memory_space<hbm>> -> memref<1x128x144xf32, #tpu.memory_space<hbm>>
      %dma_wait3A_68 = tpu.memref_squeeze %dma_wait3A_67 : memref<1x128x144xf32, #tpu.memory_space<hbm>> -> memref<128x144xf32, #tpu.memory_space<hbm>>
      %dma_wait3A_69 = arith.constant 0 : i32
      %dma_wait3A_70 = arith.constant 0 : i32
      %dma_wait3A_71 = tpu.memref_slice %arg15[%dma_wait3A_69, %dma_wait3A_70] : memref<128x144xf32, #tpu.memory_space<vmem>> -> memref<128x144xf32, #tpu.memory_space<vmem>>
      tpu.wait_dma2 semaphore(%run_scoped3A : memref<!tpu.dma_semaphore, #tpu.memory_space<semaphore_mem>>) src(%dma_wait3A_71 : memref<128x144xf32, #tpu.memory_space<vmem>>) dst(%dma_wait3A_68 : memref<128x144xf32, #tpu.memory_space<hbm>>)
      tpu.yield
    }) : () -> ()
    %mul3A_42 = arith.constant 632 : i32
    %mul3A_43 = arith.muli %arg1, %mul3A_42 : i32
    %add3A_44 = arith.constant 384 : i32
    %add3A_45 = arith.addi %mul3A_43, %add3A_44 : i32
    "tpu.region"() ({
      %run_scoped3A = tpu.sem_alloc : memref<!tpu.dma_semaphore, #tpu.memory_space<semaphore_mem>>
      %dma_start3A = arith.constant 0 : i32
      %dma_start3A_50 = arith.constant 0 : i32
      %dma_start3A_51 = tpu.memref_slice %arg15[%dma_start3A, %dma_start3A_50] : memref<128x144xf32, #tpu.memory_space<vmem>> -> memref<128x144xf32, #tpu.memory_space<vmem>>
      %dma_start3A_52 = arith.constant 0 : i32
      %dma_start3A_53 = tpu.memref_slice %arg8[%add3A_45, %dma_start3A_52] : memref<10112x144xf32, #tpu.memory_space<vmem_shared>> -> memref<128x144xf32, #tpu.memory_space<vmem_shared>>
      %dma_start3A_54 = arith.constant 0 : i32
      %dma_start3A_55 = arith.constant 0 : i32
      %dma_start3A_56 = tpu.memref_slice %arg15[%dma_start3A_54, %dma_start3A_55] : memref<128x144xf32, #tpu.memory_space<vmem>> -> memref<128x144xf32, #tpu.memory_space<vmem>>
      %dma_start3A_57 = arith.constant 0 : i32
      %dma_start3A_58 = tpu.memref_slice %arg8[%add3A_45, %dma_start3A_57] : memref<10112x144xf32, #tpu.memory_space<vmem_shared>> -> memref<128x144xf32, #tpu.memory_space<vmem_shared>>
      tpu.enqueue_dma source(%dma_start3A_58 : memref<128x144xf32, #tpu.memory_space<vmem_shared>>) target(%dma_start3A_56 : memref<128x144xf32, #tpu.memory_space<vmem>>) target_semaphore(%run_scoped3A : memref<!tpu.dma_semaphore, #tpu.memory_space<semaphore_mem>>)
      %dma_wait3A = arith.constant 0 : i32
      %dma_wait3A_59 = arith.constant 0 : i32
      %dma_wait3A_60 = tpu.memref_slice %arg15[%dma_wait3A, %dma_wait3A_59] : memref<128x144xf32, #tpu.memory_space<vmem>> -> memref<128x144xf32, #tpu.memory_space<vmem>>
      %dma_wait3A_61 = arith.constant 0 : i32
      %dma_wait3A_62 = tpu.memref_slice %arg8[%add3A_45, %dma_wait3A_61] : memref<10112x144xf32, #tpu.memory_space<vmem_shared>> -> memref<128x144xf32, #tpu.memory_space<vmem_shared>>
      %dma_wait3A_63 = arith.constant 0 : i32
      %dma_wait3A_64 = arith.constant 0 : i32
      %dma_wait3A_65 = tpu.memref_slice %arg15[%dma_wait3A_63, %dma_wait3A_64] : memref<128x144xf32, #tpu.memory_space<vmem>> -> memref<128x144xf32, #tpu.memory_space<vmem>>
      %dma_wait3A_66 = arith.constant 0 : i32
      %dma_wait3A_67 = tpu.memref_slice %arg8[%add3A_45, %dma_wait3A_66] : memref<10112x144xf32, #tpu.memory_space<vmem_shared>> -> memref<128x144xf32, #tpu.memory_space<vmem_shared>>
      tpu.wait_dma2 semaphore(%run_scoped3A : memref<!tpu.dma_semaphore, #tpu.memory_space<semaphore_mem>>) src(%dma_wait3A_67 : memref<128x144xf32, #tpu.memory_space<vmem_shared>>) dst(%dma_wait3A_65 : memref<128x144xf32, #tpu.memory_space<vmem>>)
      tpu.yield
    }) : () -> ()
    "tpu.region"() ({
      %run_scoped3A = tpu.sem_alloc : memref<!tpu.dma_semaphore, #tpu.memory_space<semaphore_mem>>
      %dma_start3A = arith.constant 0 : i32
      %dma_start3A_50 = arith.constant 0 : i32
      %dma_start3A_51 = tpu.memref_slice %arg15[%dma_start3A, %dma_start3A_50] : memref<128x144xf32, #tpu.memory_space<vmem>> -> memref<128x144xf32, #tpu.memory_space<vmem>>
      %dma_start3A_52 = arith.constant 0 : i32
      %dma_start3A_53 = tpu.memref_slice %arg7[%arg0, %add3A_45, %dma_start3A_52] : memref<2x10112x144xf32, #tpu.memory_space<hbm>> -> memref<1x128x144xf32, #tpu.memory_space<hbm>>
      %dma_start3A_54 = tpu.memref_squeeze %dma_start3A_53 : memref<1x128x144xf32, #tpu.memory_space<hbm>> -> memref<128x144xf32, #tpu.memory_space<hbm>>
      %dma_start3A_55 = arith.constant 0 : i32
      %dma_start3A_56 = tpu.memref_slice %arg7[%arg0, %add3A_45, %dma_start3A_55] : memref<2x10112x144xf32, #tpu.memory_space<hbm>> -> memref<1x128x144xf32, #tpu.memory_space<hbm>>
      %dma_start3A_57 = tpu.memref_squeeze %dma_start3A_56 : memref<1x128x144xf32, #tpu.memory_space<hbm>> -> memref<128x144xf32, #tpu.memory_space<hbm>>
      %dma_start3A_58 = arith.constant 0 : i32
      %dma_start3A_59 = arith.constant 0 : i32
      %dma_start3A_60 = tpu.memref_slice %arg15[%dma_start3A_58, %dma_start3A_59] : memref<128x144xf32, #tpu.memory_space<vmem>> -> memref<128x144xf32, #tpu.memory_space<vmem>>
      tpu.enqueue_dma source(%dma_start3A_60 : memref<128x144xf32, #tpu.memory_space<vmem>>) target(%dma_start3A_57 : memref<128x144xf32, #tpu.memory_space<hbm>>) target_semaphore(%run_scoped3A : memref<!tpu.dma_semaphore, #tpu.memory_space<semaphore_mem>>)
      %dma_wait3A = arith.constant 0 : i32
      %dma_wait3A_61 = arith.constant 0 : i32
      %dma_wait3A_62 = tpu.memref_slice %arg15[%dma_wait3A, %dma_wait3A_61] : memref<128x144xf32, #tpu.memory_space<vmem>> -> memref<128x144xf32, #tpu.memory_space<vmem>>
      %dma_wait3A_63 = arith.constant 0 : i32
      %dma_wait3A_64 = tpu.memref_slice %arg7[%arg0, %add3A_45, %dma_wait3A_63] : memref<2x10112x144xf32, #tpu.memory_space<hbm>> -> memref<1x128x144xf32, #tpu.memory_space<hbm>>
      %dma_wait3A_65 = tpu.memref_squeeze %dma_wait3A_64 : memref<1x128x144xf32, #tpu.memory_space<hbm>> -> memref<128x144xf32, #tpu.memory_space<hbm>>
      %dma_wait3A_66 = arith.constant 0 : i32
      %dma_wait3A_67 = tpu.memref_slice %arg7[%arg0, %add3A_45, %dma_wait3A_66] : memref<2x10112x144xf32, #tpu.memory_space<hbm>> -> memref<1x128x144xf32, #tpu.memory_space<hbm>>
      %dma_wait3A_68 = tpu.memref_squeeze %dma_wait3A_67 : memref<1x128x144xf32, #tpu.memory_space<hbm>> -> memref<128x144xf32, #tpu.memory_space<hbm>>
      %dma_wait3A_69 = arith.constant 0 : i32
      %dma_wait3A_70 = arith.constant 0 : i32
      %dma_wait3A_71 = tpu.memref_slice %arg15[%dma_wait3A_69, %dma_wait3A_70] : memref<128x144xf32, #tpu.memory_space<vmem>> -> memref<128x144xf32, #tpu.memory_space<vmem>>
      tpu.wait_dma2 semaphore(%run_scoped3A : memref<!tpu.dma_semaphore, #tpu.memory_space<semaphore_mem>>) src(%dma_wait3A_71 : memref<128x144xf32, #tpu.memory_space<vmem>>) dst(%dma_wait3A_68 : memref<128x144xf32, #tpu.memory_space<hbm>>)
      tpu.yield
    }) : () -> ()
    %mul3A_46 = arith.constant 632 : i32
    %mul3A_47 = arith.muli %arg1, %mul3A_46 : i32
    %add3A_48 = arith.constant 512 : i32
    %add3A_49 = arith.addi %mul3A_47, %add3A_48 : i32
    "tpu.region"() ({
      %run_scoped3A = tpu.sem_alloc : memref<!tpu.dma_semaphore, #tpu.memory_space<semaphore_mem>>
      %dma_start3A = arith.constant 0 : i32
      %dma_start3A_50 = arith.constant 0 : i32
      %dma_start3A_51 = tpu.memref_slice %arg15[%dma_start3A, %dma_start3A_50] : memref<128x144xf32, #tpu.memory_space<vmem>> -> memref<120x144xf32, #tpu.memory_space<vmem>>
      %dma_start3A_52 = arith.constant 0 : i32
      %dma_start3A_53 = tpu.memref_slice %arg8[%add3A_49, %dma_start3A_52] : memref<10112x144xf32, #tpu.memory_space<vmem_shared>> -> memref<120x144xf32, #tpu.memory_space<vmem_shared>>
      %dma_start3A_54 = arith.constant 0 : i32
      %dma_start3A_55 = arith.constant 0 : i32
      %dma_start3A_56 = tpu.memref_slice %arg15[%dma_start3A_54, %dma_start3A_55] : memref<128x144xf32, #tpu.memory_space<vmem>> -> memref<120x144xf32, #tpu.memory_space<vmem>>
      %dma_start3A_57 = arith.constant 0 : i32
      %dma_start3A_58 = tpu.memref_slice %arg8[%add3A_49, %dma_start3A_57] : memref<10112x144xf32, #tpu.memory_space<vmem_shared>> -> memref<120x144xf32, #tpu.memory_space<vmem_shared>>
      tpu.enqueue_dma source(%dma_start3A_58 : memref<120x144xf32, #tpu.memory_space<vmem_shared>>) target(%dma_start3A_56 : memref<120x144xf32, #tpu.memory_space<vmem>>) target_semaphore(%run_scoped3A : memref<!tpu.dma_semaphore, #tpu.memory_space<semaphore_mem>>)
      %dma_wait3A = arith.constant 0 : i32
      %dma_wait3A_59 = arith.constant 0 : i32
      %dma_wait3A_60 = tpu.memref_slice %arg15[%dma_wait3A, %dma_wait3A_59] : memref<128x144xf32, #tpu.memory_space<vmem>> -> memref<120x144xf32, #tpu.memory_space<vmem>>
      %dma_wait3A_61 = arith.constant 0 : i32
      %dma_wait3A_62 = tpu.memref_slice %arg8[%add3A_49, %dma_wait3A_61] : memref<10112x144xf32, #tpu.memory_space<vmem_shared>> -> memref<120x144xf32, #tpu.memory_space<vmem_shared>>
      %dma_wait3A_63 = arith.constant 0 : i32
      %dma_wait3A_64 = arith.constant 0 : i32
      %dma_wait3A_65 = tpu.memref_slice %arg15[%dma_wait3A_63, %dma_wait3A_64] : memref<128x144xf32, #tpu.memory_space<vmem>> -> memref<120x144xf32, #tpu.memory_space<vmem>>
      %dma_wait3A_66 = arith.constant 0 : i32
      %dma_wait3A_67 = tpu.memref_slice %arg8[%add3A_49, %dma_wait3A_66] : memref<10112x144xf32, #tpu.memory_space<vmem_shared>> -> memref<120x144xf32, #tpu.memory_space<vmem_shared>>
      tpu.wait_dma2 semaphore(%run_scoped3A : memref<!tpu.dma_semaphore, #tpu.memory_space<semaphore_mem>>) src(%dma_wait3A_67 : memref<120x144xf32, #tpu.memory_space<vmem_shared>>) dst(%dma_wait3A_65 : memref<120x144xf32, #tpu.memory_space<vmem>>)
      tpu.yield
    }) : () -> ()
    "tpu.region"() ({
      %run_scoped3A = tpu.sem_alloc : memref<!tpu.dma_semaphore, #tpu.memory_space<semaphore_mem>>
      %dma_start3A = arith.constant 0 : i32
      %dma_start3A_50 = arith.constant 0 : i32
      %dma_start3A_51 = tpu.memref_slice %arg15[%dma_start3A, %dma_start3A_50] : memref<128x144xf32, #tpu.memory_space<vmem>> -> memref<120x144xf32, #tpu.memory_space<vmem>>
      %dma_start3A_52 = arith.constant 0 : i32
      %dma_start3A_53 = tpu.memref_slice %arg7[%arg0, %add3A_49, %dma_start3A_52] : memref<2x10112x144xf32, #tpu.memory_space<hbm>> -> memref<1x120x144xf32, #tpu.memory_space<hbm>>
      %dma_start3A_54 = tpu.memref_squeeze %dma_start3A_53 : memref<1x120x144xf32, #tpu.memory_space<hbm>> -> memref<120x144xf32, #tpu.memory_space<hbm>>
      %dma_start3A_55 = arith.constant 0 : i32
      %dma_start3A_56 = tpu.memref_slice %arg7[%arg0, %add3A_49, %dma_start3A_55] : memref<2x10112x144xf32, #tpu.memory_space<hbm>> -> memref<1x120x144xf32, #tpu.memory_space<hbm>>
      %dma_start3A_57 = tpu.memref_squeeze %dma_start3A_56 : memref<1x120x144xf32, #tpu.memory_space<hbm>> -> memref<120x144xf32, #tpu.memory_space<hbm>>
      %dma_start3A_58 = arith.constant 0 : i32
      %dma_start3A_59 = arith.constant 0 : i32
      %dma_start3A_60 = tpu.memref_slice %arg15[%dma_start3A_58, %dma_start3A_59] : memref<128x144xf32, #tpu.memory_space<vmem>> -> memref<120x144xf32, #tpu.memory_space<vmem>>
      tpu.enqueue_dma source(%dma_start3A_60 : memref<120x144xf32, #tpu.memory_space<vmem>>) target(%dma_start3A_57 : memref<120x144xf32, #tpu.memory_space<hbm>>) target_semaphore(%run_scoped3A : memref<!tpu.dma_semaphore, #tpu.memory_space<semaphore_mem>>)
      %dma_wait3A = arith.constant 0 : i32
      %dma_wait3A_61 = arith.constant 0 : i32
      %dma_wait3A_62 = tpu.memref_slice %arg15[%dma_wait3A, %dma_wait3A_61] : memref<128x144xf32, #tpu.memory_space<vmem>> -> memref<120x144xf32, #tpu.memory_space<vmem>>
      %dma_wait3A_63 = arith.constant 0 : i32
      %dma_wait3A_64 = tpu.memref_slice %arg7[%arg0, %add3A_49, %dma_wait3A_63] : memref<2x10112x144xf32, #tpu.memory_space<hbm>> -> memref<1x120x144xf32, #tpu.memory_space<hbm>>
      %dma_wait3A_65 = tpu.memref_squeeze %dma_wait3A_64 : memref<1x120x144xf32, #tpu.memory_space<hbm>> -> memref<120x144xf32, #tpu.memory_space<hbm>>
      %dma_wait3A_66 = arith.constant 0 : i32
      %dma_wait3A_67 = tpu.memref_slice %arg7[%arg0, %add3A_49, %dma_wait3A_66] : memref<2x10112x144xf32, #tpu.memory_space<hbm>> -> memref<1x120x144xf32, #tpu.memory_space<hbm>>
      %dma_wait3A_68 = tpu.memref_squeeze %dma_wait3A_67 : memref<1x120x144xf32, #tpu.memory_space<hbm>> -> memref<120x144xf32, #tpu.memory_space<hbm>>
      %dma_wait3A_69 = arith.constant 0 : i32
      %dma_wait3A_70 = arith.constant 0 : i32
      %dma_wait3A_71 = tpu.memref_slice %arg15[%dma_wait3A_69, %dma_wait3A_70] : memref<128x144xf32, #tpu.memory_space<vmem>> -> memref<120x144xf32, #tpu.memory_space<vmem>>
      tpu.wait_dma2 semaphore(%run_scoped3A : memref<!tpu.dma_semaphore, #tpu.memory_space<semaphore_mem>>) src(%dma_wait3A_71 : memref<120x144xf32, #tpu.memory_space<vmem>>) dst(%dma_wait3A_68 : memref<120x144xf32, #tpu.memory_space<hbm>>)
      tpu.yield
    }) : () -> ()
    return
  }
}

#map = affine_map<(d0, d1) -> (0, 0)>
#map1 = affine_map<(d0, d1) -> (0)>
#map2 = affine_map<(d0, d1) -> (0, 0, 0)>
module attributes {stable_mosaic.version = 14 : i64} {
  func.func @_edge_kernel(%arg0: i32, %arg1: i32, %arg2: memref<20224x144xf32, #tpu.memory_space<hbm>>, %arg3: memref<2x10016xf32, #tpu.memory_space<hbm>>, %arg4: memref<2x10016xf32, #tpu.memory_space<hbm>>, %arg5: memref<321536xi32, #tpu.memory_space<hbm>>, %arg6: memref<321536xi32, #tpu.memory_space<hbm>>, %arg7: memref<2x10112x144xf32, #tpu.memory_space<hbm>>, %arg8: memref<10112x144xf32, #tpu.memory_space<vmem_shared>>, %arg9: memref<10016xf32, #tpu.memory_space<vmem>>, %arg10: memref<10016xf32, #tpu.memory_space<vmem>>, %arg11: memref<128xi32, #tpu.memory_space<vmem>>, %arg12: memref<128xi32, #tpu.memory_space<vmem>>, %arg13: memref<128xi32, #tpu.memory_space<vmem>>, %arg14: memref<144xf32, #tpu.memory_space<vmem>>, %arg15: memref<128x144xf32, #tpu.memory_space<vmem>>, %arg16: memref<!tpu.dma_semaphore, #tpu.memory_space<semaphore_mem>>) attributes {dimension_semantics = [#tpu.dimension_semantics<core_parallel>, #tpu.dimension_semantics<subcore_parallel>], iteration_bounds = array<i64: 2, 16>, scalar_prefetch = 0 : i64, scratch_operands = 9 : i64, tpu.core_type = #tpu.core_type<sc_vector_subcore>, window_params = [{transform_indices = #map}, {transform_indices = #map}, {transform_indices = #map}, {transform_indices = #map1}, {transform_indices = #map1}, {transform_indices = #map2}]} {
    "tpu.region"() ({
      %run_scoped3A = tpu.sem_alloc : memref<!tpu.dma_semaphore, #tpu.memory_space<semaphore_mem>>
      %dma_start3A = arith.constant 0 : i32
      %dma_start3A_50 = tpu.memref_slice %arg3[%arg0, %dma_start3A] : memref<2x10016xf32, #tpu.memory_space<hbm>> -> memref<1x10016xf32, #tpu.memory_space<hbm>>
      %dma_start3A_51 = tpu.memref_squeeze %dma_start3A_50 : memref<1x10016xf32, #tpu.memory_space<hbm>> -> memref<10016xf32, #tpu.memory_space<hbm>>
      %dma_start3A_52 = arith.constant 0 : i32
      %dma_start3A_53 = tpu.memref_slice %arg3[%arg0, %dma_start3A_52] : memref<2x10016xf32, #tpu.memory_space<hbm>> -> memref<1x10016xf32, #tpu.memory_space<hbm>>
      %dma_start3A_54 = tpu.memref_squeeze %dma_start3A_53 : memref<1x10016xf32, #tpu.memory_space<hbm>> -> memref<10016xf32, #tpu.memory_space<hbm>>
      tpu.enqueue_dma source(%dma_start3A_54 : memref<10016xf32, #tpu.memory_space<hbm>>) target(%arg9 : memref<10016xf32, #tpu.memory_space<vmem>>) target_semaphore(%run_scoped3A : memref<!tpu.dma_semaphore, #tpu.memory_space<semaphore_mem>>)
      %dma_wait3A = arith.constant 0 : i32
      %dma_wait3A_55 = tpu.memref_slice %arg3[%arg0, %dma_wait3A] : memref<2x10016xf32, #tpu.memory_space<hbm>> -> memref<1x10016xf32, #tpu.memory_space<hbm>>
      %dma_wait3A_56 = tpu.memref_squeeze %dma_wait3A_55 : memref<1x10016xf32, #tpu.memory_space<hbm>> -> memref<10016xf32, #tpu.memory_space<hbm>>
      %dma_wait3A_57 = arith.constant 0 : i32
      %dma_wait3A_58 = tpu.memref_slice %arg3[%arg0, %dma_wait3A_57] : memref<2x10016xf32, #tpu.memory_space<hbm>> -> memref<1x10016xf32, #tpu.memory_space<hbm>>
      %dma_wait3A_59 = tpu.memref_squeeze %dma_wait3A_58 : memref<1x10016xf32, #tpu.memory_space<hbm>> -> memref<10016xf32, #tpu.memory_space<hbm>>
      tpu.wait_dma2 semaphore(%run_scoped3A : memref<!tpu.dma_semaphore, #tpu.memory_space<semaphore_mem>>) src(%dma_wait3A_59 : memref<10016xf32, #tpu.memory_space<hbm>>) dst(%arg9 : memref<10016xf32, #tpu.memory_space<vmem>>)
      tpu.yield
    }) : () -> ()
    "tpu.region"() ({
      %run_scoped3A = tpu.sem_alloc : memref<!tpu.dma_semaphore, #tpu.memory_space<semaphore_mem>>
      %dma_start3A = arith.constant 0 : i32
      %dma_start3A_50 = tpu.memref_slice %arg4[%arg0, %dma_start3A] : memref<2x10016xf32, #tpu.memory_space<hbm>> -> memref<1x10016xf32, #tpu.memory_space<hbm>>
      %dma_start3A_51 = tpu.memref_squeeze %dma_start3A_50 : memref<1x10016xf32, #tpu.memory_space<hbm>> -> memref<10016xf32, #tpu.memory_space<hbm>>
      %dma_start3A_52 = arith.constant 0 : i32
      %dma_start3A_53 = tpu.memref_slice %arg4[%arg0, %dma_start3A_52] : memref<2x10016xf32, #tpu.memory_space<hbm>> -> memref<1x10016xf32, #tpu.memory_space<hbm>>
      %dma_start3A_54 = tpu.memref_squeeze %dma_start3A_53 : memref<1x10016xf32, #tpu.memory_space<hbm>> -> memref<10016xf32, #tpu.memory_space<hbm>>
      tpu.enqueue_dma source(%dma_start3A_54 : memref<10016xf32, #tpu.memory_space<hbm>>) target(%arg10 : memref<10016xf32, #tpu.memory_space<vmem>>) target_semaphore(%run_scoped3A : memref<!tpu.dma_semaphore, #tpu.memory_space<semaphore_mem>>)
      %dma_wait3A = arith.constant 0 : i32
      %dma_wait3A_55 = tpu.memref_slice %arg4[%arg0, %dma_wait3A] : memref<2x10016xf32, #tpu.memory_space<hbm>> -> memref<1x10016xf32, #tpu.memory_space<hbm>>
      %dma_wait3A_56 = tpu.memref_squeeze %dma_wait3A_55 : memref<1x10016xf32, #tpu.memory_space<hbm>> -> memref<10016xf32, #tpu.memory_space<hbm>>
      %dma_wait3A_57 = arith.constant 0 : i32
      %dma_wait3A_58 = tpu.memref_slice %arg4[%arg0, %dma_wait3A_57] : memref<2x10016xf32, #tpu.memory_space<hbm>> -> memref<1x10016xf32, #tpu.memory_space<hbm>>
      %dma_wait3A_59 = tpu.memref_squeeze %dma_wait3A_58 : memref<1x10016xf32, #tpu.memory_space<hbm>> -> memref<10016xf32, #tpu.memory_space<hbm>>
      tpu.wait_dma2 semaphore(%run_scoped3A : memref<!tpu.dma_semaphore, #tpu.memory_space<semaphore_mem>>) src(%dma_wait3A_59 : memref<10016xf32, #tpu.memory_space<hbm>>) dst(%arg10 : memref<10016xf32, #tpu.memory_space<vmem>>)
      tpu.yield
    }) : () -> ()
    %scan3A = arith.constant 0 : i32
    %scan3A_0 = arith.constant 0 : i32
    %scan3A_1 = arith.constant 128 : i32
    %scan3A_2 = arith.addi %scan3A_0, %scan3A_1 : i32
    %scan3A_3 = arith.constant 1 : i32
    scf.for %scan3A_50 = %scan3A_0 to %scan3A_2 step %scan3A_3  : i32 {
      %broadcast_in_dim3A = arith.constant 0.000000e+00 : f32
      %broadcast_in_dim3A_51 = vector.broadcast %broadcast_in_dim3A : f32 to vector<16xf32>
      %swap3A = arith.index_cast %scan3A_50 : i32 to index
      %swap3A_52 = arith.constant 0 : index
      %swap3A_53 = tpu.vector_load %arg15[%swap3A, %swap3A_52] {strides = array<i32>} : memref<128x144xf32, #tpu.memory_space<vmem>>, vector<16xf32>,
      tpu.vector_store %arg15[%swap3A, %swap3A_52], %broadcast_in_dim3A_51 {strides = array<i32>} : memref<128x144xf32, #tpu.memory_space<vmem>>, vector<16xf32>,
      %broadcast_in_dim3A_54 = arith.constant 0.000000e+00 : f32
      %broadcast_in_dim3A_55 = vector.broadcast %broadcast_in_dim3A_54 : f32 to vector<16xf32>
      %swap3A_56 = arith.index_cast %scan3A_50 : i32 to index
      %swap3A_57 = arith.constant 16 : index
      %swap3A_58 = tpu.vector_load %arg15[%swap3A_56, %swap3A_57] {strides = array<i32>} : memref<128x144xf32, #tpu.memory_space<vmem>>, vector<16xf32>,
      tpu.vector_store %arg15[%swap3A_56, %swap3A_57], %broadcast_in_dim3A_55 {strides = array<i32>} : memref<128x144xf32, #tpu.memory_space<vmem>>, vector<16xf32>,
      %broadcast_in_dim3A_59 = arith.constant 0.000000e+00 : f32
      %broadcast_in_dim3A_60 = vector.broadcast %broadcast_in_dim3A_59 : f32 to vector<16xf32>
      %swap3A_61 = arith.index_cast %scan3A_50 : i32 to index
      %swap3A_62 = arith.constant 32 : index
      %swap3A_63 = tpu.vector_load %arg15[%swap3A_61, %swap3A_62] {strides = array<i32>} : memref<128x144xf32, #tpu.memory_space<vmem>>, vector<16xf32>,
      tpu.vector_store %arg15[%swap3A_61, %swap3A_62], %broadcast_in_dim3A_60 {strides = array<i32>} : memref<128x144xf32, #tpu.memory_space<vmem>>, vector<16xf32>,
      %broadcast_in_dim3A_64 = arith.constant 0.000000e+00 : f32
      %broadcast_in_dim3A_65 = vector.broadcast %broadcast_in_dim3A_64 : f32 to vector<16xf32>
      %swap3A_66 = arith.index_cast %scan3A_50 : i32 to index
      %swap3A_67 = arith.constant 48 : index
      %swap3A_68 = tpu.vector_load %arg15[%swap3A_66, %swap3A_67] {strides = array<i32>} : memref<128x144xf32, #tpu.memory_space<vmem>>, vector<16xf32>,
      tpu.vector_store %arg15[%swap3A_66, %swap3A_67], %broadcast_in_dim3A_65 {strides = array<i32>} : memref<128x144xf32, #tpu.memory_space<vmem>>, vector<16xf32>,
      %broadcast_in_dim3A_69 = arith.constant 0.000000e+00 : f32
      %broadcast_in_dim3A_70 = vector.broadcast %broadcast_in_dim3A_69 : f32 to vector<16xf32>
      %swap3A_71 = arith.index_cast %scan3A_50 : i32 to index
      %swap3A_72 = arith.constant 64 : index
      %swap3A_73 = tpu.vector_load %arg15[%swap3A_71, %swap3A_72] {strides = array<i32>} : memref<128x144xf32, #tpu.memory_space<vmem>>, vector<16xf32>,
      tpu.vector_store %arg15[%swap3A_71, %swap3A_72], %broadcast_in_dim3A_70 {strides = array<i32>} : memref<128x144xf32, #tpu.memory_space<vmem>>, vector<16xf32>,
      %broadcast_in_dim3A_74 = arith.constant 0.000000e+00 : f32
      %broadcast_in_dim3A_75 = vector.broadcast %broadcast_in_dim3A_74 : f32 to vector<16xf32>
      %swap3A_76 = arith.index_cast %scan3A_50 : i32 to index
      %swap3A_77 = arith.constant 80 : index
      %swap3A_78 = tpu.vector_load %arg15[%swap3A_76, %swap3A_77] {strides = array<i32>} : memref<128x144xf32, #tpu.memory_space<vmem>>, vector<16xf32>,
      tpu.vector_store %arg15[%swap3A_76, %swap3A_77], %broadcast_in_dim3A_75 {strides = array<i32>} : memref<128x144xf32, #tpu.memory_space<vmem>>, vector<16xf32>,
      %broadcast_in_dim3A_79 = arith.constant 0.000000e+00 : f32
      %broadcast_in_dim3A_80 = vector.broadcast %broadcast_in_dim3A_79 : f32 to vector<16xf32>
      %swap3A_81 = arith.index_cast %scan3A_50 : i32 to index
      %swap3A_82 = arith.constant 96 : index
      %swap3A_83 = tpu.vector_load %arg15[%swap3A_81, %swap3A_82] {strides = array<i32>} : memref<128x144xf32, #tpu.memory_space<vmem>>, vector<16xf32>,
      tpu.vector_store %arg15[%swap3A_81, %swap3A_82], %broadcast_in_dim3A_80 {strides = array<i32>} : memref<128x144xf32, #tpu.memory_space<vmem>>, vector<16xf32>,
      %broadcast_in_dim3A_84 = arith.constant 0.000000e+00 : f32
      %broadcast_in_dim3A_85 = vector.broadcast %broadcast_in_dim3A_84 : f32 to vector<16xf32>
      %swap3A_86 = arith.index_cast %scan3A_50 : i32 to index
      %swap3A_87 = arith.constant 112 : index
      %swap3A_88 = tpu.vector_load %arg15[%swap3A_86, %swap3A_87] {strides = array<i32>} : memref<128x144xf32, #tpu.memory_space<vmem>>, vector<16xf32>,
      tpu.vector_store %arg15[%swap3A_86, %swap3A_87], %broadcast_in_dim3A_85 {strides = array<i32>} : memref<128x144xf32, #tpu.memory_space<vmem>>, vector<16xf32>,
      %broadcast_in_dim3A_89 = arith.constant 0.000000e+00 : f32
      %broadcast_in_dim3A_90 = vector.broadcast %broadcast_in_dim3A_89 : f32 to vector<16xf32>
      %swap3A_91 = arith.index_cast %scan3A_50 : i32 to index
      %swap3A_92 = arith.constant 128 : index
      %swap3A_93 = tpu.vector_load %arg15[%swap3A_91, %swap3A_92] {strides = array<i32>} : memref<128x144xf32, #tpu.memory_space<vmem>>, vector<16xf32>,
      tpu.vector_store %arg15[%swap3A_91, %swap3A_92], %broadcast_in_dim3A_90 {strides = array<i32>} : memref<128x144xf32, #tpu.memory_space<vmem>>, vector<16xf32>,
    }
    %scan3A_4 = arith.constant 128 : i32
    %mul3A = arith.constant 632 : i32
    %mul3A_5 = arith.muli %arg1, %mul3A : i32
    %add3A = arith.constant 0 : i32
    %add3A_6 = arith.addi %mul3A_5, %add3A : i32
    "tpu.region"() ({
      %run_scoped3A = tpu.sem_alloc : memref<!tpu.dma_semaphore, #tpu.memory_space<semaphore_mem>>
      %dma_start3A = arith.constant 0 : i32
      %dma_start3A_50 = arith.constant 0 : i32
      %dma_start3A_51 = tpu.memref_slice %arg15[%dma_start3A, %dma_start3A_50] : memref<128x144xf32, #tpu.memory_space<vmem>> -> memref<128x144xf32, #tpu.memory_space<vmem>>
      %dma_start3A_52 = arith.constant 0 : i32
      %dma_start3A_53 = tpu.memref_slice %arg8[%add3A_6, %dma_start3A_52] : memref<10112x144xf32, #tpu.memory_space<vmem_shared>> -> memref<128x144xf32, #tpu.memory_space<vmem_shared>>
      %dma_start3A_54 = arith.constant 0 : i32
      %dma_start3A_55 = tpu.memref_slice %arg8[%add3A_6, %dma_start3A_54] : memref<10112x144xf32, #tpu.memory_space<vmem_shared>> -> memref<128x144xf32, #tpu.memory_space<vmem_shared>>
      %dma_start3A_56 = arith.constant 0 : i32
      %dma_start3A_57 = arith.constant 0 : i32
      %dma_start3A_58 = tpu.memref_slice %arg15[%dma_start3A_56, %dma_start3A_57] : memref<128x144xf32, #tpu.memory_space<vmem>> -> memref<128x144xf32, #tpu.memory_space<vmem>>
      tpu.enqueue_dma source(%dma_start3A_58 : memref<128x144xf32, #tpu.memory_space<vmem>>) target(%dma_start3A_55 : memref<128x144xf32, #tpu.memory_space<vmem_shared>>) target_semaphore(%run_scoped3A : memref<!tpu.dma_semaphore, #tpu.memory_space<semaphore_mem>>)
      %dma_wait3A = arith.constant 0 : i32
      %dma_wait3A_59 = arith.constant 0 : i32
      %dma_wait3A_60 = tpu.memref_slice %arg15[%dma_wait3A, %dma_wait3A_59] : memref<128x144xf32, #tpu.memory_space<vmem>> -> memref<128x144xf32, #tpu.memory_space<vmem>>
      %dma_wait3A_61 = arith.constant 0 : i32
      %dma_wait3A_62 = tpu.memref_slice %arg8[%add3A_6, %dma_wait3A_61] : memref<10112x144xf32, #tpu.memory_space<vmem_shared>> -> memref<128x144xf32, #tpu.memory_space<vmem_shared>>
      %dma_wait3A_63 = arith.constant 0 : i32
      %dma_wait3A_64 = tpu.memref_slice %arg8[%add3A_6, %dma_wait3A_63] : memref<10112x144xf32, #tpu.memory_space<vmem_shared>> -> memref<128x144xf32, #tpu.memory_space<vmem_shared>>
      %dma_wait3A_65 = arith.constant 0 : i32
      %dma_wait3A_66 = arith.constant 0 : i32
      %dma_wait3A_67 = tpu.memref_slice %arg15[%dma_wait3A_65, %dma_wait3A_66] : memref<128x144xf32, #tpu.memory_space<vmem>> -> memref<128x144xf32, #tpu.memory_space<vmem>>
      tpu.wait_dma2 semaphore(%run_scoped3A : memref<!tpu.dma_semaphore, #tpu.memory_space<semaphore_mem>>) src(%dma_wait3A_67 : memref<128x144xf32, #tpu.memory_space<vmem>>) dst(%dma_wait3A_64 : memref<128x144xf32, #tpu.memory_space<vmem_shared>>)
      tpu.yield
    }) : () -> ()
    %mul3A_7 = arith.constant 632 : i32
    %mul3A_8 = arith.muli %arg1, %mul3A_7 : i32
    %add3A_9 = arith.constant 128 : i32
    %add3A_10 = arith.addi %mul3A_8, %add3A_9 : i32
    "tpu.region"() ({
      %run_scoped3A = tpu.sem_alloc : memref<!tpu.dma_semaphore, #tpu.memory_space<semaphore_mem>>
      %dma_start3A = arith.constant 0 : i32
      %dma_start3A_50 = arith.constant 0 : i32
      %dma_start3A_51 = tpu.memref_slice %arg15[%dma_start3A, %dma_start3A_50] : memref<128x144xf32, #tpu.memory_space<vmem>> -> memref<128x144xf32, #tpu.memory_space<vmem>>
      %dma_start3A_52 = arith.constant 0 : i32
      %dma_start3A_53 = tpu.memref_slice %arg8[%add3A_10, %dma_start3A_52] : memref<10112x144xf32, #tpu.memory_space<vmem_shared>> -> memref<128x144xf32, #tpu.memory_space<vmem_shared>>
      %dma_start3A_54 = arith.constant 0 : i32
      %dma_start3A_55 = tpu.memref_slice %arg8[%add3A_10, %dma_start3A_54] : memref<10112x144xf32, #tpu.memory_space<vmem_shared>> -> memref<128x144xf32, #tpu.memory_space<vmem_shared>>
      %dma_start3A_56 = arith.constant 0 : i32
      %dma_start3A_57 = arith.constant 0 : i32
      %dma_start3A_58 = tpu.memref_slice %arg15[%dma_start3A_56, %dma_start3A_57] : memref<128x144xf32, #tpu.memory_space<vmem>> -> memref<128x144xf32, #tpu.memory_space<vmem>>
      tpu.enqueue_dma source(%dma_start3A_58 : memref<128x144xf32, #tpu.memory_space<vmem>>) target(%dma_start3A_55 : memref<128x144xf32, #tpu.memory_space<vmem_shared>>) target_semaphore(%run_scoped3A : memref<!tpu.dma_semaphore, #tpu.memory_space<semaphore_mem>>)
      %dma_wait3A = arith.constant 0 : i32
      %dma_wait3A_59 = arith.constant 0 : i32
      %dma_wait3A_60 = tpu.memref_slice %arg15[%dma_wait3A, %dma_wait3A_59] : memref<128x144xf32, #tpu.memory_space<vmem>> -> memref<128x144xf32, #tpu.memory_space<vmem>>
      %dma_wait3A_61 = arith.constant 0 : i32
      %dma_wait3A_62 = tpu.memref_slice %arg8[%add3A_10, %dma_wait3A_61] : memref<10112x144xf32, #tpu.memory_space<vmem_shared>> -> memref<128x144xf32, #tpu.memory_space<vmem_shared>>
      %dma_wait3A_63 = arith.constant 0 : i32
      %dma_wait3A_64 = tpu.memref_slice %arg8[%add3A_10, %dma_wait3A_63] : memref<10112x144xf32, #tpu.memory_space<vmem_shared>> -> memref<128x144xf32, #tpu.memory_space<vmem_shared>>
      %dma_wait3A_65 = arith.constant 0 : i32
      %dma_wait3A_66 = arith.constant 0 : i32
      %dma_wait3A_67 = tpu.memref_slice %arg15[%dma_wait3A_65, %dma_wait3A_66] : memref<128x144xf32, #tpu.memory_space<vmem>> -> memref<128x144xf32, #tpu.memory_space<vmem>>
      tpu.wait_dma2 semaphore(%run_scoped3A : memref<!tpu.dma_semaphore, #tpu.memory_space<semaphore_mem>>) src(%dma_wait3A_67 : memref<128x144xf32, #tpu.memory_space<vmem>>) dst(%dma_wait3A_64 : memref<128x144xf32, #tpu.memory_space<vmem_shared>>)
      tpu.yield
    }) : () -> ()
    %mul3A_11 = arith.constant 632 : i32
    %mul3A_12 = arith.muli %arg1, %mul3A_11 : i32
    %add3A_13 = arith.constant 256 : i32
    %add3A_14 = arith.addi %mul3A_12, %add3A_13 : i32
    "tpu.region"() ({
      %run_scoped3A = tpu.sem_alloc : memref<!tpu.dma_semaphore, #tpu.memory_space<semaphore_mem>>
      %dma_start3A = arith.constant 0 : i32
      %dma_start3A_50 = arith.constant 0 : i32
      %dma_start3A_51 = tpu.memref_slice %arg15[%dma_start3A, %dma_start3A_50] : memref<128x144xf32, #tpu.memory_space<vmem>> -> memref<128x144xf32, #tpu.memory_space<vmem>>
      %dma_start3A_52 = arith.constant 0 : i32
      %dma_start3A_53 = tpu.memref_slice %arg8[%add3A_14, %dma_start3A_52] : memref<10112x144xf32, #tpu.memory_space<vmem_shared>> -> memref<128x144xf32, #tpu.memory_space<vmem_shared>>
      %dma_start3A_54 = arith.constant 0 : i32
      %dma_start3A_55 = tpu.memref_slice %arg8[%add3A_14, %dma_start3A_54] : memref<10112x144xf32, #tpu.memory_space<vmem_shared>> -> memref<128x144xf32, #tpu.memory_space<vmem_shared>>
      %dma_start3A_56 = arith.constant 0 : i32
      %dma_start3A_57 = arith.constant 0 : i32
      %dma_start3A_58 = tpu.memref_slice %arg15[%dma_start3A_56, %dma_start3A_57] : memref<128x144xf32, #tpu.memory_space<vmem>> -> memref<128x144xf32, #tpu.memory_space<vmem>>
      tpu.enqueue_dma source(%dma_start3A_58 : memref<128x144xf32, #tpu.memory_space<vmem>>) target(%dma_start3A_55 : memref<128x144xf32, #tpu.memory_space<vmem_shared>>) target_semaphore(%run_scoped3A : memref<!tpu.dma_semaphore, #tpu.memory_space<semaphore_mem>>)
      %dma_wait3A = arith.constant 0 : i32
      %dma_wait3A_59 = arith.constant 0 : i32
      %dma_wait3A_60 = tpu.memref_slice %arg15[%dma_wait3A, %dma_wait3A_59] : memref<128x144xf32, #tpu.memory_space<vmem>> -> memref<128x144xf32, #tpu.memory_space<vmem>>
      %dma_wait3A_61 = arith.constant 0 : i32
      %dma_wait3A_62 = tpu.memref_slice %arg8[%add3A_14, %dma_wait3A_61] : memref<10112x144xf32, #tpu.memory_space<vmem_shared>> -> memref<128x144xf32, #tpu.memory_space<vmem_shared>>
      %dma_wait3A_63 = arith.constant 0 : i32
      %dma_wait3A_64 = tpu.memref_slice %arg8[%add3A_14, %dma_wait3A_63] : memref<10112x144xf32, #tpu.memory_space<vmem_shared>> -> memref<128x144xf32, #tpu.memory_space<vmem_shared>>
      %dma_wait3A_65 = arith.constant 0 : i32
      %dma_wait3A_66 = arith.constant 0 : i32
      %dma_wait3A_67 = tpu.memref_slice %arg15[%dma_wait3A_65, %dma_wait3A_66] : memref<128x144xf32, #tpu.memory_space<vmem>> -> memref<128x144xf32, #tpu.memory_space<vmem>>
      tpu.wait_dma2 semaphore(%run_scoped3A : memref<!tpu.dma_semaphore, #tpu.memory_space<semaphore_mem>>) src(%dma_wait3A_67 : memref<128x144xf32, #tpu.memory_space<vmem>>) dst(%dma_wait3A_64 : memref<128x144xf32, #tpu.memory_space<vmem_shared>>)
      tpu.yield
    }) : () -> ()
    %mul3A_15 = arith.constant 632 : i32
    %mul3A_16 = arith.muli %arg1, %mul3A_15 : i32
    %add3A_17 = arith.constant 384 : i32
    %add3A_18 = arith.addi %mul3A_16, %add3A_17 : i32
    "tpu.region"() ({
      %run_scoped3A = tpu.sem_alloc : memref<!tpu.dma_semaphore, #tpu.memory_space<semaphore_mem>>
      %dma_start3A = arith.constant 0 : i32
      %dma_start3A_50 = arith.constant 0 : i32
      %dma_start3A_51 = tpu.memref_slice %arg15[%dma_start3A, %dma_start3A_50] : memref<128x144xf32, #tpu.memory_space<vmem>> -> memref<128x144xf32, #tpu.memory_space<vmem>>
      %dma_start3A_52 = arith.constant 0 : i32
      %dma_start3A_53 = tpu.memref_slice %arg8[%add3A_18, %dma_start3A_52] : memref<10112x144xf32, #tpu.memory_space<vmem_shared>> -> memref<128x144xf32, #tpu.memory_space<vmem_shared>>
      %dma_start3A_54 = arith.constant 0 : i32
      %dma_start3A_55 = tpu.memref_slice %arg8[%add3A_18, %dma_start3A_54] : memref<10112x144xf32, #tpu.memory_space<vmem_shared>> -> memref<128x144xf32, #tpu.memory_space<vmem_shared>>
      %dma_start3A_56 = arith.constant 0 : i32
      %dma_start3A_57 = arith.constant 0 : i32
      %dma_start3A_58 = tpu.memref_slice %arg15[%dma_start3A_56, %dma_start3A_57] : memref<128x144xf32, #tpu.memory_space<vmem>> -> memref<128x144xf32, #tpu.memory_space<vmem>>
      tpu.enqueue_dma source(%dma_start3A_58 : memref<128x144xf32, #tpu.memory_space<vmem>>) target(%dma_start3A_55 : memref<128x144xf32, #tpu.memory_space<vmem_shared>>) target_semaphore(%run_scoped3A : memref<!tpu.dma_semaphore, #tpu.memory_space<semaphore_mem>>)
      %dma_wait3A = arith.constant 0 : i32
      %dma_wait3A_59 = arith.constant 0 : i32
      %dma_wait3A_60 = tpu.memref_slice %arg15[%dma_wait3A, %dma_wait3A_59] : memref<128x144xf32, #tpu.memory_space<vmem>> -> memref<128x144xf32, #tpu.memory_space<vmem>>
      %dma_wait3A_61 = arith.constant 0 : i32
      %dma_wait3A_62 = tpu.memref_slice %arg8[%add3A_18, %dma_wait3A_61] : memref<10112x144xf32, #tpu.memory_space<vmem_shared>> -> memref<128x144xf32, #tpu.memory_space<vmem_shared>>
      %dma_wait3A_63 = arith.constant 0 : i32
      %dma_wait3A_64 = tpu.memref_slice %arg8[%add3A_18, %dma_wait3A_63] : memref<10112x144xf32, #tpu.memory_space<vmem_shared>> -> memref<128x144xf32, #tpu.memory_space<vmem_shared>>
      %dma_wait3A_65 = arith.constant 0 : i32
      %dma_wait3A_66 = arith.constant 0 : i32
      %dma_wait3A_67 = tpu.memref_slice %arg15[%dma_wait3A_65, %dma_wait3A_66] : memref<128x144xf32, #tpu.memory_space<vmem>> -> memref<128x144xf32, #tpu.memory_space<vmem>>
      tpu.wait_dma2 semaphore(%run_scoped3A : memref<!tpu.dma_semaphore, #tpu.memory_space<semaphore_mem>>) src(%dma_wait3A_67 : memref<128x144xf32, #tpu.memory_space<vmem>>) dst(%dma_wait3A_64 : memref<128x144xf32, #tpu.memory_space<vmem_shared>>)
      tpu.yield
    }) : () -> ()
    %mul3A_19 = arith.constant 632 : i32
    %mul3A_20 = arith.muli %arg1, %mul3A_19 : i32
    %add3A_21 = arith.constant 512 : i32
    %add3A_22 = arith.addi %mul3A_20, %add3A_21 : i32
    "tpu.region"() ({
      %run_scoped3A = tpu.sem_alloc : memref<!tpu.dma_semaphore, #tpu.memory_space<semaphore_mem>>
      %dma_start3A = arith.constant 0 : i32
      %dma_start3A_50 = arith.constant 0 : i32
      %dma_start3A_51 = tpu.memref_slice %arg15[%dma_start3A, %dma_start3A_50] : memref<128x144xf32, #tpu.memory_space<vmem>> -> memref<120x144xf32, #tpu.memory_space<vmem>>
      %dma_start3A_52 = arith.constant 0 : i32
      %dma_start3A_53 = tpu.memref_slice %arg8[%add3A_22, %dma_start3A_52] : memref<10112x144xf32, #tpu.memory_space<vmem_shared>> -> memref<120x144xf32, #tpu.memory_space<vmem_shared>>
      %dma_start3A_54 = arith.constant 0 : i32
      %dma_start3A_55 = tpu.memref_slice %arg8[%add3A_22, %dma_start3A_54] : memref<10112x144xf32, #tpu.memory_space<vmem_shared>> -> memref<120x144xf32, #tpu.memory_space<vmem_shared>>
      %dma_start3A_56 = arith.constant 0 : i32
      %dma_start3A_57 = arith.constant 0 : i32
      %dma_start3A_58 = tpu.memref_slice %arg15[%dma_start3A_56, %dma_start3A_57] : memref<128x144xf32, #tpu.memory_space<vmem>> -> memref<120x144xf32, #tpu.memory_space<vmem>>
      tpu.enqueue_dma source(%dma_start3A_58 : memref<120x144xf32, #tpu.memory_space<vmem>>) target(%dma_start3A_55 : memref<120x144xf32, #tpu.memory_space<vmem_shared>>) target_semaphore(%run_scoped3A : memref<!tpu.dma_semaphore, #tpu.memory_space<semaphore_mem>>)
      %dma_wait3A = arith.constant 0 : i32
      %dma_wait3A_59 = arith.constant 0 : i32
      %dma_wait3A_60 = tpu.memref_slice %arg15[%dma_wait3A, %dma_wait3A_59] : memref<128x144xf32, #tpu.memory_space<vmem>> -> memref<120x144xf32, #tpu.memory_space<vmem>>
      %dma_wait3A_61 = arith.constant 0 : i32
      %dma_wait3A_62 = tpu.memref_slice %arg8[%add3A_22, %dma_wait3A_61] : memref<10112x144xf32, #tpu.memory_space<vmem_shared>> -> memref<120x144xf32, #tpu.memory_space<vmem_shared>>
      %dma_wait3A_63 = arith.constant 0 : i32
      %dma_wait3A_64 = tpu.memref_slice %arg8[%add3A_22, %dma_wait3A_63] : memref<10112x144xf32, #tpu.memory_space<vmem_shared>> -> memref<120x144xf32, #tpu.memory_space<vmem_shared>>
      %dma_wait3A_65 = arith.constant 0 : i32
      %dma_wait3A_66 = arith.constant 0 : i32
      %dma_wait3A_67 = tpu.memref_slice %arg15[%dma_wait3A_65, %dma_wait3A_66] : memref<128x144xf32, #tpu.memory_space<vmem>> -> memref<120x144xf32, #tpu.memory_space<vmem>>
      tpu.wait_dma2 semaphore(%run_scoped3A : memref<!tpu.dma_semaphore, #tpu.memory_space<semaphore_mem>>) src(%dma_wait3A_67 : memref<120x144xf32, #tpu.memory_space<vmem>>) dst(%dma_wait3A_64 : memref<120x144xf32, #tpu.memory_space<vmem_shared>>)
      tpu.yield
    }) : () -> ()
    %barrier3A = arith.constant 0 : index
    tpu.barrier barrier_id(%barrier3A)
    %scan3A_23 = arith.constant 0 : i32
    %scan3A_24 = arith.constant 0 : i32
    %scan3A_25 = arith.constant 157 : i32
    %scan3A_26 = arith.addi %scan3A_24, %scan3A_25 : i32
    %scan3A_27 = arith.constant 1 : i32
    scf.for %scan3A_50 = %scan3A_24 to %scan3A_26 step %scan3A_27  : i32 {
      %mul3A_51 = arith.constant 20096 : i32
      %mul3A_52 = arith.muli %arg1, %mul3A_51 : i32
      %mul3A_53 = arith.constant 128 : i32
      %mul3A_54 = arith.muli %scan3A_50, %mul3A_53 : i32
      %add3A_55 = arith.addi %mul3A_52, %mul3A_54 : i32
      "tpu.region"() ({
        %run_scoped3A = tpu.sem_alloc : memref<!tpu.dma_semaphore, #tpu.memory_space<semaphore_mem>>
        %dma_start3A_256 = tpu.memref_slice %arg5[%add3A_55] : memref<321536xi32, #tpu.memory_space<hbm>> -> memref<128xi32, #tpu.memory_space<hbm>>
        %dma_start3A_257 = tpu.memref_slice %arg5[%add3A_55] : memref<321536xi32, #tpu.memory_space<hbm>> -> memref<128xi32, #tpu.memory_space<hbm>>
        tpu.enqueue_dma source(%dma_start3A_257 : memref<128xi32, #tpu.memory_space<hbm>>) target(%arg11 : memref<128xi32, #tpu.memory_space<vmem>>) target_semaphore(%run_scoped3A : memref<!tpu.dma_semaphore, #tpu.memory_space<semaphore_mem>>)
        %dma_wait3A_258 = tpu.memref_slice %arg5[%add3A_55] : memref<321536xi32, #tpu.memory_space<hbm>> -> memref<128xi32, #tpu.memory_space<hbm>>
        %dma_wait3A_259 = tpu.memref_slice %arg5[%add3A_55] : memref<321536xi32, #tpu.memory_space<hbm>> -> memref<128xi32, #tpu.memory_space<hbm>>
        tpu.wait_dma2 semaphore(%run_scoped3A : memref<!tpu.dma_semaphore, #tpu.memory_space<semaphore_mem>>) src(%dma_wait3A_259 : memref<128xi32, #tpu.memory_space<hbm>>) dst(%arg11 : memref<128xi32, #tpu.memory_space<vmem>>)
        tpu.yield
      }) : () -> ()
      "tpu.region"() ({
        %run_scoped3A = tpu.sem_alloc : memref<!tpu.dma_semaphore, #tpu.memory_space<semaphore_mem>>
        %dma_start3A_256 = tpu.memref_slice %arg6[%add3A_55] : memref<321536xi32, #tpu.memory_space<hbm>> -> memref<128xi32, #tpu.memory_space<hbm>>
        %dma_start3A_257 = tpu.memref_slice %arg6[%add3A_55] : memref<321536xi32, #tpu.memory_space<hbm>> -> memref<128xi32, #tpu.memory_space<hbm>>
        tpu.enqueue_dma source(%dma_start3A_257 : memref<128xi32, #tpu.memory_space<hbm>>) target(%arg12 : memref<128xi32, #tpu.memory_space<vmem>>) target_semaphore(%run_scoped3A : memref<!tpu.dma_semaphore, #tpu.memory_space<semaphore_mem>>)
        %dma_wait3A_258 = tpu.memref_slice %arg6[%add3A_55] : memref<321536xi32, #tpu.memory_space<hbm>> -> memref<128xi32, #tpu.memory_space<hbm>>
        %dma_wait3A_259 = tpu.memref_slice %arg6[%add3A_55] : memref<321536xi32, #tpu.memory_space<hbm>> -> memref<128xi32, #tpu.memory_space<hbm>>
        tpu.wait_dma2 semaphore(%run_scoped3A : memref<!tpu.dma_semaphore, #tpu.memory_space<semaphore_mem>>) src(%dma_wait3A_259 : memref<128xi32, #tpu.memory_space<hbm>>) dst(%arg12 : memref<128xi32, #tpu.memory_space<vmem>>)
        tpu.yield
      }) : () -> ()
      %get3A = arith.constant 0 : index
      %get3A_56 = tpu.vector_load %arg11[%get3A] {strides = array<i32>} : memref<128xi32, #tpu.memory_space<vmem>>, vector<16xi32>,
      %mul3A_57 = arith.constant 10112 : i32
      %mul3A_58 = arith.muli %arg0, %mul3A_57 : i32
      %add3A_59 = vector.broadcast %mul3A_58 : i32 to vector<16xi32>
      %add3A_60 = arith.addi %get3A_56, %add3A_59 : vector<16xi32>
      %swap3A = arith.constant 0 : index
      %swap3A_61 = tpu.vector_load %arg13[%swap3A] {strides = array<i32>} : memref<128xi32, #tpu.memory_space<vmem>>, vector<16xi32>,
      tpu.vector_store %arg13[%swap3A], %add3A_60 {strides = array<i32>} : memref<128xi32, #tpu.memory_space<vmem>>, vector<16xi32>,
      %get3A_62 = arith.constant 16 : index
      %get3A_63 = tpu.vector_load %arg11[%get3A_62] {strides = array<i32>} : memref<128xi32, #tpu.memory_space<vmem>>, vector<16xi32>,
      %mul3A_64 = arith.constant 10112 : i32
      %mul3A_65 = arith.muli %arg0, %mul3A_64 : i32
      %add3A_66 = vector.broadcast %mul3A_65 : i32 to vector<16xi32>
      %add3A_67 = arith.addi %get3A_63, %add3A_66 : vector<16xi32>
      %swap3A_68 = arith.constant 16 : index
      %swap3A_69 = tpu.vector_load %arg13[%swap3A_68] {strides = array<i32>} : memref<128xi32, #tpu.memory_space<vmem>>, vector<16xi32>,
      tpu.vector_store %arg13[%swap3A_68], %add3A_67 {strides = array<i32>} : memref<128xi32, #tpu.memory_space<vmem>>, vector<16xi32>,
      %get3A_70 = arith.constant 32 : index
      %get3A_71 = tpu.vector_load %arg11[%get3A_70] {strides = array<i32>} : memref<128xi32, #tpu.memory_space<vmem>>, vector<16xi32>,
      %mul3A_72 = arith.constant 10112 : i32
      %mul3A_73 = arith.muli %arg0, %mul3A_72 : i32
      %add3A_74 = vector.broadcast %mul3A_73 : i32 to vector<16xi32>
      %add3A_75 = arith.addi %get3A_71, %add3A_74 : vector<16xi32>
      %swap3A_76 = arith.constant 32 : index
      %swap3A_77 = tpu.vector_load %arg13[%swap3A_76] {strides = array<i32>} : memref<128xi32, #tpu.memory_space<vmem>>, vector<16xi32>,
      tpu.vector_store %arg13[%swap3A_76], %add3A_75 {strides = array<i32>} : memref<128xi32, #tpu.memory_space<vmem>>, vector<16xi32>,
      %get3A_78 = arith.constant 48 : index
      %get3A_79 = tpu.vector_load %arg11[%get3A_78] {strides = array<i32>} : memref<128xi32, #tpu.memory_space<vmem>>, vector<16xi32>,
      %mul3A_80 = arith.constant 10112 : i32
      %mul3A_81 = arith.muli %arg0, %mul3A_80 : i32
      %add3A_82 = vector.broadcast %mul3A_81 : i32 to vector<16xi32>
      %add3A_83 = arith.addi %get3A_79, %add3A_82 : vector<16xi32>
      %swap3A_84 = arith.constant 48 : index
      %swap3A_85 = tpu.vector_load %arg13[%swap3A_84] {strides = array<i32>} : memref<128xi32, #tpu.memory_space<vmem>>, vector<16xi32>,
      tpu.vector_store %arg13[%swap3A_84], %add3A_83 {strides = array<i32>} : memref<128xi32, #tpu.memory_space<vmem>>, vector<16xi32>,
      %get3A_86 = arith.constant 64 : index
      %get3A_87 = tpu.vector_load %arg11[%get3A_86] {strides = array<i32>} : memref<128xi32, #tpu.memory_space<vmem>>, vector<16xi32>,
      %mul3A_88 = arith.constant 10112 : i32
      %mul3A_89 = arith.muli %arg0, %mul3A_88 : i32
      %add3A_90 = vector.broadcast %mul3A_89 : i32 to vector<16xi32>
      %add3A_91 = arith.addi %get3A_87, %add3A_90 : vector<16xi32>
      %swap3A_92 = arith.constant 64 : index
      %swap3A_93 = tpu.vector_load %arg13[%swap3A_92] {strides = array<i32>} : memref<128xi32, #tpu.memory_space<vmem>>, vector<16xi32>,
      tpu.vector_store %arg13[%swap3A_92], %add3A_91 {strides = array<i32>} : memref<128xi32, #tpu.memory_space<vmem>>, vector<16xi32>,
      %get3A_94 = arith.constant 80 : index
      %get3A_95 = tpu.vector_load %arg11[%get3A_94] {strides = array<i32>} : memref<128xi32, #tpu.memory_space<vmem>>, vector<16xi32>,
      %mul3A_96 = arith.constant 10112 : i32
      %mul3A_97 = arith.muli %arg0, %mul3A_96 : i32
      %add3A_98 = vector.broadcast %mul3A_97 : i32 to vector<16xi32>
      %add3A_99 = arith.addi %get3A_95, %add3A_98 : vector<16xi32>
      %swap3A_100 = arith.constant 80 : index
      %swap3A_101 = tpu.vector_load %arg13[%swap3A_100] {strides = array<i32>} : memref<128xi32, #tpu.memory_space<vmem>>, vector<16xi32>,
      tpu.vector_store %arg13[%swap3A_100], %add3A_99 {strides = array<i32>} : memref<128xi32, #tpu.memory_space<vmem>>, vector<16xi32>,
      %get3A_102 = arith.constant 96 : index
      %get3A_103 = tpu.vector_load %arg11[%get3A_102] {strides = array<i32>} : memref<128xi32, #tpu.memory_space<vmem>>, vector<16xi32>,
      %mul3A_104 = arith.constant 10112 : i32
      %mul3A_105 = arith.muli %arg0, %mul3A_104 : i32
      %add3A_106 = vector.broadcast %mul3A_105 : i32 to vector<16xi32>
      %add3A_107 = arith.addi %get3A_103, %add3A_106 : vector<16xi32>
      %swap3A_108 = arith.constant 96 : index
      %swap3A_109 = tpu.vector_load %arg13[%swap3A_108] {strides = array<i32>} : memref<128xi32, #tpu.memory_space<vmem>>, vector<16xi32>,
      tpu.vector_store %arg13[%swap3A_108], %add3A_107 {strides = array<i32>} : memref<128xi32, #tpu.memory_space<vmem>>, vector<16xi32>,
      %get3A_110 = arith.constant 112 : index
      %get3A_111 = tpu.vector_load %arg11[%get3A_110] {strides = array<i32>} : memref<128xi32, #tpu.memory_space<vmem>>, vector<16xi32>,
      %mul3A_112 = arith.constant 10112 : i32
      %mul3A_113 = arith.muli %arg0, %mul3A_112 : i32
      %add3A_114 = vector.broadcast %mul3A_113 : i32 to vector<16xi32>
      %add3A_115 = arith.addi %get3A_111, %add3A_114 : vector<16xi32>
      %swap3A_116 = arith.constant 112 : index
      %swap3A_117 = tpu.vector_load %arg13[%swap3A_116] {strides = array<i32>} : memref<128xi32, #tpu.memory_space<vmem>>, vector<16xi32>,
      tpu.vector_store %arg13[%swap3A_116], %add3A_115 {strides = array<i32>} : memref<128xi32, #tpu.memory_space<vmem>>, vector<16xi32>,
      %dma_start3A = arith.constant 0 : i32
      %dma_start3A_118 = arith.constant 0 : i32
      %dma_start3A_119 = tpu.memref_slice %arg2[%dma_start3A, %dma_start3A_118] : memref<20224x144xf32, #tpu.memory_space<hbm>> -> memref<20224x144xf32, #tpu.memory_space<hbm>>
      tpu.enqueue_indirect_dma source(%dma_start3A_119 : memref<20224x144xf32, #tpu.memory_space<hbm>>) target(%arg15 : memref<128x144xf32, #tpu.memory_space<vmem>>) offsets(%arg13 : memref<128xi32, #tpu.memory_space<vmem>>) semaphore(%arg16 : memref<!tpu.dma_semaphore, #tpu.memory_space<semaphore_mem>>)
      %get3A_120 = arith.constant 0 : index
      %get3A_121 = tpu.vector_load %arg11[%get3A_120] {strides = array<i32>} : memref<128xi32, #tpu.memory_space<vmem>>, vector<16xi32>,
      %gather3A = tpu.vector_load_idx %arg9[%get3A_121] : memref<10016xf32, #tpu.memory_space<vmem>>[vector<16xi32>], vector<16xf32>,
      %get3A_122 = arith.constant 0 : index
      %get3A_123 = tpu.vector_load %arg12[%get3A_122] {strides = array<i32>} : memref<128xi32, #tpu.memory_space<vmem>>, vector<16xi32>,
      %gather3A_124 = tpu.vector_load_idx %arg10[%get3A_123] : memref<10016xf32, #tpu.memory_space<vmem>>[vector<16xi32>], vector<16xf32>,
      %add3A_125 = arith.addf %gather3A, %gather3A_124 : vector<16xf32>
      %lt3A = arith.constant 0.000000e+00 : f32
      %lt3A_126 = vector.broadcast %lt3A : f32 to vector<16xf32>
      %lt3A_127 = arith.cmpf olt, %add3A_125, %lt3A_126 : vector<16xf32>
      %mul3A_128 = arith.constant 2.000000e-01 : f32
      %mul3A_129 = vector.broadcast %mul3A_128 : f32 to vector<16xf32>
      %mul3A_130 = arith.mulf %mul3A_129, %add3A_125 : vector<16xf32>
      %select_n3A = arith.select %lt3A_127, %mul3A_130, %add3A_125 : vector<16xi1>, vector<16xf32>
      %exp3A = math.exp %select_n3A : vector<16xf32>
      %swap3A_131 = arith.constant 0 : index
      %swap3A_132 = tpu.vector_load %arg14[%swap3A_131] {strides = array<i32>} : memref<144xf32, #tpu.memory_space<vmem>>, vector<16xf32>,
      tpu.vector_store %arg14[%swap3A_131], %exp3A {strides = array<i32>} : memref<144xf32, #tpu.memory_space<vmem>>, vector<16xf32>,
      %get3A_133 = arith.constant 16 : index
      %get3A_134 = tpu.vector_load %arg11[%get3A_133] {strides = array<i32>} : memref<128xi32, #tpu.memory_space<vmem>>, vector<16xi32>,
      %gather3A_135 = tpu.vector_load_idx %arg9[%get3A_134] : memref<10016xf32, #tpu.memory_space<vmem>>[vector<16xi32>], vector<16xf32>,
      %get3A_136 = arith.constant 16 : index
      %get3A_137 = tpu.vector_load %arg12[%get3A_136] {strides = array<i32>} : memref<128xi32, #tpu.memory_space<vmem>>, vector<16xi32>,
      %gather3A_138 = tpu.vector_load_idx %arg10[%get3A_137] : memref<10016xf32, #tpu.memory_space<vmem>>[vector<16xi32>], vector<16xf32>,
      %add3A_139 = arith.addf %gather3A_135, %gather3A_138 : vector<16xf32>
      %lt3A_140 = arith.constant 0.000000e+00 : f32
      %lt3A_141 = vector.broadcast %lt3A_140 : f32 to vector<16xf32>
      %lt3A_142 = arith.cmpf olt, %add3A_139, %lt3A_141 : vector<16xf32>
      %mul3A_143 = arith.constant 2.000000e-01 : f32
      %mul3A_144 = vector.broadcast %mul3A_143 : f32 to vector<16xf32>
      %mul3A_145 = arith.mulf %mul3A_144, %add3A_139 : vector<16xf32>
      %select_n3A_146 = arith.select %lt3A_142, %mul3A_145, %add3A_139 : vector<16xi1>, vector<16xf32>
      %exp3A_147 = math.exp %select_n3A_146 : vector<16xf32>
      %swap3A_148 = arith.constant 16 : index
      %swap3A_149 = tpu.vector_load %arg14[%swap3A_148] {strides = array<i32>} : memref<144xf32, #tpu.memory_space<vmem>>, vector<16xf32>,
      tpu.vector_store %arg14[%swap3A_148], %exp3A_147 {strides = array<i32>} : memref<144xf32, #tpu.memory_space<vmem>>, vector<16xf32>,
      %get3A_150 = arith.constant 32 : index
      %get3A_151 = tpu.vector_load %arg11[%get3A_150] {strides = array<i32>} : memref<128xi32, #tpu.memory_space<vmem>>, vector<16xi32>,
      %gather3A_152 = tpu.vector_load_idx %arg9[%get3A_151] : memref<10016xf32, #tpu.memory_space<vmem>>[vector<16xi32>], vector<16xf32>,
      %get3A_153 = arith.constant 32 : index
      %get3A_154 = tpu.vector_load %arg12[%get3A_153] {strides = array<i32>} : memref<128xi32, #tpu.memory_space<vmem>>, vector<16xi32>,
      %gather3A_155 = tpu.vector_load_idx %arg10[%get3A_154] : memref<10016xf32, #tpu.memory_space<vmem>>[vector<16xi32>], vector<16xf32>,
      %add3A_156 = arith.addf %gather3A_152, %gather3A_155 : vector<16xf32>
      %lt3A_157 = arith.constant 0.000000e+00 : f32
      %lt3A_158 = vector.broadcast %lt3A_157 : f32 to vector<16xf32>
      %lt3A_159 = arith.cmpf olt, %add3A_156, %lt3A_158 : vector<16xf32>
      %mul3A_160 = arith.constant 2.000000e-01 : f32
      %mul3A_161 = vector.broadcast %mul3A_160 : f32 to vector<16xf32>
      %mul3A_162 = arith.mulf %mul3A_161, %add3A_156 : vector<16xf32>
      %select_n3A_163 = arith.select %lt3A_159, %mul3A_162, %add3A_156 : vector<16xi1>, vector<16xf32>
      %exp3A_164 = math.exp %select_n3A_163 : vector<16xf32>
      %swap3A_165 = arith.constant 32 : index
      %swap3A_166 = tpu.vector_load %arg14[%swap3A_165] {strides = array<i32>} : memref<144xf32, #tpu.memory_space<vmem>>, vector<16xf32>,
      tpu.vector_store %arg14[%swap3A_165], %exp3A_164 {strides = array<i32>} : memref<144xf32, #tpu.memory_space<vmem>>, vector<16xf32>,
      %get3A_167 = arith.constant 48 : index
      %get3A_168 = tpu.vector_load %arg11[%get3A_167] {strides = array<i32>} : memref<128xi32, #tpu.memory_space<vmem>>, vector<16xi32>,
      %gather3A_169 = tpu.vector_load_idx %arg9[%get3A_168] : memref<10016xf32, #tpu.memory_space<vmem>>[vector<16xi32>], vector<16xf32>,
      %get3A_170 = arith.constant 48 : index
      %get3A_171 = tpu.vector_load %arg12[%get3A_170] {strides = array<i32>} : memref<128xi32, #tpu.memory_space<vmem>>, vector<16xi32>,
      %gather3A_172 = tpu.vector_load_idx %arg10[%get3A_171] : memref<10016xf32, #tpu.memory_space<vmem>>[vector<16xi32>], vector<16xf32>,
      %add3A_173 = arith.addf %gather3A_169, %gather3A_172 : vector<16xf32>
      %lt3A_174 = arith.constant 0.000000e+00 : f32
      %lt3A_175 = vector.broadcast %lt3A_174 : f32 to vector<16xf32>
      %lt3A_176 = arith.cmpf olt, %add3A_173, %lt3A_175 : vector<16xf32>
      %mul3A_177 = arith.constant 2.000000e-01 : f32
      %mul3A_178 = vector.broadcast %mul3A_177 : f32 to vector<16xf32>
      %mul3A_179 = arith.mulf %mul3A_178, %add3A_173 : vector<16xf32>
      %select_n3A_180 = arith.select %lt3A_176, %mul3A_179, %add3A_173 : vector<16xi1>, vector<16xf32>
      %exp3A_181 = math.exp %select_n3A_180 : vector<16xf32>
      %swap3A_182 = arith.constant 48 : index
      %swap3A_183 = tpu.vector_load %arg14[%swap3A_182] {strides = array<i32>} : memref<144xf32, #tpu.memory_space<vmem>>, vector<16xf32>,
      tpu.vector_store %arg14[%swap3A_182], %exp3A_181 {strides = array<i32>} : memref<144xf32, #tpu.memory_space<vmem>>, vector<16xf32>,
      %get3A_184 = arith.constant 64 : index
      %get3A_185 = tpu.vector_load %arg11[%get3A_184] {strides = array<i32>} : memref<128xi32, #tpu.memory_space<vmem>>, vector<16xi32>,
      %gather3A_186 = tpu.vector_load_idx %arg9[%get3A_185] : memref<10016xf32, #tpu.memory_space<vmem>>[vector<16xi32>], vector<16xf32>,
      %get3A_187 = arith.constant 64 : index
      %get3A_188 = tpu.vector_load %arg12[%get3A_187] {strides = array<i32>} : memref<128xi32, #tpu.memory_space<vmem>>, vector<16xi32>,
      %gather3A_189 = tpu.vector_load_idx %arg10[%get3A_188] : memref<10016xf32, #tpu.memory_space<vmem>>[vector<16xi32>], vector<16xf32>,
      %add3A_190 = arith.addf %gather3A_186, %gather3A_189 : vector<16xf32>
      %lt3A_191 = arith.constant 0.000000e+00 : f32
      %lt3A_192 = vector.broadcast %lt3A_191 : f32 to vector<16xf32>
      %lt3A_193 = arith.cmpf olt, %add3A_190, %lt3A_192 : vector<16xf32>
      %mul3A_194 = arith.constant 2.000000e-01 : f32
      %mul3A_195 = vector.broadcast %mul3A_194 : f32 to vector<16xf32>
      %mul3A_196 = arith.mulf %mul3A_195, %add3A_190 : vector<16xf32>
      %select_n3A_197 = arith.select %lt3A_193, %mul3A_196, %add3A_190 : vector<16xi1>, vector<16xf32>
      %exp3A_198 = math.exp %select_n3A_197 : vector<16xf32>
      %swap3A_199 = arith.constant 64 : index
      %swap3A_200 = tpu.vector_load %arg14[%swap3A_199] {strides = array<i32>} : memref<144xf32, #tpu.memory_space<vmem>>, vector<16xf32>,
      tpu.vector_store %arg14[%swap3A_199], %exp3A_198 {strides = array<i32>} : memref<144xf32, #tpu.memory_space<vmem>>, vector<16xf32>,
      %get3A_201 = arith.constant 80 : index
      %get3A_202 = tpu.vector_load %arg11[%get3A_201] {strides = array<i32>} : memref<128xi32, #tpu.memory_space<vmem>>, vector<16xi32>,
      %gather3A_203 = tpu.vector_load_idx %arg9[%get3A_202] : memref<10016xf32, #tpu.memory_space<vmem>>[vector<16xi32>], vector<16xf32>,
      %get3A_204 = arith.constant 80 : index
      %get3A_205 = tpu.vector_load %arg12[%get3A_204] {strides = array<i32>} : memref<128xi32, #tpu.memory_space<vmem>>, vector<16xi32>,
      %gather3A_206 = tpu.vector_load_idx %arg10[%get3A_205] : memref<10016xf32, #tpu.memory_space<vmem>>[vector<16xi32>], vector<16xf32>,
      %add3A_207 = arith.addf %gather3A_203, %gather3A_206 : vector<16xf32>
      %lt3A_208 = arith.constant 0.000000e+00 : f32
      %lt3A_209 = vector.broadcast %lt3A_208 : f32 to vector<16xf32>
      %lt3A_210 = arith.cmpf olt, %add3A_207, %lt3A_209 : vector<16xf32>
      %mul3A_211 = arith.constant 2.000000e-01 : f32
      %mul3A_212 = vector.broadcast %mul3A_211 : f32 to vector<16xf32>
      %mul3A_213 = arith.mulf %mul3A_212, %add3A_207 : vector<16xf32>
      %select_n3A_214 = arith.select %lt3A_210, %mul3A_213, %add3A_207 : vector<16xi1>, vector<16xf32>
      %exp3A_215 = math.exp %select_n3A_214 : vector<16xf32>
      %swap3A_216 = arith.constant 80 : index
      %swap3A_217 = tpu.vector_load %arg14[%swap3A_216] {strides = array<i32>} : memref<144xf32, #tpu.memory_space<vmem>>, vector<16xf32>,
      tpu.vector_store %arg14[%swap3A_216], %exp3A_215 {strides = array<i32>} : memref<144xf32, #tpu.memory_space<vmem>>, vector<16xf32>,
      %get3A_218 = arith.constant 96 : index
      %get3A_219 = tpu.vector_load %arg11[%get3A_218] {strides = array<i32>} : memref<128xi32, #tpu.memory_space<vmem>>, vector<16xi32>,
      %gather3A_220 = tpu.vector_load_idx %arg9[%get3A_219] : memref<10016xf32, #tpu.memory_space<vmem>>[vector<16xi32>], vector<16xf32>,
      %get3A_221 = arith.constant 96 : index
      %get3A_222 = tpu.vector_load %arg12[%get3A_221] {strides = array<i32>} : memref<128xi32, #tpu.memory_space<vmem>>, vector<16xi32>,
      %gather3A_223 = tpu.vector_load_idx %arg10[%get3A_222] : memref<10016xf32, #tpu.memory_space<vmem>>[vector<16xi32>], vector<16xf32>,
      %add3A_224 = arith.addf %gather3A_220, %gather3A_223 : vector<16xf32>
      %lt3A_225 = arith.constant 0.000000e+00 : f32
      %lt3A_226 = vector.broadcast %lt3A_225 : f32 to vector<16xf32>
      %lt3A_227 = arith.cmpf olt, %add3A_224, %lt3A_226 : vector<16xf32>
      %mul3A_228 = arith.constant 2.000000e-01 : f32
      %mul3A_229 = vector.broadcast %mul3A_228 : f32 to vector<16xf32>
      %mul3A_230 = arith.mulf %mul3A_229, %add3A_224 : vector<16xf32>
      %select_n3A_231 = arith.select %lt3A_227, %mul3A_230, %add3A_224 : vector<16xi1>, vector<16xf32>
      %exp3A_232 = math.exp %select_n3A_231 : vector<16xf32>
      %swap3A_233 = arith.constant 96 : index
      %swap3A_234 = tpu.vector_load %arg14[%swap3A_233] {strides = array<i32>} : memref<144xf32, #tpu.memory_space<vmem>>, vector<16xf32>,
      tpu.vector_store %arg14[%swap3A_233], %exp3A_232 {strides = array<i32>} : memref<144xf32, #tpu.memory_space<vmem>>, vector<16xf32>,
      %get3A_235 = arith.constant 112 : index
      %get3A_236 = tpu.vector_load %arg11[%get3A_235] {strides = array<i32>} : memref<128xi32, #tpu.memory_space<vmem>>, vector<16xi32>,
      %gather3A_237 = tpu.vector_load_idx %arg9[%get3A_236] : memref<10016xf32, #tpu.memory_space<vmem>>[vector<16xi32>], vector<16xf32>,
      %get3A_238 = arith.constant 112 : index
      %get3A_239 = tpu.vector_load %arg12[%get3A_238] {strides = array<i32>} : memref<128xi32, #tpu.memory_space<vmem>>, vector<16xi32>,
      %gather3A_240 = tpu.vector_load_idx %arg10[%get3A_239] : memref<10016xf32, #tpu.memory_space<vmem>>[vector<16xi32>], vector<16xf32>,
      %add3A_241 = arith.addf %gather3A_237, %gather3A_240 : vector<16xf32>
      %lt3A_242 = arith.constant 0.000000e+00 : f32
      %lt3A_243 = vector.broadcast %lt3A_242 : f32 to vector<16xf32>
      %lt3A_244 = arith.cmpf olt, %add3A_241, %lt3A_243 : vector<16xf32>
      %mul3A_245 = arith.constant 2.000000e-01 : f32
      %mul3A_246 = vector.broadcast %mul3A_245 : f32 to vector<16xf32>
      %mul3A_247 = arith.mulf %mul3A_246, %add3A_241 : vector<16xf32>
      %select_n3A_248 = arith.select %lt3A_244, %mul3A_247, %add3A_241 : vector<16xi1>, vector<16xf32>
      %exp3A_249 = math.exp %select_n3A_248 : vector<16xf32>
      %swap3A_250 = arith.constant 112 : index
      %swap3A_251 = tpu.vector_load %arg14[%swap3A_250] {strides = array<i32>} : memref<144xf32, #tpu.memory_space<vmem>>, vector<16xf32>,
      tpu.vector_store %arg14[%swap3A_250], %exp3A_249 {strides = array<i32>} : memref<144xf32, #tpu.memory_space<vmem>>, vector<16xf32>,
      %dma_wait3A = arith.constant 0 : i32
      %dma_wait3A_252 = arith.constant 0 : i32
      %dma_wait3A_253 = tpu.memref_slice %arg2[%dma_wait3A, %dma_wait3A_252] : memref<20224x144xf32, #tpu.memory_space<hbm>> -> memref<20224x144xf32, #tpu.memory_space<hbm>>
      tpu.wait_indirect_dma semaphore(%arg16 : memref<!tpu.dma_semaphore, #tpu.memory_space<semaphore_mem>>) src(%dma_wait3A_253 : memref<20224x144xf32, #tpu.memory_space<hbm>>) dst(%arg15 : memref<128x144xf32, #tpu.memory_space<vmem>>)
      %parallel_loop3A = arith.constant 0 : i32
      %parallel_loop3A_254 = arith.constant 128 : i32
      %parallel_loop3A_255 = arith.constant 1 : i32
      scf.for %parallel_loop3A_256 = %parallel_loop3A to %parallel_loop3A_254 step %parallel_loop3A_255  : i32 {
        %parallel_loop3A_257 = arith.index_cast %parallel_loop3A_256 : i32 to index
        %parallel_loop3A_258 = tpu.vector_load %arg14[%parallel_loop3A_257] {strides = array<i32>} : memref<144xf32, #tpu.memory_space<vmem>>, vector<16xf32>,
        %parallel_loop3A_259 = vector.extract_strided_slice %parallel_loop3A_258 {offsets = [0], sizes = [1], strides = [1]} : vector<16xf32> to vector<1xf32>
        %parallel_loop3A_260 = vector.extract %parallel_loop3A_259[0] : f32 from vector<1xf32>
        %parallel_loop3A_261 = arith.index_cast %parallel_loop3A_256 : i32 to index
        %parallel_loop3A_262 = arith.constant 0 : index
        %parallel_loop3A_263 = tpu.vector_load %arg15[%parallel_loop3A_261, %parallel_loop3A_262] {strides = array<i32>} : memref<128x144xf32, #tpu.memory_space<vmem>>, vector<16xf32>,
        %parallel_loop3A_264 = vector.broadcast %parallel_loop3A_260 : f32 to vector<16xf32>
        %parallel_loop3A_265 = arith.mulf %parallel_loop3A_263, %parallel_loop3A_264 : vector<16xf32>
        %parallel_loop3A_266 = arith.index_cast %parallel_loop3A_256 : i32 to index
        %parallel_loop3A_267 = arith.constant 0 : index
        %parallel_loop3A_268 = tpu.vector_load %arg15[%parallel_loop3A_266, %parallel_loop3A_267] {strides = array<i32>} : memref<128x144xf32, #tpu.memory_space<vmem>>, vector<16xf32>,
        tpu.vector_store %arg15[%parallel_loop3A_266, %parallel_loop3A_267], %parallel_loop3A_265 {strides = array<i32>} : memref<128x144xf32, #tpu.memory_space<vmem>>, vector<16xf32>,
        %parallel_loop3A_269 = arith.index_cast %parallel_loop3A_256 : i32 to index
        %parallel_loop3A_270 = arith.constant 16 : index
        %parallel_loop3A_271 = tpu.vector_load %arg15[%parallel_loop3A_269, %parallel_loop3A_270] {strides = array<i32>} : memref<128x144xf32, #tpu.memory_space<vmem>>, vector<16xf32>,
        %parallel_loop3A_272 = vector.broadcast %parallel_loop3A_260 : f32 to vector<16xf32>
        %parallel_loop3A_273 = arith.mulf %parallel_loop3A_271, %parallel_loop3A_272 : vector<16xf32>
        %parallel_loop3A_274 = arith.index_cast %parallel_loop3A_256 : i32 to index
        %parallel_loop3A_275 = arith.constant 16 : index
        %parallel_loop3A_276 = tpu.vector_load %arg15[%parallel_loop3A_274, %parallel_loop3A_275] {strides = array<i32>} : memref<128x144xf32, #tpu.memory_space<vmem>>, vector<16xf32>,
        tpu.vector_store %arg15[%parallel_loop3A_274, %parallel_loop3A_275], %parallel_loop3A_273 {strides = array<i32>} : memref<128x144xf32, #tpu.memory_space<vmem>>, vector<16xf32>,
        %parallel_loop3A_277 = arith.index_cast %parallel_loop3A_256 : i32 to index
        %parallel_loop3A_278 = arith.constant 32 : index
        %parallel_loop3A_279 = tpu.vector_load %arg15[%parallel_loop3A_277, %parallel_loop3A_278] {strides = array<i32>} : memref<128x144xf32, #tpu.memory_space<vmem>>, vector<16xf32>,
        %parallel_loop3A_280 = vector.broadcast %parallel_loop3A_260 : f32 to vector<16xf32>
        %parallel_loop3A_281 = arith.mulf %parallel_loop3A_279, %parallel_loop3A_280 : vector<16xf32>
        %parallel_loop3A_282 = arith.index_cast %parallel_loop3A_256 : i32 to index
        %parallel_loop3A_283 = arith.constant 32 : index
        %parallel_loop3A_284 = tpu.vector_load %arg15[%parallel_loop3A_282, %parallel_loop3A_283] {strides = array<i32>} : memref<128x144xf32, #tpu.memory_space<vmem>>, vector<16xf32>,
        tpu.vector_store %arg15[%parallel_loop3A_282, %parallel_loop3A_283], %parallel_loop3A_281 {strides = array<i32>} : memref<128x144xf32, #tpu.memory_space<vmem>>, vector<16xf32>,
        %parallel_loop3A_285 = arith.index_cast %parallel_loop3A_256 : i32 to index
        %parallel_loop3A_286 = arith.constant 48 : index
        %parallel_loop3A_287 = tpu.vector_load %arg15[%parallel_loop3A_285, %parallel_loop3A_286] {strides = array<i32>} : memref<128x144xf32, #tpu.memory_space<vmem>>, vector<16xf32>,
        %parallel_loop3A_288 = vector.broadcast %parallel_loop3A_260 : f32 to vector<16xf32>
        %parallel_loop3A_289 = arith.mulf %parallel_loop3A_287, %parallel_loop3A_288 : vector<16xf32>
        %parallel_loop3A_290 = arith.index_cast %parallel_loop3A_256 : i32 to index
        %parallel_loop3A_291 = arith.constant 48 : index
        %parallel_loop3A_292 = tpu.vector_load %arg15[%parallel_loop3A_290, %parallel_loop3A_291] {strides = array<i32>} : memref<128x144xf32, #tpu.memory_space<vmem>>, vector<16xf32>,
        tpu.vector_store %arg15[%parallel_loop3A_290, %parallel_loop3A_291], %parallel_loop3A_289 {strides = array<i32>} : memref<128x144xf32, #tpu.memory_space<vmem>>, vector<16xf32>,
        %parallel_loop3A_293 = arith.index_cast %parallel_loop3A_256 : i32 to index
        %parallel_loop3A_294 = arith.constant 64 : index
        %parallel_loop3A_295 = tpu.vector_load %arg15[%parallel_loop3A_293, %parallel_loop3A_294] {strides = array<i32>} : memref<128x144xf32, #tpu.memory_space<vmem>>, vector<16xf32>,
        %parallel_loop3A_296 = vector.broadcast %parallel_loop3A_260 : f32 to vector<16xf32>
        %parallel_loop3A_297 = arith.mulf %parallel_loop3A_295, %parallel_loop3A_296 : vector<16xf32>
        %parallel_loop3A_298 = arith.index_cast %parallel_loop3A_256 : i32 to index
        %parallel_loop3A_299 = arith.constant 64 : index
        %parallel_loop3A_300 = tpu.vector_load %arg15[%parallel_loop3A_298, %parallel_loop3A_299] {strides = array<i32>} : memref<128x144xf32, #tpu.memory_space<vmem>>, vector<16xf32>,
        tpu.vector_store %arg15[%parallel_loop3A_298, %parallel_loop3A_299], %parallel_loop3A_297 {strides = array<i32>} : memref<128x144xf32, #tpu.memory_space<vmem>>, vector<16xf32>,
        %parallel_loop3A_301 = arith.index_cast %parallel_loop3A_256 : i32 to index
        %parallel_loop3A_302 = arith.constant 80 : index
        %parallel_loop3A_303 = tpu.vector_load %arg15[%parallel_loop3A_301, %parallel_loop3A_302] {strides = array<i32>} : memref<128x144xf32, #tpu.memory_space<vmem>>, vector<16xf32>,
        %parallel_loop3A_304 = vector.broadcast %parallel_loop3A_260 : f32 to vector<16xf32>
        %parallel_loop3A_305 = arith.mulf %parallel_loop3A_303, %parallel_loop3A_304 : vector<16xf32>
        %parallel_loop3A_306 = arith.index_cast %parallel_loop3A_256 : i32 to index
        %parallel_loop3A_307 = arith.constant 80 : index
        %parallel_loop3A_308 = tpu.vector_load %arg15[%parallel_loop3A_306, %parallel_loop3A_307] {strides = array<i32>} : memref<128x144xf32, #tpu.memory_space<vmem>>, vector<16xf32>,
        tpu.vector_store %arg15[%parallel_loop3A_306, %parallel_loop3A_307], %parallel_loop3A_305 {strides = array<i32>} : memref<128x144xf32, #tpu.memory_space<vmem>>, vector<16xf32>,
        %parallel_loop3A_309 = arith.index_cast %parallel_loop3A_256 : i32 to index
        %parallel_loop3A_310 = arith.constant 96 : index
        %parallel_loop3A_311 = tpu.vector_load %arg15[%parallel_loop3A_309, %parallel_loop3A_310] {strides = array<i32>} : memref<128x144xf32, #tpu.memory_space<vmem>>, vector<16xf32>,
        %parallel_loop3A_312 = vector.broadcast %parallel_loop3A_260 : f32 to vector<16xf32>
        %parallel_loop3A_313 = arith.mulf %parallel_loop3A_311, %parallel_loop3A_312 : vector<16xf32>
        %parallel_loop3A_314 = arith.index_cast %parallel_loop3A_256 : i32 to index
        %parallel_loop3A_315 = arith.constant 96 : index
        %parallel_loop3A_316 = tpu.vector_load %arg15[%parallel_loop3A_314, %parallel_loop3A_315] {strides = array<i32>} : memref<128x144xf32, #tpu.memory_space<vmem>>, vector<16xf32>,
        tpu.vector_store %arg15[%parallel_loop3A_314, %parallel_loop3A_315], %parallel_loop3A_313 {strides = array<i32>} : memref<128x144xf32, #tpu.memory_space<vmem>>, vector<16xf32>,
        %parallel_loop3A_317 = arith.index_cast %parallel_loop3A_256 : i32 to index
        %parallel_loop3A_318 = arith.constant 112 : index
        %parallel_loop3A_319 = tpu.vector_load %arg15[%parallel_loop3A_317, %parallel_loop3A_318] {strides = array<i32>} : memref<128x144xf32, #tpu.memory_space<vmem>>, vector<16xf32>,
        %parallel_loop3A_320 = vector.broadcast %parallel_loop3A_260 : f32 to vector<16xf32>
        %parallel_loop3A_321 = arith.mulf %parallel_loop3A_319, %parallel_loop3A_320 : vector<16xf32>
        %parallel_loop3A_322 = arith.index_cast %parallel_loop3A_256 : i32 to index
        %parallel_loop3A_323 = arith.constant 112 : index
        %parallel_loop3A_324 = tpu.vector_load %arg15[%parallel_loop3A_322, %parallel_loop3A_323] {strides = array<i32>} : memref<128x144xf32, #tpu.memory_space<vmem>>, vector<16xf32>,
        tpu.vector_store %arg15[%parallel_loop3A_322, %parallel_loop3A_323], %parallel_loop3A_321 {strides = array<i32>} : memref<128x144xf32, #tpu.memory_space<vmem>>, vector<16xf32>,
        %parallel_loop3A_325 = arith.index_cast %parallel_loop3A_256 : i32 to index
        %parallel_loop3A_326 = arith.constant 128 : index
        %parallel_loop3A_327 = tpu.vector_load %arg15[%parallel_loop3A_325, %parallel_loop3A_326] {strides = array<i32>} : memref<128x144xf32, #tpu.memory_space<vmem>>, vector<16xf32>,
        %parallel_loop3A_328 = vector.broadcast %parallel_loop3A_260 : f32 to vector<16xf32>
        %parallel_loop3A_329 = arith.mulf %parallel_loop3A_327, %parallel_loop3A_328 : vector<16xf32>
        %parallel_loop3A_330 = arith.index_cast %parallel_loop3A_256 : i32 to index
        %parallel_loop3A_331 = arith.constant 128 : index
        %parallel_loop3A_332 = tpu.vector_load %arg15[%parallel_loop3A_330, %parallel_loop3A_331] {strides = array<i32>} : memref<128x144xf32, #tpu.memory_space<vmem>>, vector<16xf32>,
        tpu.vector_store %arg15[%parallel_loop3A_330, %parallel_loop3A_331], %parallel_loop3A_329 {strides = array<i32>} : memref<128x144xf32, #tpu.memory_space<vmem>>, vector<16xf32>,
      } {sc.loop_unroll_factor = 4 : i64, sc.parallel_access}
      "tpu.region"() ({
        %run_scoped3A = tpu.sem_alloc : memref<!tpu.dma_semaphore, #tpu.memory_space<semaphore_mem>>
        %dma_start3A_256 = arith.constant 0 : i32
        %dma_start3A_257 = arith.constant 0 : i32
        %dma_start3A_258 = tpu.memref_slice %arg8[%dma_start3A_256, %dma_start3A_257] : memref<10112x144xf32, #tpu.memory_space<vmem_shared>> -> memref<10112x144xf32, #tpu.memory_space<vmem_shared>>
        tpu.enqueue_indirect_dma source(%arg15 : memref<128x144xf32, #tpu.memory_space<vmem>>) target(%dma_start3A_258 : memref<10112x144xf32, #tpu.memory_space<vmem_shared>>) offsets(%arg12 : memref<128xi32, #tpu.memory_space<vmem>>) semaphore(%run_scoped3A : memref<!tpu.dma_semaphore, #tpu.memory_space<semaphore_mem>>) {add = true}
        %dma_wait3A_259 = arith.constant 0 : i32
        %dma_wait3A_260 = arith.constant 0 : i32
        %dma_wait3A_261 = tpu.memref_slice %arg8[%dma_wait3A_259, %dma_wait3A_260] : memref<10112x144xf32, #tpu.memory_space<vmem_shared>> -> memref<10112x144xf32, #tpu.memory_space<vmem_shared>>
        tpu.wait_indirect_dma semaphore(%run_scoped3A : memref<!tpu.dma_semaphore, #tpu.memory_space<semaphore_mem>>) src(%arg15 : memref<128x144xf32, #tpu.memory_space<vmem>>) dst(%dma_wait3A_261 : memref<10112x144xf32, #tpu.memory_space<vmem_shared>>)
        tpu.yield
      }) : () -> ()
    }
    %scan3A_28 = arith.constant 157 : i32
    %barrier3A_29 = arith.constant 0 : index
    tpu.barrier barrier_id(%barrier3A_29)
    %mul3A_30 = arith.constant 632 : i32
    %mul3A_31 = arith.muli %arg1, %mul3A_30 : i32
    %add3A_32 = arith.constant 0 : i32
    %add3A_33 = arith.addi %mul3A_31, %add3A_32 : i32
    "tpu.region"() ({
      %run_scoped3A = tpu.sem_alloc : memref<!tpu.dma_semaphore, #tpu.memory_space<semaphore_mem>>
      %dma_start3A = arith.constant 0 : i32
      %dma_start3A_50 = arith.constant 0 : i32
      %dma_start3A_51 = tpu.memref_slice %arg15[%dma_start3A, %dma_start3A_50] : memref<128x144xf32, #tpu.memory_space<vmem>> -> memref<128x144xf32, #tpu.memory_space<vmem>>
      %dma_start3A_52 = arith.constant 0 : i32
      %dma_start3A_53 = tpu.memref_slice %arg8[%add3A_33, %dma_start3A_52] : memref<10112x144xf32, #tpu.memory_space<vmem_shared>> -> memref<128x144xf32, #tpu.memory_space<vmem_shared>>
      %dma_start3A_54 = arith.constant 0 : i32
      %dma_start3A_55 = arith.constant 0 : i32
      %dma_start3A_56 = tpu.memref_slice %arg15[%dma_start3A_54, %dma_start3A_55] : memref<128x144xf32, #tpu.memory_space<vmem>> -> memref<128x144xf32, #tpu.memory_space<vmem>>
      %dma_start3A_57 = arith.constant 0 : i32
      %dma_start3A_58 = tpu.memref_slice %arg8[%add3A_33, %dma_start3A_57] : memref<10112x144xf32, #tpu.memory_space<vmem_shared>> -> memref<128x144xf32, #tpu.memory_space<vmem_shared>>
      tpu.enqueue_dma source(%dma_start3A_58 : memref<128x144xf32, #tpu.memory_space<vmem_shared>>) target(%dma_start3A_56 : memref<128x144xf32, #tpu.memory_space<vmem>>) target_semaphore(%run_scoped3A : memref<!tpu.dma_semaphore, #tpu.memory_space<semaphore_mem>>)
      %dma_wait3A = arith.constant 0 : i32
      %dma_wait3A_59 = arith.constant 0 : i32
      %dma_wait3A_60 = tpu.memref_slice %arg15[%dma_wait3A, %dma_wait3A_59] : memref<128x144xf32, #tpu.memory_space<vmem>> -> memref<128x144xf32, #tpu.memory_space<vmem>>
      %dma_wait3A_61 = arith.constant 0 : i32
      %dma_wait3A_62 = tpu.memref_slice %arg8[%add3A_33, %dma_wait3A_61] : memref<10112x144xf32, #tpu.memory_space<vmem_shared>> -> memref<128x144xf32, #tpu.memory_space<vmem_shared>>
      %dma_wait3A_63 = arith.constant 0 : i32
      %dma_wait3A_64 = arith.constant 0 : i32
      %dma_wait3A_65 = tpu.memref_slice %arg15[%dma_wait3A_63, %dma_wait3A_64] : memref<128x144xf32, #tpu.memory_space<vmem>> -> memref<128x144xf32, #tpu.memory_space<vmem>>
      %dma_wait3A_66 = arith.constant 0 : i32
      %dma_wait3A_67 = tpu.memref_slice %arg8[%add3A_33, %dma_wait3A_66] : memref<10112x144xf32, #tpu.memory_space<vmem_shared>> -> memref<128x144xf32, #tpu.memory_space<vmem_shared>>
      tpu.wait_dma2 semaphore(%run_scoped3A : memref<!tpu.dma_semaphore, #tpu.memory_space<semaphore_mem>>) src(%dma_wait3A_67 : memref<128x144xf32, #tpu.memory_space<vmem_shared>>) dst(%dma_wait3A_65 : memref<128x144xf32, #tpu.memory_space<vmem>>)
      tpu.yield
    }) : () -> ()
    "tpu.region"() ({
      %run_scoped3A = tpu.sem_alloc : memref<!tpu.dma_semaphore, #tpu.memory_space<semaphore_mem>>
      %dma_start3A = arith.constant 0 : i32
      %dma_start3A_50 = arith.constant 0 : i32
      %dma_start3A_51 = tpu.memref_slice %arg15[%dma_start3A, %dma_start3A_50] : memref<128x144xf32, #tpu.memory_space<vmem>> -> memref<128x144xf32, #tpu.memory_space<vmem>>
      %dma_start3A_52 = arith.constant 0 : i32
      %dma_start3A_53 = tpu.memref_slice %arg7[%arg0, %add3A_33, %dma_start3A_52] : memref<2x10112x144xf32, #tpu.memory_space<hbm>> -> memref<1x128x144xf32, #tpu.memory_space<hbm>>
      %dma_start3A_54 = tpu.memref_squeeze %dma_start3A_53 : memref<1x128x144xf32, #tpu.memory_space<hbm>> -> memref<128x144xf32, #tpu.memory_space<hbm>>
      %dma_start3A_55 = arith.constant 0 : i32
      %dma_start3A_56 = tpu.memref_slice %arg7[%arg0, %add3A_33, %dma_start3A_55] : memref<2x10112x144xf32, #tpu.memory_space<hbm>> -> memref<1x128x144xf32, #tpu.memory_space<hbm>>
      %dma_start3A_57 = tpu.memref_squeeze %dma_start3A_56 : memref<1x128x144xf32, #tpu.memory_space<hbm>> -> memref<128x144xf32, #tpu.memory_space<hbm>>
      %dma_start3A_58 = arith.constant 0 : i32
      %dma_start3A_59 = arith.constant 0 : i32
      %dma_start3A_60 = tpu.memref_slice %arg15[%dma_start3A_58, %dma_start3A_59] : memref<128x144xf32, #tpu.memory_space<vmem>> -> memref<128x144xf32, #tpu.memory_space<vmem>>
      tpu.enqueue_dma source(%dma_start3A_60 : memref<128x144xf32, #tpu.memory_space<vmem>>) target(%dma_start3A_57 : memref<128x144xf32, #tpu.memory_space<hbm>>) target_semaphore(%run_scoped3A : memref<!tpu.dma_semaphore, #tpu.memory_space<semaphore_mem>>)
      %dma_wait3A = arith.constant 0 : i32
      %dma_wait3A_61 = arith.constant 0 : i32
      %dma_wait3A_62 = tpu.memref_slice %arg15[%dma_wait3A, %dma_wait3A_61] : memref<128x144xf32, #tpu.memory_space<vmem>> -> memref<128x144xf32, #tpu.memory_space<vmem>>
      %dma_wait3A_63 = arith.constant 0 : i32
      %dma_wait3A_64 = tpu.memref_slice %arg7[%arg0, %add3A_33, %dma_wait3A_63] : memref<2x10112x144xf32, #tpu.memory_space<hbm>> -> memref<1x128x144xf32, #tpu.memory_space<hbm>>
      %dma_wait3A_65 = tpu.memref_squeeze %dma_wait3A_64 : memref<1x128x144xf32, #tpu.memory_space<hbm>> -> memref<128x144xf32, #tpu.memory_space<hbm>>
      %dma_wait3A_66 = arith.constant 0 : i32
      %dma_wait3A_67 = tpu.memref_slice %arg7[%arg0, %add3A_33, %dma_wait3A_66] : memref<2x10112x144xf32, #tpu.memory_space<hbm>> -> memref<1x128x144xf32, #tpu.memory_space<hbm>>
      %dma_wait3A_68 = tpu.memref_squeeze %dma_wait3A_67 : memref<1x128x144xf32, #tpu.memory_space<hbm>> -> memref<128x144xf32, #tpu.memory_space<hbm>>
      %dma_wait3A_69 = arith.constant 0 : i32
      %dma_wait3A_70 = arith.constant 0 : i32
      %dma_wait3A_71 = tpu.memref_slice %arg15[%dma_wait3A_69, %dma_wait3A_70] : memref<128x144xf32, #tpu.memory_space<vmem>> -> memref<128x144xf32, #tpu.memory_space<vmem>>
      tpu.wait_dma2 semaphore(%run_scoped3A : memref<!tpu.dma_semaphore, #tpu.memory_space<semaphore_mem>>) src(%dma_wait3A_71 : memref<128x144xf32, #tpu.memory_space<vmem>>) dst(%dma_wait3A_68 : memref<128x144xf32, #tpu.memory_space<hbm>>)
      tpu.yield
    }) : () -> ()
    %mul3A_34 = arith.constant 632 : i32
    %mul3A_35 = arith.muli %arg1, %mul3A_34 : i32
    %add3A_36 = arith.constant 128 : i32
    %add3A_37 = arith.addi %mul3A_35, %add3A_36 : i32
    "tpu.region"() ({
      %run_scoped3A = tpu.sem_alloc : memref<!tpu.dma_semaphore, #tpu.memory_space<semaphore_mem>>
      %dma_start3A = arith.constant 0 : i32
      %dma_start3A_50 = arith.constant 0 : i32
      %dma_start3A_51 = tpu.memref_slice %arg15[%dma_start3A, %dma_start3A_50] : memref<128x144xf32, #tpu.memory_space<vmem>> -> memref<128x144xf32, #tpu.memory_space<vmem>>
      %dma_start3A_52 = arith.constant 0 : i32
      %dma_start3A_53 = tpu.memref_slice %arg8[%add3A_37, %dma_start3A_52] : memref<10112x144xf32, #tpu.memory_space<vmem_shared>> -> memref<128x144xf32, #tpu.memory_space<vmem_shared>>
      %dma_start3A_54 = arith.constant 0 : i32
      %dma_start3A_55 = arith.constant 0 : i32
      %dma_start3A_56 = tpu.memref_slice %arg15[%dma_start3A_54, %dma_start3A_55] : memref<128x144xf32, #tpu.memory_space<vmem>> -> memref<128x144xf32, #tpu.memory_space<vmem>>
      %dma_start3A_57 = arith.constant 0 : i32
      %dma_start3A_58 = tpu.memref_slice %arg8[%add3A_37, %dma_start3A_57] : memref<10112x144xf32, #tpu.memory_space<vmem_shared>> -> memref<128x144xf32, #tpu.memory_space<vmem_shared>>
      tpu.enqueue_dma source(%dma_start3A_58 : memref<128x144xf32, #tpu.memory_space<vmem_shared>>) target(%dma_start3A_56 : memref<128x144xf32, #tpu.memory_space<vmem>>) target_semaphore(%run_scoped3A : memref<!tpu.dma_semaphore, #tpu.memory_space<semaphore_mem>>)
      %dma_wait3A = arith.constant 0 : i32
      %dma_wait3A_59 = arith.constant 0 : i32
      %dma_wait3A_60 = tpu.memref_slice %arg15[%dma_wait3A, %dma_wait3A_59] : memref<128x144xf32, #tpu.memory_space<vmem>> -> memref<128x144xf32, #tpu.memory_space<vmem>>
      %dma_wait3A_61 = arith.constant 0 : i32
      %dma_wait3A_62 = tpu.memref_slice %arg8[%add3A_37, %dma_wait3A_61] : memref<10112x144xf32, #tpu.memory_space<vmem_shared>> -> memref<128x144xf32, #tpu.memory_space<vmem_shared>>
      %dma_wait3A_63 = arith.constant 0 : i32
      %dma_wait3A_64 = arith.constant 0 : i32
      %dma_wait3A_65 = tpu.memref_slice %arg15[%dma_wait3A_63, %dma_wait3A_64] : memref<128x144xf32, #tpu.memory_space<vmem>> -> memref<128x144xf32, #tpu.memory_space<vmem>>
      %dma_wait3A_66 = arith.constant 0 : i32
      %dma_wait3A_67 = tpu.memref_slice %arg8[%add3A_37, %dma_wait3A_66] : memref<10112x144xf32, #tpu.memory_space<vmem_shared>> -> memref<128x144xf32, #tpu.memory_space<vmem_shared>>
      tpu.wait_dma2 semaphore(%run_scoped3A : memref<!tpu.dma_semaphore, #tpu.memory_space<semaphore_mem>>) src(%dma_wait3A_67 : memref<128x144xf32, #tpu.memory_space<vmem_shared>>) dst(%dma_wait3A_65 : memref<128x144xf32, #tpu.memory_space<vmem>>)
      tpu.yield
    }) : () -> ()
    "tpu.region"() ({
      %run_scoped3A = tpu.sem_alloc : memref<!tpu.dma_semaphore, #tpu.memory_space<semaphore_mem>>
      %dma_start3A = arith.constant 0 : i32
      %dma_start3A_50 = arith.constant 0 : i32
      %dma_start3A_51 = tpu.memref_slice %arg15[%dma_start3A, %dma_start3A_50] : memref<128x144xf32, #tpu.memory_space<vmem>> -> memref<128x144xf32, #tpu.memory_space<vmem>>
      %dma_start3A_52 = arith.constant 0 : i32
      %dma_start3A_53 = tpu.memref_slice %arg7[%arg0, %add3A_37, %dma_start3A_52] : memref<2x10112x144xf32, #tpu.memory_space<hbm>> -> memref<1x128x144xf32, #tpu.memory_space<hbm>>
      %dma_start3A_54 = tpu.memref_squeeze %dma_start3A_53 : memref<1x128x144xf32, #tpu.memory_space<hbm>> -> memref<128x144xf32, #tpu.memory_space<hbm>>
      %dma_start3A_55 = arith.constant 0 : i32
      %dma_start3A_56 = tpu.memref_slice %arg7[%arg0, %add3A_37, %dma_start3A_55] : memref<2x10112x144xf32, #tpu.memory_space<hbm>> -> memref<1x128x144xf32, #tpu.memory_space<hbm>>
      %dma_start3A_57 = tpu.memref_squeeze %dma_start3A_56 : memref<1x128x144xf32, #tpu.memory_space<hbm>> -> memref<128x144xf32, #tpu.memory_space<hbm>>
      %dma_start3A_58 = arith.constant 0 : i32
      %dma_start3A_59 = arith.constant 0 : i32
      %dma_start3A_60 = tpu.memref_slice %arg15[%dma_start3A_58, %dma_start3A_59] : memref<128x144xf32, #tpu.memory_space<vmem>> -> memref<128x144xf32, #tpu.memory_space<vmem>>
      tpu.enqueue_dma source(%dma_start3A_60 : memref<128x144xf32, #tpu.memory_space<vmem>>) target(%dma_start3A_57 : memref<128x144xf32, #tpu.memory_space<hbm>>) target_semaphore(%run_scoped3A : memref<!tpu.dma_semaphore, #tpu.memory_space<semaphore_mem>>)
      %dma_wait3A = arith.constant 0 : i32
      %dma_wait3A_61 = arith.constant 0 : i32
      %dma_wait3A_62 = tpu.memref_slice %arg15[%dma_wait3A, %dma_wait3A_61] : memref<128x144xf32, #tpu.memory_space<vmem>> -> memref<128x144xf32, #tpu.memory_space<vmem>>
      %dma_wait3A_63 = arith.constant 0 : i32
      %dma_wait3A_64 = tpu.memref_slice %arg7[%arg0, %add3A_37, %dma_wait3A_63] : memref<2x10112x144xf32, #tpu.memory_space<hbm>> -> memref<1x128x144xf32, #tpu.memory_space<hbm>>
      %dma_wait3A_65 = tpu.memref_squeeze %dma_wait3A_64 : memref<1x128x144xf32, #tpu.memory_space<hbm>> -> memref<128x144xf32, #tpu.memory_space<hbm>>
      %dma_wait3A_66 = arith.constant 0 : i32
      %dma_wait3A_67 = tpu.memref_slice %arg7[%arg0, %add3A_37, %dma_wait3A_66] : memref<2x10112x144xf32, #tpu.memory_space<hbm>> -> memref<1x128x144xf32, #tpu.memory_space<hbm>>
      %dma_wait3A_68 = tpu.memref_squeeze %dma_wait3A_67 : memref<1x128x144xf32, #tpu.memory_space<hbm>> -> memref<128x144xf32, #tpu.memory_space<hbm>>
      %dma_wait3A_69 = arith.constant 0 : i32
      %dma_wait3A_70 = arith.constant 0 : i32
      %dma_wait3A_71 = tpu.memref_slice %arg15[%dma_wait3A_69, %dma_wait3A_70] : memref<128x144xf32, #tpu.memory_space<vmem>> -> memref<128x144xf32, #tpu.memory_space<vmem>>
      tpu.wait_dma2 semaphore(%run_scoped3A : memref<!tpu.dma_semaphore, #tpu.memory_space<semaphore_mem>>) src(%dma_wait3A_71 : memref<128x144xf32, #tpu.memory_space<vmem>>) dst(%dma_wait3A_68 : memref<128x144xf32, #tpu.memory_space<hbm>>)
      tpu.yield
    }) : () -> ()
    %mul3A_38 = arith.constant 632 : i32
    %mul3A_39 = arith.muli %arg1, %mul3A_38 : i32
    %add3A_40 = arith.constant 256 : i32
    %add3A_41 = arith.addi %mul3A_39, %add3A_40 : i32
    "tpu.region"() ({
      %run_scoped3A = tpu.sem_alloc : memref<!tpu.dma_semaphore, #tpu.memory_space<semaphore_mem>>
      %dma_start3A = arith.constant 0 : i32
      %dma_start3A_50 = arith.constant 0 : i32
      %dma_start3A_51 = tpu.memref_slice %arg15[%dma_start3A, %dma_start3A_50] : memref<128x144xf32, #tpu.memory_space<vmem>> -> memref<128x144xf32, #tpu.memory_space<vmem>>
      %dma_start3A_52 = arith.constant 0 : i32
      %dma_start3A_53 = tpu.memref_slice %arg8[%add3A_41, %dma_start3A_52] : memref<10112x144xf32, #tpu.memory_space<vmem_shared>> -> memref<128x144xf32, #tpu.memory_space<vmem_shared>>
      %dma_start3A_54 = arith.constant 0 : i32
      %dma_start3A_55 = arith.constant 0 : i32
      %dma_start3A_56 = tpu.memref_slice %arg15[%dma_start3A_54, %dma_start3A_55] : memref<128x144xf32, #tpu.memory_space<vmem>> -> memref<128x144xf32, #tpu.memory_space<vmem>>
      %dma_start3A_57 = arith.constant 0 : i32
      %dma_start3A_58 = tpu.memref_slice %arg8[%add3A_41, %dma_start3A_57] : memref<10112x144xf32, #tpu.memory_space<vmem_shared>> -> memref<128x144xf32, #tpu.memory_space<vmem_shared>>
      tpu.enqueue_dma source(%dma_start3A_58 : memref<128x144xf32, #tpu.memory_space<vmem_shared>>) target(%dma_start3A_56 : memref<128x144xf32, #tpu.memory_space<vmem>>) target_semaphore(%run_scoped3A : memref<!tpu.dma_semaphore, #tpu.memory_space<semaphore_mem>>)
      %dma_wait3A = arith.constant 0 : i32
      %dma_wait3A_59 = arith.constant 0 : i32
      %dma_wait3A_60 = tpu.memref_slice %arg15[%dma_wait3A, %dma_wait3A_59] : memref<128x144xf32, #tpu.memory_space<vmem>> -> memref<128x144xf32, #tpu.memory_space<vmem>>
      %dma_wait3A_61 = arith.constant 0 : i32
      %dma_wait3A_62 = tpu.memref_slice %arg8[%add3A_41, %dma_wait3A_61] : memref<10112x144xf32, #tpu.memory_space<vmem_shared>> -> memref<128x144xf32, #tpu.memory_space<vmem_shared>>
      %dma_wait3A_63 = arith.constant 0 : i32
      %dma_wait3A_64 = arith.constant 0 : i32
      %dma_wait3A_65 = tpu.memref_slice %arg15[%dma_wait3A_63, %dma_wait3A_64] : memref<128x144xf32, #tpu.memory_space<vmem>> -> memref<128x144xf32, #tpu.memory_space<vmem>>
      %dma_wait3A_66 = arith.constant 0 : i32
      %dma_wait3A_67 = tpu.memref_slice %arg8[%add3A_41, %dma_wait3A_66] : memref<10112x144xf32, #tpu.memory_space<vmem_shared>> -> memref<128x144xf32, #tpu.memory_space<vmem_shared>>
      tpu.wait_dma2 semaphore(%run_scoped3A : memref<!tpu.dma_semaphore, #tpu.memory_space<semaphore_mem>>) src(%dma_wait3A_67 : memref<128x144xf32, #tpu.memory_space<vmem_shared>>) dst(%dma_wait3A_65 : memref<128x144xf32, #tpu.memory_space<vmem>>)
      tpu.yield
    }) : () -> ()
    "tpu.region"() ({
      %run_scoped3A = tpu.sem_alloc : memref<!tpu.dma_semaphore, #tpu.memory_space<semaphore_mem>>
      %dma_start3A = arith.constant 0 : i32
      %dma_start3A_50 = arith.constant 0 : i32
      %dma_start3A_51 = tpu.memref_slice %arg15[%dma_start3A, %dma_start3A_50] : memref<128x144xf32, #tpu.memory_space<vmem>> -> memref<128x144xf32, #tpu.memory_space<vmem>>
      %dma_start3A_52 = arith.constant 0 : i32
      %dma_start3A_53 = tpu.memref_slice %arg7[%arg0, %add3A_41, %dma_start3A_52] : memref<2x10112x144xf32, #tpu.memory_space<hbm>> -> memref<1x128x144xf32, #tpu.memory_space<hbm>>
      %dma_start3A_54 = tpu.memref_squeeze %dma_start3A_53 : memref<1x128x144xf32, #tpu.memory_space<hbm>> -> memref<128x144xf32, #tpu.memory_space<hbm>>
      %dma_start3A_55 = arith.constant 0 : i32
      %dma_start3A_56 = tpu.memref_slice %arg7[%arg0, %add3A_41, %dma_start3A_55] : memref<2x10112x144xf32, #tpu.memory_space<hbm>> -> memref<1x128x144xf32, #tpu.memory_space<hbm>>
      %dma_start3A_57 = tpu.memref_squeeze %dma_start3A_56 : memref<1x128x144xf32, #tpu.memory_space<hbm>> -> memref<128x144xf32, #tpu.memory_space<hbm>>
      %dma_start3A_58 = arith.constant 0 : i32
      %dma_start3A_59 = arith.constant 0 : i32
      %dma_start3A_60 = tpu.memref_slice %arg15[%dma_start3A_58, %dma_start3A_59] : memref<128x144xf32, #tpu.memory_space<vmem>> -> memref<128x144xf32, #tpu.memory_space<vmem>>
      tpu.enqueue_dma source(%dma_start3A_60 : memref<128x144xf32, #tpu.memory_space<vmem>>) target(%dma_start3A_57 : memref<128x144xf32, #tpu.memory_space<hbm>>) target_semaphore(%run_scoped3A : memref<!tpu.dma_semaphore, #tpu.memory_space<semaphore_mem>>)
      %dma_wait3A = arith.constant 0 : i32
      %dma_wait3A_61 = arith.constant 0 : i32
      %dma_wait3A_62 = tpu.memref_slice %arg15[%dma_wait3A, %dma_wait3A_61] : memref<128x144xf32, #tpu.memory_space<vmem>> -> memref<128x144xf32, #tpu.memory_space<vmem>>
      %dma_wait3A_63 = arith.constant 0 : i32
      %dma_wait3A_64 = tpu.memref_slice %arg7[%arg0, %add3A_41, %dma_wait3A_63] : memref<2x10112x144xf32, #tpu.memory_space<hbm>> -> memref<1x128x144xf32, #tpu.memory_space<hbm>>
      %dma_wait3A_65 = tpu.memref_squeeze %dma_wait3A_64 : memref<1x128x144xf32, #tpu.memory_space<hbm>> -> memref<128x144xf32, #tpu.memory_space<hbm>>
      %dma_wait3A_66 = arith.constant 0 : i32
      %dma_wait3A_67 = tpu.memref_slice %arg7[%arg0, %add3A_41, %dma_wait3A_66] : memref<2x10112x144xf32, #tpu.memory_space<hbm>> -> memref<1x128x144xf32, #tpu.memory_space<hbm>>
      %dma_wait3A_68 = tpu.memref_squeeze %dma_wait3A_67 : memref<1x128x144xf32, #tpu.memory_space<hbm>> -> memref<128x144xf32, #tpu.memory_space<hbm>>
      %dma_wait3A_69 = arith.constant 0 : i32
      %dma_wait3A_70 = arith.constant 0 : i32
      %dma_wait3A_71 = tpu.memref_slice %arg15[%dma_wait3A_69, %dma_wait3A_70] : memref<128x144xf32, #tpu.memory_space<vmem>> -> memref<128x144xf32, #tpu.memory_space<vmem>>
      tpu.wait_dma2 semaphore(%run_scoped3A : memref<!tpu.dma_semaphore, #tpu.memory_space<semaphore_mem>>) src(%dma_wait3A_71 : memref<128x144xf32, #tpu.memory_space<vmem>>) dst(%dma_wait3A_68 : memref<128x144xf32, #tpu.memory_space<hbm>>)
      tpu.yield
    }) : () -> ()
    %mul3A_42 = arith.constant 632 : i32
    %mul3A_43 = arith.muli %arg1, %mul3A_42 : i32
    %add3A_44 = arith.constant 384 : i32
    %add3A_45 = arith.addi %mul3A_43, %add3A_44 : i32
    "tpu.region"() ({
      %run_scoped3A = tpu.sem_alloc : memref<!tpu.dma_semaphore, #tpu.memory_space<semaphore_mem>>
      %dma_start3A = arith.constant 0 : i32
      %dma_start3A_50 = arith.constant 0 : i32
      %dma_start3A_51 = tpu.memref_slice %arg15[%dma_start3A, %dma_start3A_50] : memref<128x144xf32, #tpu.memory_space<vmem>> -> memref<128x144xf32, #tpu.memory_space<vmem>>
      %dma_start3A_52 = arith.constant 0 : i32
      %dma_start3A_53 = tpu.memref_slice %arg8[%add3A_45, %dma_start3A_52] : memref<10112x144xf32, #tpu.memory_space<vmem_shared>> -> memref<128x144xf32, #tpu.memory_space<vmem_shared>>
      %dma_start3A_54 = arith.constant 0 : i32
      %dma_start3A_55 = arith.constant 0 : i32
      %dma_start3A_56 = tpu.memref_slice %arg15[%dma_start3A_54, %dma_start3A_55] : memref<128x144xf32, #tpu.memory_space<vmem>> -> memref<128x144xf32, #tpu.memory_space<vmem>>
      %dma_start3A_57 = arith.constant 0 : i32
      %dma_start3A_58 = tpu.memref_slice %arg8[%add3A_45, %dma_start3A_57] : memref<10112x144xf32, #tpu.memory_space<vmem_shared>> -> memref<128x144xf32, #tpu.memory_space<vmem_shared>>
      tpu.enqueue_dma source(%dma_start3A_58 : memref<128x144xf32, #tpu.memory_space<vmem_shared>>) target(%dma_start3A_56 : memref<128x144xf32, #tpu.memory_space<vmem>>) target_semaphore(%run_scoped3A : memref<!tpu.dma_semaphore, #tpu.memory_space<semaphore_mem>>)
      %dma_wait3A = arith.constant 0 : i32
      %dma_wait3A_59 = arith.constant 0 : i32
      %dma_wait3A_60 = tpu.memref_slice %arg15[%dma_wait3A, %dma_wait3A_59] : memref<128x144xf32, #tpu.memory_space<vmem>> -> memref<128x144xf32, #tpu.memory_space<vmem>>
      %dma_wait3A_61 = arith.constant 0 : i32
      %dma_wait3A_62 = tpu.memref_slice %arg8[%add3A_45, %dma_wait3A_61] : memref<10112x144xf32, #tpu.memory_space<vmem_shared>> -> memref<128x144xf32, #tpu.memory_space<vmem_shared>>
      %dma_wait3A_63 = arith.constant 0 : i32
      %dma_wait3A_64 = arith.constant 0 : i32
      %dma_wait3A_65 = tpu.memref_slice %arg15[%dma_wait3A_63, %dma_wait3A_64] : memref<128x144xf32, #tpu.memory_space<vmem>> -> memref<128x144xf32, #tpu.memory_space<vmem>>
      %dma_wait3A_66 = arith.constant 0 : i32
      %dma_wait3A_67 = tpu.memref_slice %arg8[%add3A_45, %dma_wait3A_66] : memref<10112x144xf32, #tpu.memory_space<vmem_shared>> -> memref<128x144xf32, #tpu.memory_space<vmem_shared>>
      tpu.wait_dma2 semaphore(%run_scoped3A : memref<!tpu.dma_semaphore, #tpu.memory_space<semaphore_mem>>) src(%dma_wait3A_67 : memref<128x144xf32, #tpu.memory_space<vmem_shared>>) dst(%dma_wait3A_65 : memref<128x144xf32, #tpu.memory_space<vmem>>)
      tpu.yield
    }) : () -> ()
    "tpu.region"() ({
      %run_scoped3A = tpu.sem_alloc : memref<!tpu.dma_semaphore, #tpu.memory_space<semaphore_mem>>
      %dma_start3A = arith.constant 0 : i32
      %dma_start3A_50 = arith.constant 0 : i32
      %dma_start3A_51 = tpu.memref_slice %arg15[%dma_start3A, %dma_start3A_50] : memref<128x144xf32, #tpu.memory_space<vmem>> -> memref<128x144xf32, #tpu.memory_space<vmem>>
      %dma_start3A_52 = arith.constant 0 : i32
      %dma_start3A_53 = tpu.memref_slice %arg7[%arg0, %add3A_45, %dma_start3A_52] : memref<2x10112x144xf32, #tpu.memory_space<hbm>> -> memref<1x128x144xf32, #tpu.memory_space<hbm>>
      %dma_start3A_54 = tpu.memref_squeeze %dma_start3A_53 : memref<1x128x144xf32, #tpu.memory_space<hbm>> -> memref<128x144xf32, #tpu.memory_space<hbm>>
      %dma_start3A_55 = arith.constant 0 : i32
      %dma_start3A_56 = tpu.memref_slice %arg7[%arg0, %add3A_45, %dma_start3A_55] : memref<2x10112x144xf32, #tpu.memory_space<hbm>> -> memref<1x128x144xf32, #tpu.memory_space<hbm>>
      %dma_start3A_57 = tpu.memref_squeeze %dma_start3A_56 : memref<1x128x144xf32, #tpu.memory_space<hbm>> -> memref<128x144xf32, #tpu.memory_space<hbm>>
      %dma_start3A_58 = arith.constant 0 : i32
      %dma_start3A_59 = arith.constant 0 : i32
      %dma_start3A_60 = tpu.memref_slice %arg15[%dma_start3A_58, %dma_start3A_59] : memref<128x144xf32, #tpu.memory_space<vmem>> -> memref<128x144xf32, #tpu.memory_space<vmem>>
      tpu.enqueue_dma source(%dma_start3A_60 : memref<128x144xf32, #tpu.memory_space<vmem>>) target(%dma_start3A_57 : memref<128x144xf32, #tpu.memory_space<hbm>>) target_semaphore(%run_scoped3A : memref<!tpu.dma_semaphore, #tpu.memory_space<semaphore_mem>>)
      %dma_wait3A = arith.constant 0 : i32
      %dma_wait3A_61 = arith.constant 0 : i32
      %dma_wait3A_62 = tpu.memref_slice %arg15[%dma_wait3A, %dma_wait3A_61] : memref<128x144xf32, #tpu.memory_space<vmem>> -> memref<128x144xf32, #tpu.memory_space<vmem>>
      %dma_wait3A_63 = arith.constant 0 : i32
      %dma_wait3A_64 = tpu.memref_slice %arg7[%arg0, %add3A_45, %dma_wait3A_63] : memref<2x10112x144xf32, #tpu.memory_space<hbm>> -> memref<1x128x144xf32, #tpu.memory_space<hbm>>
      %dma_wait3A_65 = tpu.memref_squeeze %dma_wait3A_64 : memref<1x128x144xf32, #tpu.memory_space<hbm>> -> memref<128x144xf32, #tpu.memory_space<hbm>>
      %dma_wait3A_66 = arith.constant 0 : i32
      %dma_wait3A_67 = tpu.memref_slice %arg7[%arg0, %add3A_45, %dma_wait3A_66] : memref<2x10112x144xf32, #tpu.memory_space<hbm>> -> memref<1x128x144xf32, #tpu.memory_space<hbm>>
      %dma_wait3A_68 = tpu.memref_squeeze %dma_wait3A_67 : memref<1x128x144xf32, #tpu.memory_space<hbm>> -> memref<128x144xf32, #tpu.memory_space<hbm>>
      %dma_wait3A_69 = arith.constant 0 : i32
      %dma_wait3A_70 = arith.constant 0 : i32
      %dma_wait3A_71 = tpu.memref_slice %arg15[%dma_wait3A_69, %dma_wait3A_70] : memref<128x144xf32, #tpu.memory_space<vmem>> -> memref<128x144xf32, #tpu.memory_space<vmem>>
      tpu.wait_dma2 semaphore(%run_scoped3A : memref<!tpu.dma_semaphore, #tpu.memory_space<semaphore_mem>>) src(%dma_wait3A_71 : memref<128x144xf32, #tpu.memory_space<vmem>>) dst(%dma_wait3A_68 : memref<128x144xf32, #tpu.memory_space<hbm>>)
      tpu.yield
    }) : () -> ()
    %mul3A_46 = arith.constant 632 : i32
    %mul3A_47 = arith.muli %arg1, %mul3A_46 : i32
    %add3A_48 = arith.constant 512 : i32
    %add3A_49 = arith.addi %mul3A_47, %add3A_48 : i32
    "tpu.region"() ({
      %run_scoped3A = tpu.sem_alloc : memref<!tpu.dma_semaphore, #tpu.memory_space<semaphore_mem>>
      %dma_start3A = arith.constant 0 : i32
      %dma_start3A_50 = arith.constant 0 : i32
      %dma_start3A_51 = tpu.memref_slice %arg15[%dma_start3A, %dma_start3A_50] : memref<128x144xf32, #tpu.memory_space<vmem>> -> memref<120x144xf32, #tpu.memory_space<vmem>>
      %dma_start3A_52 = arith.constant 0 : i32
      %dma_start3A_53 = tpu.memref_slice %arg8[%add3A_49, %dma_start3A_52] : memref<10112x144xf32, #tpu.memory_space<vmem_shared>> -> memref<120x144xf32, #tpu.memory_space<vmem_shared>>
      %dma_start3A_54 = arith.constant 0 : i32
      %dma_start3A_55 = arith.constant 0 : i32
      %dma_start3A_56 = tpu.memref_slice %arg15[%dma_start3A_54, %dma_start3A_55] : memref<128x144xf32, #tpu.memory_space<vmem>> -> memref<120x144xf32, #tpu.memory_space<vmem>>
      %dma_start3A_57 = arith.constant 0 : i32
      %dma_start3A_58 = tpu.memref_slice %arg8[%add3A_49, %dma_start3A_57] : memref<10112x144xf32, #tpu.memory_space<vmem_shared>> -> memref<120x144xf32, #tpu.memory_space<vmem_shared>>
      tpu.enqueue_dma source(%dma_start3A_58 : memref<120x144xf32, #tpu.memory_space<vmem_shared>>) target(%dma_start3A_56 : memref<120x144xf32, #tpu.memory_space<vmem>>) target_semaphore(%run_scoped3A : memref<!tpu.dma_semaphore, #tpu.memory_space<semaphore_mem>>)
      %dma_wait3A = arith.constant 0 : i32
      %dma_wait3A_59 = arith.constant 0 : i32
      %dma_wait3A_60 = tpu.memref_slice %arg15[%dma_wait3A, %dma_wait3A_59] : memref<128x144xf32, #tpu.memory_space<vmem>> -> memref<120x144xf32, #tpu.memory_space<vmem>>
      %dma_wait3A_61 = arith.constant 0 : i32
      %dma_wait3A_62 = tpu.memref_slice %arg8[%add3A_49, %dma_wait3A_61] : memref<10112x144xf32, #tpu.memory_space<vmem_shared>> -> memref<120x144xf32, #tpu.memory_space<vmem_shared>>
      %dma_wait3A_63 = arith.constant 0 : i32
      %dma_wait3A_64 = arith.constant 0 : i32
      %dma_wait3A_65 = tpu.memref_slice %arg15[%dma_wait3A_63, %dma_wait3A_64] : memref<128x144xf32, #tpu.memory_space<vmem>> -> memref<120x144xf32, #tpu.memory_space<vmem>>
      %dma_wait3A_66 = arith.constant 0 : i32
      %dma_wait3A_67 = tpu.memref_slice %arg8[%add3A_49, %dma_wait3A_66] : memref<10112x144xf32, #tpu.memory_space<vmem_shared>> -> memref<120x144xf32, #tpu.memory_space<vmem_shared>>
      tpu.wait_dma2 semaphore(%run_scoped3A : memref<!tpu.dma_semaphore, #tpu.memory_space<semaphore_mem>>) src(%dma_wait3A_67 : memref<120x144xf32, #tpu.memory_space<vmem_shared>>) dst(%dma_wait3A_65 : memref<120x144xf32, #tpu.memory_space<vmem>>)
      tpu.yield
    }) : () -> ()
    "tpu.region"() ({
      %run_scoped3A = tpu.sem_alloc : memref<!tpu.dma_semaphore, #tpu.memory_space<semaphore_mem>>
      %dma_start3A = arith.constant 0 : i32
      %dma_start3A_50 = arith.constant 0 : i32
      %dma_start3A_51 = tpu.memref_slice %arg15[%dma_start3A, %dma_start3A_50] : memref<128x144xf32, #tpu.memory_space<vmem>> -> memref<120x144xf32, #tpu.memory_space<vmem>>
      %dma_start3A_52 = arith.constant 0 : i32
      %dma_start3A_53 = tpu.memref_slice %arg7[%arg0, %add3A_49, %dma_start3A_52] : memref<2x10112x144xf32, #tpu.memory_space<hbm>> -> memref<1x120x144xf32, #tpu.memory_space<hbm>>
      %dma_start3A_54 = tpu.memref_squeeze %dma_start3A_53 : memref<1x120x144xf32, #tpu.memory_space<hbm>> -> memref<120x144xf32, #tpu.memory_space<hbm>>
      %dma_start3A_55 = arith.constant 0 : i32
      %dma_start3A_56 = tpu.memref_slice %arg7[%arg0, %add3A_49, %dma_start3A_55] : memref<2x10112x144xf32, #tpu.memory_space<hbm>> -> memref<1x120x144xf32, #tpu.memory_space<hbm>>
      %dma_start3A_57 = tpu.memref_squeeze %dma_start3A_56 : memref<1x120x144xf32, #tpu.memory_space<hbm>> -> memref<120x144xf32, #tpu.memory_space<hbm>>
      %dma_start3A_58 = arith.constant 0 : i32
      %dma_start3A_59 = arith.constant 0 : i32
      %dma_start3A_60 = tpu.memref_slice %arg15[%dma_start3A_58, %dma_start3A_59] : memref<128x144xf32, #tpu.memory_space<vmem>> -> memref<120x144xf32, #tpu.memory_space<vmem>>
      tpu.enqueue_dma source(%dma_start3A_60 : memref<120x144xf32, #tpu.memory_space<vmem>>) target(%dma_start3A_57 : memref<120x144xf32, #tpu.memory_space<hbm>>) target_semaphore(%run_scoped3A : memref<!tpu.dma_semaphore, #tpu.memory_space<semaphore_mem>>)
      %dma_wait3A = arith.constant 0 : i32
      %dma_wait3A_61 = arith.constant 0 : i32
      %dma_wait3A_62 = tpu.memref_slice %arg15[%dma_wait3A, %dma_wait3A_61] : memref<128x144xf32, #tpu.memory_space<vmem>> -> memref<120x144xf32, #tpu.memory_space<vmem>>
      %dma_wait3A_63 = arith.constant 0 : i32
      %dma_wait3A_64 = tpu.memref_slice %arg7[%arg0, %add3A_49, %dma_wait3A_63] : memref<2x10112x144xf32, #tpu.memory_space<hbm>> -> memref<1x120x144xf32, #tpu.memory_space<hbm>>
      %dma_wait3A_65 = tpu.memref_squeeze %dma_wait3A_64 : memref<1x120x144xf32, #tpu.memory_space<hbm>> -> memref<120x144xf32, #tpu.memory_space<hbm>>
      %dma_wait3A_66 = arith.constant 0 : i32
      %dma_wait3A_67 = tpu.memref_slice %arg7[%arg0, %add3A_49, %dma_wait3A_66] : memref<2x10112x144xf32, #tpu.memory_space<hbm>> -> memref<1x120x144xf32, #tpu.memory_space<hbm>>
      %dma_wait3A_68 = tpu.memref_squeeze %dma_wait3A_67 : memref<1x120x144xf32, #tpu.memory_space<hbm>> -> memref<120x144xf32, #tpu.memory_space<hbm>>
      %dma_wait3A_69 = arith.constant 0 : i32
      %dma_wait3A_70 = arith.constant 0 : i32
      %dma_wait3A_71 = tpu.memref_slice %arg15[%dma_wait3A_69, %dma_wait3A_70] : memref<128x144xf32, #tpu.memory_space<vmem>> -> memref<120x144xf32, #tpu.memory_space<vmem>>
      tpu.wait_dma2 semaphore(%run_scoped3A : memref<!tpu.dma_semaphore, #tpu.memory_space<semaphore_mem>>) src(%dma_wait3A_71 : memref<120x144xf32, #tpu.memory_space<vmem>>) dst(%dma_wait3A_68 : memref<120x144xf32, #tpu.memory_space<hbm>>)
      tpu.yield
    }) : () -> ()
    return
  }
}

module attributes {stable_mosaic.version = 14 : i64} {
  func.func @_mm_body(%arg0: i32, %arg1: memref<512x128xf32, #tpu.memory_space<vmem>>, %arg2: memref<128x384xf32, #tpu.memory_space<vmem>>, %arg3: memref<512x384xf32, #tpu.memory_space<vmem>>) attributes {dimension_semantics = [#tpu.dimension_semantics<arbitrary>], iteration_bounds = array<i64: 19>, scalar_prefetch = 0 : i64, scratch_operands = 0 : i64, tpu.core_type = #tpu.core_type<tc>, window_params = [{transform_indices = @transform_0, window_bounds = array<i64: 512, 128>}, {pipeline_mode = #tpu.pipeline_mode<synchronous>, transform_indices = @transform_1, window_bounds = array<i64: 128, 384>}, {transform_indices = @transform_2, window_bounds = array<i64: 512, 384>}]} {
    %get3A = arith.constant 0 : index
    %get3A_0 = arith.constant 0 : index
    %get3A_1 = vector.load %arg1[%get3A, %get3A_0] : memref<512x128xf32, #tpu.memory_space<vmem>>, vector<512x128xf32>
    %get3A_2 = arith.constant 0 : index
    %get3A_3 = arith.constant 0 : index
    %get3A_4 = vector.load %arg2[%get3A_2, %get3A_3] : memref<128x384xf32, #tpu.memory_space<vmem>>, vector<128x384xf32>
    %dot_general3A = arith.constant dense<0.000000e+00> : vector<512x384xf32>
    %dot_general3A_5 = tpu.matmul %get3A_1, %get3A_4, %dot_general3A {dimension_numbers = #tpu.dot_dimension_numbers<[1], [0], [0], [1], [0, 0, 1, 1], [], []>, transpose_lhs_hint = false} : vector<512x128xf32>, vector<128x384xf32>, vector<512x384xf32> -> vector<512x384xf32>
    %swap3A = arith.constant 0 : index
    %swap3A_6 = arith.constant 0 : index
    %swap3A_7 = vector.load %arg3[%swap3A, %swap3A_6] : memref<512x384xf32, #tpu.memory_space<vmem>>, vector<512x384xf32>
    tpu.vector_store %arg3[%swap3A, %swap3A_6], %dot_general3A_5 {strides = array<i32>} : memref<512x384xf32, #tpu.memory_space<vmem>>, vector<512x384xf32>,
    return
  }
  func.func @transform_0(%arg0: i32) -> (i32, i32) {
    %c0_i32 = arith.constant 0 : i32
    %c0_i32_0 = arith.constant 0 : i32
    return %arg0, %c0_i32 : i32, i32
  }
  func.func @transform_1(%arg0: i32) -> (i32, i32) {
    %c0_i32 = arith.constant 0 : i32
    %c0_i32_0 = arith.constant 0 : i32
    %c0_i32_1 = arith.constant 0 : i32
    return %c0_i32, %c0_i32_0 : i32, i32
  }
  func.func @transform_2(%arg0: i32) -> (i32, i32) {
    %c0_i32 = arith.constant 0 : i32
    %c0_i32_0 = arith.constant 0 : i32
    return %arg0, %c0_i32 : i32, i32
  }
}

module attributes {stable_mosaic.version = 14 : i64} {
  func.func @_ep1_body(%arg0: i32, %arg1: memref<512x256xf32, #tpu.memory_space<vmem>>, %arg2: memref<512x256xf32, #tpu.memory_space<vmem>>, %arg3: memref<512x256xf32, #tpu.memory_space<vmem>>, %arg4: memref<512x256xf32, #tpu.memory_space<vmem>>, %arg5: memref<512x256xf32, #tpu.memory_space<vmem>>, %arg6: memref<8x256xf32, #tpu.memory_space<vmem>>, %arg7: memref<256x384xf32, #tpu.memory_space<vmem>>, %arg8: memref<512x384xf32, #tpu.memory_space<vmem>>) attributes {dimension_semantics = [#tpu.dimension_semantics<arbitrary>], iteration_bounds = array<i64: 19>, scalar_prefetch = 0 : i64, scratch_operands = 0 : i64, tpu.core_type = #tpu.core_type<tc>, window_params = [{transform_indices = @transform_0, window_bounds = array<i64: 512, 256>}, {transform_indices = @transform_1, window_bounds = array<i64: 512, 256>}, {transform_indices = @transform_2, window_bounds = array<i64: 512, 256>}, {transform_indices = @transform_3, window_bounds = array<i64: 512, 256>}, {transform_indices = @transform_4, window_bounds = array<i64: 512, 256>}, {pipeline_mode = #tpu.pipeline_mode<synchronous>, transform_indices = @transform_5, window_bounds = array<i64: 8, 256>}, {pipeline_mode = #tpu.pipeline_mode<synchronous>, transform_indices = @transform_6, window_bounds = array<i64: 256, 384>}, {transform_indices = @transform_7, window_bounds = array<i64: 512, 384>}]} {
    %get3A = arith.constant 0 : index
    %get3A_0 = arith.constant 0 : index
    %get3A_1 = vector.load %arg4[%get3A, %get3A_0] : memref<512x256xf32, #tpu.memory_space<vmem>>, vector<512x256xf32>
    %get3A_2 = arith.constant 0 : index
    %get3A_3 = arith.constant 0 : index
    %get3A_4 = vector.load %arg5[%get3A_2, %get3A_3] : memref<512x256xf32, #tpu.memory_space<vmem>>, vector<512x256xf32>
    %add3A = arith.addf %get3A_1, %get3A_4 : vector<512x256xf32>
    %lt3A = arith.constant 0.000000e+00 : f32
    %lt3A_5 = vector.broadcast %lt3A : f32 to vector<512x256xf32>
    %lt3A_6 = arith.cmpf olt, %add3A, %lt3A_5 : vector<512x256xf32>
    %mul3A = arith.constant 2.000000e-01 : f32
    %mul3A_7 = vector.broadcast %mul3A : f32 to vector<512x256xf32>
    %mul3A_8 = arith.mulf %mul3A_7, %add3A : vector<512x256xf32>
    %select_n3A = arith.select %lt3A_6, %mul3A_8, %add3A : vector<512x256xi1>, vector<512x256xf32>
    %exp3A = math.exp %select_n3A : vector<512x256xf32>
    %get3A_9 = arith.constant 0 : index
    %get3A_10 = arith.constant 0 : index
    %get3A_11 = vector.load %arg1[%get3A_9, %get3A_10] : memref<512x256xf32, #tpu.memory_space<vmem>>, vector<512x256xf32>
    %get3A_12 = arith.constant 0 : index
    %get3A_13 = arith.constant 0 : index
    %get3A_14 = vector.load %arg2[%get3A_12, %get3A_13] : memref<512x256xf32, #tpu.memory_space<vmem>>, vector<512x256xf32>
    %mul3A_15 = arith.mulf %exp3A, %get3A_14 : vector<512x256xf32>
    %add3A_16 = arith.addf %get3A_11, %mul3A_15 : vector<512x256xf32>
    %get3A_17 = arith.constant 0 : index
    %get3A_18 = arith.constant 0 : index
    %get3A_19 = vector.load %arg3[%get3A_17, %get3A_18] : memref<512x256xf32, #tpu.memory_space<vmem>>, vector<512x256xf32>
    %add3A_20 = arith.addf %get3A_19, %exp3A : vector<512x256xf32>
    %div3A = arith.divf %add3A_16, %add3A_20 : vector<512x256xf32>
    %get3A_21 = arith.constant 0 : index
    %get3A_22 = arith.constant 0 : index
    %get3A_23 = vector.load %arg6[%get3A_21, %get3A_22] : memref<8x256xf32, #tpu.memory_space<vmem>>, vector<1x256xf32>
    %add3A_24 = vector.broadcast %get3A_23 : vector<1x256xf32> to vector<512x256xf32>
    %add3A_25 = arith.addf %div3A, %add3A_24 : vector<512x256xf32>
    %max3A = arith.constant 0.000000e+00 : f32
    %max3A_26 = vector.broadcast %max3A : f32 to vector<512x256xf32>
    %max3A_27 = arith.maximumf %add3A_25, %max3A_26 : vector<512x256xf32>
    %get3A_28 = arith.constant 0 : index
    %get3A_29 = arith.constant 0 : index
    %get3A_30 = vector.load %arg7[%get3A_28, %get3A_29] : memref<256x384xf32, #tpu.memory_space<vmem>>, vector<256x384xf32>
    %dot_general3A = arith.constant dense<0.000000e+00> : vector<512x384xf32>
    %dot_general3A_31 = tpu.matmul %max3A_27, %get3A_30, %dot_general3A {dimension_numbers = #tpu.dot_dimension_numbers<[1], [0], [0], [1], [0, 0, 1, 1], [], []>, transpose_lhs_hint = false} : vector<512x256xf32>, vector<256x384xf32>, vector<512x384xf32> -> vector<512x384xf32>
    %swap3A = arith.constant 0 : index
    %swap3A_32 = arith.constant 0 : index
    %swap3A_33 = vector.load %arg8[%swap3A, %swap3A_32] : memref<512x384xf32, #tpu.memory_space<vmem>>, vector<512x384xf32>
    tpu.vector_store %arg8[%swap3A, %swap3A_32], %dot_general3A_31 {strides = array<i32>} : memref<512x384xf32, #tpu.memory_space<vmem>>, vector<512x384xf32>,
    return
  }
  func.func @transform_0(%arg0: i32) -> (i32, i32) {
    %c0_i32 = arith.constant 0 : i32
    %c0_i32_0 = arith.constant 0 : i32
    return %arg0, %c0_i32 : i32, i32
  }
  func.func @transform_1(%arg0: i32) -> (i32, i32) {
    %c0_i32 = arith.constant 0 : i32
    %c0_i32_0 = arith.constant 0 : i32
    return %arg0, %c0_i32 : i32, i32
  }
  func.func @transform_2(%arg0: i32) -> (i32, i32) {
    %c0_i32 = arith.constant 0 : i32
    %c0_i32_0 = arith.constant 0 : i32
    return %arg0, %c0_i32 : i32, i32
  }
  func.func @transform_3(%arg0: i32) -> (i32, i32) {
    %c0_i32 = arith.constant 0 : i32
    %c0_i32_0 = arith.constant 0 : i32
    return %arg0, %c0_i32 : i32, i32
  }
  func.func @transform_4(%arg0: i32) -> (i32, i32) {
    %c0_i32 = arith.constant 0 : i32
    %c0_i32_0 = arith.constant 0 : i32
    return %arg0, %c0_i32 : i32, i32
  }
  func.func @transform_5(%arg0: i32) -> (i32, i32) {
    %c0_i32 = arith.constant 0 : i32
    %c0_i32_0 = arith.constant 0 : i32
    %c0_i32_1 = arith.constant 0 : i32
    return %c0_i32, %c0_i32_0 : i32, i32
  }
  func.func @transform_6(%arg0: i32) -> (i32, i32) {
    %c0_i32 = arith.constant 0 : i32
    %c0_i32_0 = arith.constant 0 : i32
    %c0_i32_1 = arith.constant 0 : i32
    return %c0_i32, %c0_i32_0 : i32, i32
  }
  func.func @transform_7(%arg0: i32) -> (i32, i32) {
    %c0_i32 = arith.constant 0 : i32
    %c0_i32_0 = arith.constant 0 : i32
    return %arg0, %c0_i32 : i32, i32
  }
}

module attributes {stable_mosaic.version = 14 : i64} {
  func.func @_ep2_body(%arg0: i32, %arg1: memref<512x256xf32, #tpu.memory_space<vmem>>, %arg2: memref<512x256xf32, #tpu.memory_space<vmem>>, %arg3: memref<512x256xf32, #tpu.memory_space<vmem>>, %arg4: memref<512x256xf32, #tpu.memory_space<vmem>>, %arg5: memref<512x256xf32, #tpu.memory_space<vmem>>, %arg6: memref<8x256xf32, #tpu.memory_space<vmem>>, %arg7: memref<512x256xf32, #tpu.memory_space<vmem>>) attributes {dimension_semantics = [#tpu.dimension_semantics<arbitrary>], iteration_bounds = array<i64: 19>, scalar_prefetch = 0 : i64, scratch_operands = 0 : i64, tpu.core_type = #tpu.core_type<tc>, window_params = [{transform_indices = @transform_0, window_bounds = array<i64: 512, 256>}, {transform_indices = @transform_1, window_bounds = array<i64: 512, 256>}, {transform_indices = @transform_2, window_bounds = array<i64: 512, 256>}, {transform_indices = @transform_3, window_bounds = array<i64: 512, 256>}, {transform_indices = @transform_4, window_bounds = array<i64: 512, 256>}, {pipeline_mode = #tpu.pipeline_mode<synchronous>, transform_indices = @transform_5, window_bounds = array<i64: 8, 256>}, {transform_indices = @transform_6, window_bounds = array<i64: 512, 256>}]} {
    %get3A = arith.constant 0 : index
    %get3A_0 = arith.constant 0 : index
    %get3A_1 = vector.load %arg4[%get3A, %get3A_0] : memref<512x256xf32, #tpu.memory_space<vmem>>, vector<512x256xf32>
    %get3A_2 = arith.constant 0 : index
    %get3A_3 = arith.constant 0 : index
    %get3A_4 = vector.load %arg5[%get3A_2, %get3A_3] : memref<512x256xf32, #tpu.memory_space<vmem>>, vector<512x256xf32>
    %add3A = arith.addf %get3A_1, %get3A_4 : vector<512x256xf32>
    %lt3A = arith.constant 0.000000e+00 : f32
    %lt3A_5 = vector.broadcast %lt3A : f32 to vector<512x256xf32>
    %lt3A_6 = arith.cmpf olt, %add3A, %lt3A_5 : vector<512x256xf32>
    %mul3A = arith.constant 2.000000e-01 : f32
    %mul3A_7 = vector.broadcast %mul3A : f32 to vector<512x256xf32>
    %mul3A_8 = arith.mulf %mul3A_7, %add3A : vector<512x256xf32>
    %select_n3A = arith.select %lt3A_6, %mul3A_8, %add3A : vector<512x256xi1>, vector<512x256xf32>
    %exp3A = math.exp %select_n3A : vector<512x256xf32>
    %get3A_9 = arith.constant 0 : index
    %get3A_10 = arith.constant 0 : index
    %get3A_11 = vector.load %arg1[%get3A_9, %get3A_10] : memref<512x256xf32, #tpu.memory_space<vmem>>, vector<512x256xf32>
    %get3A_12 = arith.constant 0 : index
    %get3A_13 = arith.constant 0 : index
    %get3A_14 = vector.load %arg2[%get3A_12, %get3A_13] : memref<512x256xf32, #tpu.memory_space<vmem>>, vector<512x256xf32>
    %mul3A_15 = arith.mulf %exp3A, %get3A_14 : vector<512x256xf32>
    %add3A_16 = arith.addf %get3A_11, %mul3A_15 : vector<512x256xf32>
    %get3A_17 = arith.constant 0 : index
    %get3A_18 = arith.constant 0 : index
    %get3A_19 = vector.load %arg3[%get3A_17, %get3A_18] : memref<512x256xf32, #tpu.memory_space<vmem>>, vector<512x256xf32>
    %add3A_20 = arith.addf %get3A_19, %exp3A : vector<512x256xf32>
    %div3A = arith.divf %add3A_16, %add3A_20 : vector<512x256xf32>
    %get3A_21 = arith.constant 0 : index
    %get3A_22 = arith.constant 0 : index
    %get3A_23 = vector.load %arg6[%get3A_21, %get3A_22] : memref<8x256xf32, #tpu.memory_space<vmem>>, vector<1x256xf32>
    %add3A_24 = vector.broadcast %get3A_23 : vector<1x256xf32> to vector<512x256xf32>
    %add3A_25 = arith.addf %div3A, %add3A_24 : vector<512x256xf32>
    %swap3A = arith.constant 0 : index
    %swap3A_26 = arith.constant 0 : index
    %swap3A_27 = vector.load %arg7[%swap3A, %swap3A_26] : memref<512x256xf32, #tpu.memory_space<vmem>>, vector<512x256xf32>
    tpu.vector_store %arg7[%swap3A, %swap3A_26], %add3A_25 {strides = array<i32>} : memref<512x256xf32, #tpu.memory_space<vmem>>, vector<512x256xf32>,
    return
  }
  func.func @transform_0(%arg0: i32) -> (i32, i32) {
    %c0_i32 = arith.constant 0 : i32
    %c0_i32_0 = arith.constant 0 : i32
    return %arg0, %c0_i32 : i32, i32
  }
  func.func @transform_1(%arg0: i32) -> (i32, i32) {
    %c0_i32 = arith.constant 0 : i32
    %c0_i32_0 = arith.constant 0 : i32
    return %arg0, %c0_i32 : i32, i32
  }
  func.func @transform_2(%arg0: i32) -> (i32, i32) {
    %c0_i32 = arith.constant 0 : i32
    %c0_i32_0 = arith.constant 0 : i32
    return %arg0, %c0_i32 : i32, i32
  }
  func.func @transform_3(%arg0: i32) -> (i32, i32) {
    %c0_i32 = arith.constant 0 : i32
    %c0_i32_0 = arith.constant 0 : i32
    return %arg0, %c0_i32 : i32, i32
  }
  func.func @transform_4(%arg0: i32) -> (i32, i32) {
    %c0_i32 = arith.constant 0 : i32
    %c0_i32_0 = arith.constant 0 : i32
    return %arg0, %c0_i32 : i32, i32
  }
  func.func @transform_5(%arg0: i32) -> (i32, i32) {
    %c0_i32 = arith.constant 0 : i32
    %c0_i32_0 = arith.constant 0 : i32
    %c0_i32_1 = arith.constant 0 : i32
    return %c0_i32, %c0_i32_0 : i32, i32
  }
  func.func @transform_6(%arg0: i32) -> (i32, i32) {
    %c0_i32 = arith.constant 0 : i32
    %c0_i32_0 = arith.constant 0 : i32
    return %arg0, %c0_i32 : i32, i32
  }
}

</mosaic_0001>

<sc_bundles>
// kernel: kernel.10.cloned.1.call-start
scs
__scs_entry_jumppad:
0x0: {  	(pc) =	sbr.rel $0x88, $3  }
0x1: {  	(tag) =	ssettag $0x0;
	lr =	simm.s32 $0x1  }
0x2: {  	[smem:$0x3F93] =	sst lr;
	_ =	strace $0xD0000000  }
0x3: {  	_ = 	snop  }
0x4: {  	_ = 	snop  }
0x5: {  	_ = 	snop  }
0x6: {  	_ = 	snop  }
0x7: {  	_ = 	snop  }
__scs_overlays_trampoline_lowered:
0x8: {  	[smem:$0x3FA2] =	sst s0  }
0x9: {  	[smem:$0x3FA3] =	sst s1  }
0xa: {  	[smem:$0x3FA4] =	sst s2  }
0xb: {  	[smem:$0x3FA5] =	sst s3  }
0xc: {  	[smem:$0x3FA6] =	sst s4  }
0xd: {  	[smem:$0x3FA7] =	sst s5  }
0xe: {  	[smem:$0x3FA8] =	sst s6  }
0xf: {  	[smem:$0x3FA9] =	sst s7  }
0x10: {  	[smem:$0x3FAA] =	sst s8  }
0x11: {  	[smem:$0x3FAB] =	sst s9;
	s0 =	simm.s32 @!p0 $0x0  }
0x12: {  	s1 =	sld [smem:$0x3F91];
	s0 =	simm.s32 @p0 $0x1  }
0x13: {  	[smem:$0x3FAC] =	sst s0;
	s0 =	simm.s32 @!p1 $0x0  }
0x14: {  	s2 =	sld [smem:$0x3F90];
	s0 =	simm.s32 @p1 $0x1  }
0x15: {  	[smem:$0x3FAD] =	sst s0;
	s0 =	simm.s32 @!p2 $0x0  }
0x16: {  	s3 =	sld [smem:$0x3FDB];
	s0 =	simm.s32 @p2 $0x1  }
0x17: {  	s4 =	simm.s32 $0x1BF5;
	[smem:$0x3FAF] =	sst s0  }
0x18: {  	s0 =	sld [smem:$0x3F92];
	_ =	swait.ge [sflag:s4], $0x0  }
0x19: {  	s7 =	sld [smem:$0x3F93]  }
0x1a: {  	s8 =	sadd.s32 $0xFFFFE003, lr  }
0x1b: {  	s9 =	sadd.s32 $0xFFFFFEF7, lr;
	s5 =	simm.s32 $0xFFFFFFFF;
	p2 =	slt.u32 s8, $0xFFFFF086  }
0x1c: {  	p1 =	slt.u32 s9, $0xF7A;
	s5 =	simm.s32 @!p2 $0x0  }
0x1d: {  	s5 =	simm.s32 @p1 $0x1;
	p0 =	seq.s32 s7, s2  }
0x1e: {  	s7 =	smul.u32 @!p0 $0xF7A, s2;
	p2 =	seq.s32 @!p0 s5, $0x0  }
0x1f: {  	s9 =	smul.u32 $0xF7A, s1;
	s8 =	simm.s32 @!p0 $0x1BF5;
	p2 =	por !p2, p0  }
0x20: {  	[sflag:s8] =	ssyncset.s32 @!p0 $0xFFFFF086;
	s6 =	sadd.s32 @!p0 s3, s7;
	s7 =	simm.s32 @!p0 $0x108  }
0x21: {  	s3 =	sadd.s32 s3, s9;
	s6 =	sadd.s32 @!p0 $0x88, s6;
	s7 =	simm.s32 @p2 $0x1082  }
0x22: {  	[simem:s7], [sflag:s8] =	dma.local @!p0 [hbm:s6], $0xF7A  }
0x23: {  	s9 =	sor.u32 $0xD0000000, s2;
	s6 =	simm.s32 $0x108;
	_ =	swait.ge @!p0 [sflag:s8], $0x0  }
0x24: {  	s3 =	sadd.s32 $0x88, s3;
	s6 =	simm.s32 @!p1 $0x1082;
	[sflag:s4] =	ssyncset.s32 $0xFFFFF086  }
0x25: {  	[simem:s6], [sflag:s4] =	dma.local [hbm:s3], $0xF7A  }
0x26: {  	[smem:$0x3F93] =	sst s1;
	(tag) =	ssettag s2;
	_ =	strace s9  }
0x27: {  	s1 =	sld [smem:$0x3FA3]  }
0x28: {  	s2 =	sld [smem:$0x3FA4]  }
0x29: {  	s4 =	sld [smem:$0x3FA6]  }
0x2a: {  	p0 =	seq.s32 s5, $0x0;
	s5 =	sld [smem:$0x3FA7]  }
0x2b: {  	s6 =	sld [smem:$0x3FA8]  }
0x2c: {  	s7 =	sld [smem:$0x3FA9]  }
0x2d: {  	s3 =	simm.s32 $0x108;
	s8 =	sld [smem:$0x3FAA]  }
0x2e: {  	s3 =	simm.s32 @!p0 $0x1082;
	s9 =	sld [smem:$0x3FAB]  }
0x2f: {  	lr =	sadd.s32 s0, s3;
	s0 =	sld [smem:$0x3FA2]  }
0x30: {  	s3 =	sld [smem:$0x3FA5]  }
0x31: {  	[smem:$0x3FAE] =	sst s10  }
0x32: {  	s10 =	sld [smem:$0x3FAC];
	_ =	sdelay $0x3  }
0x33: {  	p0 =	seq.s32 s10, $0x1;
	s10 =	sld [smem:$0x3FAE];
	_ =	sdelay $0x3  }
0x34: {  	[smem:$0x3FAE] =	sst s10  }
0x35: {  	s10 =	sld [smem:$0x3FAD];
	_ =	sdelay $0x3  }
0x36: {  	p1 =	seq.s32 s10, $0x1;
	s10 =	sld [smem:$0x3FAE];
	_ =	sdelay $0x3  }
0x37: {  	[smem:$0x3FAE] =	sst s10  }
0x38: {  	s10 =	sld [smem:$0x3FAF]  }
0x39: {  	_ = 	snop;
	(pc) =	sbr.ind lr, $3  }
0x3a: {  	_ = 	snop  }
0x3b: {  	_ = 	snop  }
0x3c: {  	p2 =	seq.s32 s10, $0x1;
	s10 =	sld [smem:$0x3FAE]  }
0x3d: {  	_ =	shalt  }
0x3e: {  	_ =	shalt  }
0x3f: {  	_ =	shalt  }
0x40: {  	_ =	shalt  }
0x41: {  	_ =	shalt  }
0x42: {  	_ =	shalt  }
0x43: {  	_ =	shalt  }
0x44: {  	_ =	shalt  }
0x45: {  	_ =	shalt  }
0x46: {  	_ =	shalt  }
0x47: {  	_ =	shalt  }
0x48: {  	_ =	shalt  }
0x49: {  	_ =	shalt  }
0x4a: {  	_ =	shalt  }
0x4b: {  	_ =	shalt  }
0x4c: {  	_ =	shalt  }
0x4d: {  	_ =	shalt  }
0x4e: {  	_ =	shalt  }
0x4f: {  	_ =	shalt  }
0x50: {  	_ =	shalt  }
0x51: {  	_ =	shalt  }
0x52: {  	_ =	shalt  }
0x53: {  	_ =	shalt  }
0x54: {  	_ =	shalt  }
0x55: {  	_ =	shalt  }
0x56: {  	_ =	shalt  }
0x57: {  	_ =	shalt  }
0x58: {  	_ =	shalt  }
0x59: {  	_ =	shalt  }
0x5a: {  	_ =	shalt  }
0x5b: {  	_ =	shalt  }
0x5c: {  	_ =	shalt  }
0x5d: {  	_ =	shalt  }
0x5e: {  	_ =	shalt  }
0x5f: {  	_ =	shalt  }
0x60: {  	_ =	shalt  }
0x61: {  	_ =	shalt  }
0x62: {  	_ =	shalt  }
0x63: {  	_ =	shalt  }
0x64: {  	_ =	shalt  }
0x65: {  	_ =	shalt  }
0x66: {  	_ =	shalt  }
0x67: {  	_ =	shalt  }
0x68: {  	_ =	shalt  }
0x69: {  	_ =	shalt  }
0x6a: {  	_ =	shalt  }
0x6b: {  	_ =	shalt  }
0x6c: {  	_ =	shalt  }
0x6d: {  	_ =	shalt  }
0x6e: {  	_ =	shalt  }
0x6f: {  	_ =	shalt  }
0x70: {  	_ =	shalt  }
0x71: {  	_ =	shalt  }
0x72: {  	_ =	shalt  }
0x73: {  	_ =	shalt  }
0x74: {  	_ =	shalt  }
0x75: {  	_ =	shalt  }
0x76: {  	_ =	shalt  }
0x77: {  	_ =	shalt  }
0x78: {  	_ =	shalt  }
0x79: {  	_ =	shalt  }
0x7a: {  	_ =	shalt  }
0x7b: {  	_ =	shalt  }
0x7c: {  	_ =	shalt  }
0x7d: {  	_ =	shalt  }
0x7e: {  	_ =	shalt  }
0x7f: {  	_ =	shalt  }
0x80: {  	_ =	shalt  }
0x81: {  	_ =	shalt  }
0x82: {  	_ =	shalt  }
0x83: {  	_ =	shalt  }
0x84: {  	_ =	shalt  }
0x85: {  	_ =	shalt  }
0x86: {  	_ =	shalt  }
0x87: {  	_ =	shalt  }
.Lfunc_end0:
.L_simem_size_0:
called_computation.1_lowered:
.L_overlay_start_0:
0x88: {  	s2 =	sld [smem:$0x3FD9]  }
0x89: {  	s3 =	sld [smem:$0x3FFE];
	_ =	sdelay $0x1  }
0x8a: {  	s1 =	srdreg.scid  }
0x8b: {  	s0 =	sand.u32 $0x1, s1  }
0x8c: {  	s14 =	sshll.u32 s0, $0xA;
	s2 =	sadd.s32 s3, s2  }
0x8d: {  	s2 =	sadd.s32 s2, s14  }
0x8e: {  	[smem:$0x3FBA] =	sst s2  }
0x8f: {  	_ = 	snop  }
0x90: {  	s2 =	sld [smem:$0x3FD0];
	_ =	sdelay $0x2  }
0x91: {  	s15 =	simm.s32 $0xA;
	s4 =	simm.s32 $0x10  }
0x92: {  	[smem:s4], [sflag:s15] =	dma.local [hbm:s2], $0x1  }
0x93: {  	_ =	swait.eq [sflag:s15], $0x1  }
0x94: {  	[sflag:s15] =	ssyncset.done $0x0  }
0x95: {  	s16 =	sld [smem:$0x10];
	[sflag:s15] =	ssyncadd.s32 $0xFFFFFFFF  }
0x96: {  	s17 =	sld [smem:$0x11];
	(tm) =	ssettm $0x1  }
0x97: {  	s18 =	sld [smem:$0x3FFB];
	_ =	sdelay $0x3  }
0x98: {  	_ =	strace s18  }
0x99: {  	s4 =	sld [smem:$0x3FFC];
	_ =	sdelay $0x3  }
0x9a: {  	_ =	strace s4  }
0x9b: {  	s4 =	sld [smem:$0x3FFD];
	_ =	sdelay $0x3  }
0x9c: {  	_ =	strace s4  }
0x9d: {  	_ =	strace $0x8FFFFFFF  }
0x9e: {  	s19 =	sld [smem:$0x3FDB];
	_ =	sdelay $0x1  }
0x9f: {  	s5 =	simm.s32 $_scs_section_size  }
0xa0: {  	s6 =	simm.s32 $_size__tile_overlayer_lowered;
	s7 =	simm.s32 $_tile_overlayer_lowered  }
0xa1: {  	s22 =	simm.s32 $0x1BFF;
	s21 =	sshll.u32 s7, $0x1;
	s4 =	sadd.s32 s5, s19  }
0xa2: {  	s8 =	simm.s32 $0x0;
	s20 =	sshll.u32 s6, $0x1;
	s6 =	sadd.s32 s21, s4  }
0xa3: {  	[timem:s8], [sflag:s22] =	dma.local [hbm:s6], s20  }
0xa4: {  	_ =	swait.ge [sflag:s22], s20  }
0xa5: {  	s5 =	ssub.s32 $0x0, s20;
	[sflag:s22] =	ssyncset.done $0x0  }
0xa6: {  	[sflag:s22] =	ssyncadd.s32 s5;
	_ =	sdelay $0x1  }
0xa7: {  	s23 =	simm.s32 $0x1B8B  }
0xa8: {  	_ =	swait.ge [sflag:s23], $0x1  }
0xa9: {  	[sflag:s23] =	ssyncset.done $0x0  }
0xaa: {  	s25 =	simm.s32 $0x1B8E;
	s24 =	sld [smem:$0x3FFE];
	[sflag:s23] =	ssyncadd.s32 $0xFFFFFFFF  }
0xab: {  	s26 =	simm.s32 $execute0_lowered;
	[smem:$0x3FD2] =	sst s25  }
0xac: {  	s6 =	sshll.u32 s26, $0x1;
	_ =	strace $0x80000049;
	[dreg:$0x1] =	wrdreg $0xFFFFFFFF  }
0xad: {  	s28 =	simm.s32 $_size_execute0_lowered;
	s4 =	sadd.s32 s4, s6;
	[dreg:$0x0] =	wrdreg $0x0  }
0xae: {  	s6 =	sshll.u32 s28, $0x1;
	[dreg:$0x2] =	wrdreg s4  }
0xaf: {  	[dreg:$0x3] =	wrdreg s6  }
0xb0: {  	[dreg:$0x4] =	wrdreg $0xC0  }
0xb1: {  	_ =	task [dreg:s8], $0x5FFFF  }
0xb2: {  	[dreg:$0x1] =	wrdreg $0xFFFFFFFF  }
0xb3: {  	[dreg:$0x0] =	wrdreg $0x60  }
0xb4: {  	[dreg:$0x2] =	wrdreg s24  }
0xb5: {  	[dreg:$0x3] =	wrdreg s16  }
0xb6: {  	[dreg:$0x4] =	wrdreg s17  }
0xb7: {  	[dreg:$0x5] =	wrdreg $0x0  }
0xb8: {  	[dreg:$0x6] =	wrdreg $0x9  }
0xb9: {  	_ =	task.clear_ibuf [dreg:s8], $0x7FFFF;
	_ =	strace $0x90000049  }
0xba: {  	s29 =	simm.s32 $0x9;
	_ =	strace $0x8000004B  }
0xbb: {  	_ =	swait.ge [sflag:s29], $0x1  }
0xbc: {  	[sflag:s29] =	ssyncadd.s32 $0xFFFFFFFF  }
0xbd: {  	_ =	strace $0x9000004B  }
0xbe: {  	_ =	sfence  }
0xbf: {  	s30 =	sld [smem:$0x0];
	_ =	sdelay $0x2  }
0xc0: {  	s31 =	sshll.u32 s1, $0xD;
	s1 =	sshrl.u32 s1, $0x2  }
0xc1: {  	s3 =	sand.u32 $0x4000, s31;
	s1 =	sadd.s32 s1, s30  }
0xc2: {  	s0 =	sor.u32 s3, s0;
	s1 =	sshll.u32 s1, $0x11  }
0xc3: {  	s0 =	sor.u32 s1, s0  }
0xc4: {  	s0 =	sadd.s32 $0x8F2B, s0  }
0xc5: {  	[sflag:s0] =	ssyncadd.remote.s32 $0x1  }
0xc6: {  	_ =	sfence.sel $0xFFFF  }
0xc7: {  	[dreg:$0x0] =	wrdreg $0xFFFFFFFF;
	(pc) =	sbr.abs _section_cstart, $3  }
0xc8: {  	[dreg:$0x1] =	wrdreg $0xFFFFFFFF  }
0xc9: {  	_ =	task.clear_ibuf [dreg:s8], $0x2FFFF;
	_ =	strace $0x9FFFFFFF  }
0xca: {  	(tm) =	ssettm $0x7FFFFFFF  }
0xcb: {  	_ =	shalt  }
tec
execute0_lowered:
.L_overlay_start_1:
0x0: {  	(tag) =	ssettag $0x1  }
0x1: {  	s0 =	rddreg [dreg:$0x0]  }
0x2: {  	s1 =	rddreg [dreg:$0x1]  }
0x3: {  	s2 =	rddreg [dreg:$0x2]  }
0x4: {  	s3 =	rddreg [dreg:$0x3]  }
0x5: {  	s4 =	simm.s32 $0x0;
	s5 =	srdreg.scid;
	s20 =	stileid.u32  }
0x6: {  	s21 =	simm.s32 $0x16380;
	s28 =	simm.s32 $0x80;
	s29 =	simm.s32 $0x1B2C0  }
0x7: {  	s30 =	simm.s32 $0x1;
	s5 =	sand.u32 $0x1, s5;
	s14 =	smul.u32 $0x16380, s20  }
0x8: {  	s31 =	simm.s32 $0x0;
	[smem:$0x7FF] =	sst s4;
	s7 =	smul.u32 $0x4E4, s5  }
0x9: {  	s6 =	sadd.s32 $0xEE800, s0;
	s8 =	ssub.s32 $0x2, s5;
	s17 =	smul.u32 $0x163800, s5  }
0xa: {  	_ =	strace $0x8000004A;
	s5 =	smul.u32 $0x2780, s5;
	s9 =	sshrl.u32 s8, $0x1  }
0xb: {  	s23 =	sadd.s32 $0x4800, s14;
	s15 =	sadd.s32 $0x9000, s14;
	s18 =	sadd.s32 $0xD800, s14  }
0xc: {  	s19 =	sadd.s32 $0x12000, s14;
	s7 =	sadd.s32 s7, s0;
	s0 =	sadd.s32 $0x50800, s0  }
0xd: {  	s8 =	ssub.s32 s8, s9;
	s9 =	sadd.s32 s14, s3;
	s10 =	sadd.s32 s23, s3  }
0xe: {  	s11 =	sadd.s32 s15, s3;
	s12 =	sadd.s32 s18, s3;
	s13 =	sadd.s32 s19, s3  }
0xf: {  	s16 =	sadd.s32 s14, s17;
	s14 =	smul.u32 $0x4E80, s20;
	s24 =	sadd.s32 s17, s15  }
0x10: {  	s25 =	sadd.s32 s17, s18;
	s19 =	sadd.s32 s17, s19;
	s22 =	sadd.s32 $0x4FE00, s7  }
0x11: {  	s7 =	sadd.s32 $0x4F400, s7;
	s16 =	sshrl.u32 s16, $0x3;
	s15 =	sshrl.u32 s25, $0x3  }
0x12: {  	s26 =	sshrl.u32 s19, $0x3;
	s20 =	smax.u32 s8, $0x1;
	[dreg:$0x5] =	wrdreg s22  }
0x13: {  	s25 =	simm.s32 $0x1B1C0;
	[dreg:$0x6] =	wrdreg s7;
	s7 =	sadd.s32 s17, s23  }
0x14: {  	s16 =	sadd.s32 s0, s16;
	s18 =	sadd.s32 s0, s15;
	s19 =	sadd.s32 s0, s26  }
0x15: {  	s22 =	simm.s32 $0x2;
	s23 =	simm.s32 $0x18AA0;
	s7 =	sshrl.u32 s7, $0x3  }
0x16: {  	[dreg:$0x7] =	wrdreg s16;
	s16 =	sadd.s32 s0, s7;
	s7 =	sshrl.u32 s24, $0x3  }
0x17: {  	v1 =	vimm.f32 $0.0e+00;
	v0 =	vmov s5;
	s26 =	simm.s32 $0x1B240;
	s24 =	simm.s32 $0x1B3D0;
	s17 =	sadd.s32 s0, s7  }
.LBB2_1:
0x18: {  	s0 =	rddreg [dreg:$0x5]  }
0x19: {  	[tilespmem:s21], [sflag:$0x2] =	stream.linear.gather [hbm4b:s0+s4], $0x2720, $0x38;
	[tilespmem:$0x1FBD0] =	vst v63  }
0x1a: {  	_ =	swait.ge [sflag:s22], $0x2720  }
0x1b: {  	[sflag:s22] =	ssyncset.done $0x0  }
0x1c: {  	s15 =	rddreg [dreg:$0x6];
	[sflag:s22] =	ssyncadd.s32 $0xFFFFD8E0  }
0x1d: {  	[tilespmem:s23], [sflag:$0x2] =	stream.linear.gather [hbm4b:s15+s4], $0x2720, $0x38;
	[tilespmem:$0x1FBD0] =	vst v63  }
0x1e: {  	_ =	swait.ge [sflag:s22], $0x2720  }
0x1f: {  	[sflag:s22] =	ssyncset.done $0x0  }
0x20: {  	s5 =	simm.s32 $0x240;
	s0 =	simm.s32 $0x0;
	[sflag:s22] =	ssyncadd.s32 $0xFFFFD8E0  }
.LBB2_2:
0x21: {  	p0 =	sne.s32 s5, $0x11DC0;
	[tilespmem:s0+$0x1B450] =	vst v1  }
0x22: {  	[tilespmem:s0+$0x1B3D0] =	vst v1  }
0x23: {  	[tilespmem:s0+$0x1B3E0] =	vst v1  }
0x24: {  	[tilespmem:s0+$0x1B3F0] =	vst v1  }
.Ltmp0:
0x25: {  	[tilespmem:s0+$0x1B400] =	vst v1;
	(pc) =	sbr.rel @p0 .LBB2_2-.Ltmp0, $4  }
0x26: {  	[tilespmem:s0+$0x1B410] =	vst v1  }
0x27: {  	[tilespmem:s0+$0x1B420] =	vst v1  }
0x28: {  	[tilespmem:s0+$0x1B430] =	vst v1  }
0x29: {  	[tilespmem:s0+$0x1B440] =	vst v1;
	s0 =	sshra.s32 s5, $0x2;
	s5 =	sadd.s32 $0x240, s5  }
0x2a: {  	[tilespmem:s0+$0x1B450] =	vst v1  }
0x2b: {  	[tilespmem:s0+$0x1B3D0] =	vst v1  }
0x2c: {  	[tilespmem:s0+$0x1B3E0] =	vst v1  }
0x2d: {  	[tilespmem:s0+$0x1B3F0] =	vst v1  }
0x2e: {  	[tilespmem:s0+$0x1B400] =	vst v1  }
0x2f: {  	[tilespmem:s0+$0x1B410] =	vst v1  }
0x30: {  	[tilespmem:s0+$0x1B420] =	vst v1  }
0x31: {  	[tilespmem:s0+$0x1B430] =	vst v1  }
0x32: {  	[tilespmem:s0+$0x1B440] =	vst v1  }
0x33: {  	[spmem:s9] =	stream.linear.scatter [tilespmem:s24], [sflag:$0x2], $0x4800, $0x38;
	[tilespmem:$0x1FBD0] =	vst v63  }
0x34: {  	_ =	swait.ge [sflag:s22], $0x4800  }
0x35: {  	[sflag:s22] =	ssyncset.done $0x0  }
0x36: {  	[sflag:s22] =	ssyncadd.s32 $0xFFFFB800  }
0x37: {  	[spmem:s10] =	stream.linear.scatter [tilespmem:s24], [sflag:$0x2], $0x4800, $0x38;
	[tilespmem:$0x1FBD0] =	vst v63  }
0x38: {  	_ =	swait.ge [sflag:s22], $0x4800  }
0x39: {  	[sflag:s22] =	ssyncset.done $0x0  }
0x3a: {  	[sflag:s22] =	ssyncadd.s32 $0xFFFFB800  }
0x3b: {  	[spmem:s11] =	stream.linear.scatter [tilespmem:s24], [sflag:$0x2], $0x4800, $0x38;
	[tilespmem:$0x1FBD0] =	vst v63  }
0x3c: {  	_ =	swait.ge [sflag:s22], $0x4800  }
0x3d: {  	[sflag:s22] =	ssyncset.done $0x0  }
0x3e: {  	[sflag:s22] =	ssyncadd.s32 $0xFFFFB800  }
0x3f: {  	[spmem:s12] =	stream.linear.scatter [tilespmem:s24], [sflag:$0x2], $0x4800, $0x38;
	[tilespmem:$0x1FBD0] =	vst v63  }
0x40: {  	_ =	swait.ge [sflag:s22], $0x4800  }
0x41: {  	[sflag:s22] =	ssyncset.done $0x0  }
0x42: {  	[sflag:s22] =	ssyncadd.s32 $0xFFFFB800  }
0x43: {  	[spmem:s13] =	stream.linear.scatter [tilespmem:s24], [sflag:$0x2], $0x4380, $0x38;
	[tilespmem:$0x1FBD0] =	vst v63  }
0x44: {  	_ =	swait.ge [sflag:s22], $0x4380  }
0x45: {  	[sflag:s22] =	ssyncset.done $0x0  }
0x46: {  	[sflag:s22] =	ssyncadd.s32 $0xFFFFBC80  }
0x47: {  	s0 =	simm.s32 $0x0;
	[bflag:$0x0] =	sbarrier.arrive $0xFFFF  }
.LBB2_4:
0x48: {  	s5 =	sshll.u32 s0, $0x7  }
0x49: {  	s5 =	sadd.s32 s14, s5  }
0x4a: {  	s5 =	sshrl.u32 s5, $0x3  }
0x4b: {  	s7 =	sadd.s32 s1, s5  }
0x4c: {  	[tilespmem:s25], [sflag:$0x2] =	stream.linear.gather [hbm4b:s7+s4], $0x80, $0x38;
	[tilespmem:$0x1FBD0] =	vst v63  }
0x4d: {  	_ =	swait.ge [sflag:s22], $0x80  }
0x4e: {  	[sflag:s22] =	ssyncset.done $0x0  }
0x4f: {  	s5 =	sadd.s32 s2, s5;
	[sflag:s22] =	ssyncadd.s32 $0xFFFFFF80  }
0x50: {  	[tilespmem:s26], [sflag:$0x2] =	stream.linear.gather [hbm4b:s5+s4], $0x80, $0x38;
	[tilespmem:$0x1FBD0] =	vst v63  }
0x51: {  	_ =	swait.ge [sflag:s22], $0x80  }
0x52: {  	[sflag:s22] =	ssyncset.done $0x0  }
0x53: {  	[sflag:s22] =	ssyncadd.s32 $0xFFFFFF80  }
0x54: {  	v2 =	vld [tilespmem:$0x1B1C0]  }
0x55: {  	v3 =	vld [tilespmem:$0x1B1D0]  }
0x56: {  	v4 =	vld [tilespmem:$0x1B1E0]  }
0x57: {  	v5 =	vld [tilespmem:$0x1B1F0]  }
0x58: {  	v6 =	vld [tilespmem:$0x1B200]  }
0x59: {  	v7 =	vld [tilespmem:$0x1B210];
	v2 =	vadd.s32 v0, v2  }
0x5a: {  	[tilespmem:$0x1B2C0] =	vst v2;
	v2 =	vadd.s32 v0, v3;
	v3 =	vld [tilespmem:$0x1B220]  }
0x5b: {  	[tilespmem:$0x1B2D0] =	vst v2;
	v2 =	vadd.s32 v0, v4;
	v4 =	vld [tilespmem:$0x1B230]  }
0x5c: {  	[tilespmem:$0x1B2E0] =	vst v2;
	v2 =	vadd.s32 v0, v5  }
0x5d: {  	[tilespmem:$0x1B2F0] =	vst v2;
	v2 =	vadd.s32 v0, v6  }
0x5e: {  	[tilespmem:$0x1B300] =	vst v2;
	v2 =	vadd.s32 v0, v7  }
0x5f: {  	[tilespmem:$0x1B310] =	vst v2;
	v2 =	vadd.s32 v0, v3  }
0x60: {  	[tilespmem:$0x1B320] =	vst v2;
	v2 =	vadd.s32 v0, v4  }
0x61: {  	[tilespmem:$0x1B330] =	vst v2  }
0x62: {  	[tilespmem:s24], [sflag:$0x1] =	stream.indirect.gather [hbm4b:s6+s28], $0x90, s29, s28, $0xb8;
	[tilespmem:$0x1FBD0] =	vst v63  }
0x63: {  	v2 =	vld [tilespmem:$0x1B1C0]  }
0x64: {  	v3 =	vld [tilespmem:$0x1B240];
	_ =	sdelay $0x6  }
0x65: {  	v2 =	vld.idx.msk [tilespmem:v2+s21+$0x0], $0xffff  }
0x66: {  	v3 =	vld.idx.msk [tilespmem:v3+s23+$0x0], $0xffff;
	_ =	sdelay $0x4  }
0x67: {  	v2 =	vadd.f32 v3, v2;
	_ =	sdelay $0x1  }
0x68: {  	v3 =	vmul.f32 $2.000000030e-01, v2  }
0x69: {  	vm0 =	vlt.f32 v2, $0.0e+00  }
0x6a: {  	v2 =	vsel vm0, v3, v2  }
0x6b: {  	v2 =	vmul.f32 $1.442695020e+00, v2;
	_ =	sdelay $0x1  }
0x6c: {  	(erf) = vpow2.f32 v2;
	_ =	sdelay $0x2  }
0x6d: {  	v2 =	vld [tilespmem:$0x1B1D0]  }
0x6e: {  	v3 =	vld [tilespmem:$0x1B250];
	_ =	sdelay $0x4  }
0x6f: {  	v4 =	vpop (erf)  }
0x70: {  	[tilespmem:$0x1B340] =	vst v4  }
0x71: {  	v2 =	vld.idx.msk [tilespmem:v2+s21+$0x0], $0xffff  }
0x72: {  	v3 =	vld.idx.msk [tilespmem:v3+s23+$0x0], $0xffff;
	_ =	sdelay $0x4  }
0x73: {  	v2 =	vadd.f32 v3, v2;
	_ =	sdelay $0x1  }
0x74: {  	v3 =	vmul.f32 $2.000000030e-01, v2  }
0x75: {  	vm9 =	vlt.f32 v2, $0.0e+00  }
0x76: {  	v2 =	vsel vm9, v3, v2  }
0x77: {  	v2 =	vmul.f32 $1.442695020e+00, v2;
	_ =	sdelay $0x1  }
0x78: {  	(erf) = vpow2.f32 v2;
	_ =	sdelay $0x2  }
0x79: {  	v2 =	vld [tilespmem:$0x1B1E0]  }
0x7a: {  	v3 =	vld [tilespmem:$0x1B260];
	_ =	sdelay $0x4  }
0x7b: {  	v4 =	vpop (erf)  }
0x7c: {  	[tilespmem:$0x1B350] =	vst v4  }
0x7d: {  	v2 =	vld.idx.msk [tilespmem:v2+s21+$0x0], $0xffff  }
0x7e: {  	v3 =	vld.idx.msk [tilespmem:v3+s23+$0x0], $0xffff;
	_ =	sdelay $0x4  }
0x7f: {  	v2 =	vadd.f32 v3, v2;
	_ =	sdelay $0x1  }
0x80: {  	v3 =	vmul.f32 $2.000000030e-01, v2  }
0x81: {  	vm10 =	vlt.f32 v2, $0.0e+00  }
0x82: {  	v2 =	vsel vm10, v3, v2  }
0x83: {  	v2 =	vmul.f32 $1.442695020e+00, v2;
	_ =	sdelay $0x1  }
0x84: {  	(erf) = vpow2.f32 v2;
	_ =	sdelay $0x2  }
0x85: {  	v2 =	vld [tilespmem:$0x1B1F0]  }
0x86: {  	v3 =	vld [tilespmem:$0x1B270];
	_ =	sdelay $0x4  }
0x87: {  	v4 =	vpop (erf)  }
0x88: {  	[tilespmem:$0x1B360] =	vst v4  }
0x89: {  	v2 =	vld.idx.msk [tilespmem:v2+s21+$0x0], $0xffff  }
0x8a: {  	v3 =	vld.idx.msk [tilespmem:v3+s23+$0x0], $0xffff;
	_ =	sdelay $0x4  }
0x8b: {  	v2 =	vadd.f32 v3, v2;
	_ =	sdelay $0x1  }
0x8c: {  	v3 =	vmul.f32 $2.000000030e-01, v2  }
0x8d: {  	vm11 =	vlt.f32 v2, $0.0e+00  }
0x8e: {  	v2 =	vsel vm11, v3, v2  }
0x8f: {  	v2 =	vmul.f32 $1.442695020e+00, v2;
	_ =	sdelay $0x1  }
0x90: {  	(erf) = vpow2.f32 v2;
	_ =	sdelay $0x2  }
0x91: {  	v2 =	vld [tilespmem:$0x1B200]  }
0x92: {  	v3 =	vld [tilespmem:$0x1B280];
	_ =	sdelay $0x4  }
0x93: {  	v4 =	vpop (erf)  }
0x94: {  	[tilespmem:$0x1B370] =	vst v4  }
0x95: {  	v2 =	vld.idx.msk [tilespmem:v2+s21+$0x0], $0xffff  }
0x96: {  	v3 =	vld.idx.msk [tilespmem:v3+s23+$0x0], $0xffff;
	_ =	sdelay $0x4  }
0x97: {  	v2 =	vadd.f32 v3, v2;
	_ =	sdelay $0x1  }
0x98: {  	v3 =	vmul.f32 $2.000000030e-01, v2  }
0x99: {  	vm12 =	vlt.f32 v2, $0.0e+00  }
0x9a: {  	v2 =	vsel vm12, v3, v2  }
0x9b: {  	v2 =	vmul.f32 $1.442695020e+00, v2;
	_ =	sdelay $0x1  }
0x9c: {  	(erf) = vpow2.f32 v2;
	_ =	sdelay $0x2  }
0x9d: {  	v2 =	vld [tilespmem:$0x1B210]  }
0x9e: {  	v3 =	vld [tilespmem:$0x1B290];
	_ =	sdelay $0x4  }
0x9f: {  	v4 =	vpop (erf)  }
0xa0: {  	[tilespmem:$0x1B380] =	vst v4  }
0xa1: {  	v2 =	vld.idx.msk [tilespmem:v2+s21+$0x0], $0xffff  }
0xa2: {  	v3 =	vld.idx.msk [tilespmem:v3+s23+$0x0], $0xffff;
	_ =	sdelay $0x4  }
0xa3: {  	v2 =	vadd.f32 v3, v2;
	_ =	sdelay $0x1  }
0xa4: {  	v3 =	vmul.f32 $2.000000030e-01, v2  }
0xa5: {  	vm13 =	vlt.f32 v2, $0.0e+00  }
0xa6: {  	v2 =	vsel vm13, v3, v2  }
0xa7: {  	v2 =	vmul.f32 $1.442695020e+00, v2;
	_ =	sdelay $0x1  }
0xa8: {  	(erf) = vpow2.f32 v2;
	_ =	sdelay $0x2  }
0xa9: {  	v2 =	vld [tilespmem:$0x1B220]  }
0xaa: {  	v3 =	vld [tilespmem:$0x1B2A0];
	_ =	sdelay $0x4  }
0xab: {  	v4 =	vpop (erf)  }
0xac: {  	[tilespmem:$0x1B390] =	vst v4  }
0xad: {  	v2 =	vld.idx.msk [tilespmem:v2+s21+$0x0], $0xffff  }
0xae: {  	v3 =	vld.idx.msk [tilespmem:v3+s23+$0x0], $0xffff;
	_ =	sdelay $0x4  }
0xaf: {  	v2 =	vadd.f32 v3, v2;
	_ =	sdelay $0x1  }
0xb0: {  	v3 =	vmul.f32 $2.000000030e-01, v2  }
0xb1: {  	vm14 =	vlt.f32 v2, $0.0e+00  }
0xb2: {  	v2 =	vsel vm14, v3, v2  }
0xb3: {  	v2 =	vmul.f32 $1.442695020e+00, v2;
	_ =	sdelay $0x1  }
0xb4: {  	(erf) = vpow2.f32 v2;
	_ =	sdelay $0x2  }
0xb5: {  	v2 =	vld [tilespmem:$0x1B230]  }
0xb6: {  	v3 =	vld [tilespmem:$0x1B2B0];
	_ =	sdelay $0x4  }
0xb7: {  	v4 =	vpop (erf)  }
0xb8: {  	[tilespmem:$0x1B3A0] =	vst v4  }
0xb9: {  	v2 =	vld.idx.msk [tilespmem:v2+s21+$0x0], $0xffff  }
0xba: {  	v3 =	vld.idx.msk [tilespmem:v3+s23+$0x0], $0xffff;
	_ =	sdelay $0x4  }
0xbb: {  	v2 =	vadd.f32 v3, v2;
	_ =	sdelay $0x1  }
0xbc: {  	v3 =	vmul.f32 $2.000000030e-01, v2  }
0xbd: {  	vm15 =	vlt.f32 v2, $0.0e+00  }
0xbe: {  	v2 =	vsel vm15, v3, v2  }
0xbf: {  	v2 =	vmul.f32 $1.442695020e+00, v2;
	_ =	sdelay $0x1  }
0xc0: {  	(erf) = vpow2.f32 v2;
	_ =	sdelay $0x8  }
0xc1: {  	v2 =	vpop (erf)  }
0xc2: {  	[tilespmem:$0x1B3B0] =	vst v2  }
0xc3: {  	_ =	swait.ge [sflag:s30], $0x4800  }
0xc4: {  	[sflag:s30] =	ssyncset.done $0x0  }
0xc5: {  	s15 =	simm.s32 $0x1B342;
	[sflag:s30] =	ssyncadd.s32 $0xFFFFB800  }
0xc6: {  	s5 =	simm.s32 $0x1B4F0;
	v2 =	vld.msk [tilespmem:s15+$0x1 ss:$0x0], $0xffff  }
0xc7: {  	v4 =	vld [tilespmem:s5+$0x110]  }
0xc8: {  	v3 =	vld.msk [tilespmem:s15+$0xFFFFFFFE ss:$0x0], $0xffff  }
0xc9: {  	v5 =	vld [tilespmem:s5+$0xFFFFFEF0]  }
0xca: {  	v6 =	vld [tilespmem:s5+$0xFFFFFF00]  }
0xcb: {  	v7 =	vld [tilespmem:s5+$0xFFFFFF10]  }
0xcc: {  	v8 =	vld [tilespmem:s5+$0xFFFFFF20]  }
0xcd: {  	v9 =	vld [tilespmem:s5+$0xFFFFFF30]  }
0xce: {  	v10 =	vld [tilespmem:s5+$0xFFFFFF40]  }
0xcf: {  	v11 =	vld [tilespmem:s5+$0xFFFFFF50];
	v5 =	vmul.f32 v5, v3  }
0xd0: {  	v12 =	vld.msk [tilespmem:s15+$0xFFFFFFFF ss:$0x0], $0xffff;
	v4 =	vmul.f32 v4, v2  }
0xd1: {  	v13 =	vld [tilespmem:s5+$0xFFFFFF70];
	v6 =	vmul.f32 v6, v3;
	[tilespmem:s5+$0xFFFFFEF0] =	vst v5  }
0xd2: {  	v14 =	vld [tilespmem:s5+$0xFFFFFF80];
	v8 =	vmul.f32 v8, v3;
	[tilespmem:s5+$0x110] =	vst v4  }
0xd3: {  	v15 =	vld [tilespmem:s5+$0xFFFFFF90];
	v9 =	vmul.f32 v9, v3;
	[tilespmem:s5+$0xFFFFFF00] =	vst v6  }
0xd4: {  	v16 =	vld [tilespmem:s5+$0xFFFFFFA0];
	v10 =	vmul.f32 v10, v3;
	[tilespmem:s5+$0xFFFFFF20] =	vst v8  }
0xd5: {  	v5 =	vld [tilespmem:s5+$0xFFFFFF60];
	v4 =	vmul.f32 v7, v3;
	[tilespmem:s5+$0xFFFFFF30] =	vst v9  }
0xd6: {  	v7 =	vld [tilespmem:s5+$0xFFFFFFB0];
	v6 =	vmul.f32 v12, v13;
	[tilespmem:s5+$0xFFFFFF40] =	vst v10  }
0xd7: {  	v8 =	vld [tilespmem:s5+$0xFFFFFFE0];
	v9 =	vmul.f32 v11, v3;
	[tilespmem:s5+$0xFFFFFF10] =	vst v4  }
0xd8: {  	v11 =	vld [tilespmem:s5+$0xFFFFFFF0];
	[tilespmem:s5+$0xFFFFFF70] =	vst v6;
	v6 =	vmul.f32 v14, v12  }
0xd9: {  	v10 =	vld [tilespmem:s5+$0x0];
	[tilespmem:s5+$0xFFFFFF50] =	vst v9;
	v9 =	vmul.f32 v15, v12  }
0xda: {  	v4 =	vld [tilespmem:s5+$0xFFFFFFD0];
	[tilespmem:s5+$0xFFFFFF80] =	vst v6;
	v5 =	vmul.f32 v5, v3  }
0xdb: {  	v6 =	vld.msk [tilespmem:s15+$0x0 ss:$0x0], $0xffff;
	[tilespmem:s5+$0xFFFFFF90] =	vst v9;
	v7 =	vmul.f32 v7, v12  }
0xdc: {  	v58 =	vld [tilespmem:s5+$0xFFFFFFC0];
	v8 =	vmul.f32 v8, v12;
	[tilespmem:s5+$0xFFFFFF60] =	vst v5  }
0xdd: {  	v59 =	vld [tilespmem:s5+$0x10];
	v11 =	vmul.f32 v11, v12;
	[tilespmem:s5+$0xFFFFFFB0] =	vst v7  }
0xde: {  	v9 =	vld [tilespmem:s5+$0x30];
	v5 =	vmul.f32 v16, v12;
	[tilespmem:s5+$0xFFFFFFE0] =	vst v8  }
0xdf: {  	v60 =	vld [tilespmem:s5+$0x20];
	v4 =	vmul.f32 v4, v12;
	[tilespmem:s5+$0xFFFFFFF0] =	vst v11  }
0xe0: {  	v8 =	vld [tilespmem:s5+$0x80];
	[tilespmem:s5+$0xFFFFFFA0] =	vst v5;
	v7 =	vmul.f32 v6, v10  }
0xe1: {  	v61 =	vld [tilespmem:s5+$0x40];
	v5 =	vmul.f32 v58, v12;
	[tilespmem:s5+$0xFFFFFFD0] =	vst v4  }
0xe2: {  	v10 =	vld [tilespmem:s5+$0x50];
	[tilespmem:s5+$0x0] =	vst v7;
	v7 =	vmul.f32 v59, v6  }
0xe3: {  	v9 =	vmul.f32 v9, v6;
	[tilespmem:s5+$0xFFFFFFC0] =	vst v5;
	v5 =	vld [tilespmem:s5+$0x60]  }
0xe4: {  	v4 =	vld [tilespmem:s5+$0x70];
	[tilespmem:s5+$0x10] =	vst v7;
	v7 =	vmul.f32 v60, v6  }
0xe5: {  	v11 =	vld [tilespmem:s5+$0x90];
	[tilespmem:s5+$0x30] =	vst v9;
	v8 =	vmul.f32 v8, v6  }
0xe6: {  	v62 =	vld [tilespmem:s5+$0xA0];
	[tilespmem:s5+$0x20] =	vst v7;
	v7 =	vmul.f32 v61, v6  }
0xe7: {  	v9 =	vmul.f32 v10, v6;
	v10 =	vld [tilespmem:s5+$0xB0];
	[tilespmem:s5+$0x80] =	vst v8  }
0xe8: {  	v63 =	vld [tilespmem:s5+$0xC0];
	[tilespmem:s5+$0x40] =	vst v7;
	v7 =	vmul.f32 v5, v6  }
0xe9: {  	[tilespmem:s5+$0x50] =	vst v9;
	v9 =	vmul.f32 v4, v6;
	v5 =	vld [tilespmem:s5+$0xD0]  }
0xea: {  	v4 =	vld [tilespmem:s5+$0xE0];
	[tilespmem:s5+$0x60] =	vst v7;
	v7 =	vmul.f32 v2, v11  }
0xeb: {  	v6 =	vld [tilespmem:s5+$0xF0];
	[tilespmem:s5+$0x70] =	vst v9;
	v11 =	vmul.f32 v62, v2  }
0xec: {  	v9 =	vmul.f32 v10, v2;
	[tilespmem:s5+$0x90] =	vst v7;
	v7 =	vld [tilespmem:s5+$0x100]  }
0xed: {  	s8 =	simm.s32 $0x1B346;
	s7 =	simm.s32 $0x0;
	s15 =	simm.s32 $0x1B4F0;
	v8 =	vld [tilespmem:s5+$0xFFFFFEE0];
	v10 =	vmul.f32 v63, v2;
	[tilespmem:s5+$0xA0] =	vst v11  }
.LBB2_5:
0xee: {  	v11 =	vld.msk [tilespmem:s8+$0x1 ss:$0x0], $0xffff;
	s7 =	sadd.s32 $0x4, s7;
	[tilespmem:s5+$0xB0] =	vst v9;
	v5 =	vmul.f32 v5, v2;
	s15 =	sadd.s32 $0x240, s15  }
0xef: {  	v9 =	vld [tilespmem:s15+$0x110];
	p0 =	slt.u32 s7, $0x7C;
	[tilespmem:s5+$0xC0] =	vst v10;
	v4 =	vmul.f32 v4, v2  }
0xf0: {  	v10 =	vld.msk [tilespmem:s8+$0xFFFFFFFE ss:$0x0], $0xffff;
	[tilespmem:s5+$0xD0] =	vst v5;
	v5 =	vmul.f32 v6, v2  }
0xf1: {  	v6 =	vld.msk [tilespmem:s8+$0xFFFFFFFF ss:$0x0], $0xffff;
	[tilespmem:s5+$0xE0] =	vst v4;
	v12 =	vmul.f32 v7, v2  }
0xf2: {  	v4 =	vld.msk [tilespmem:s8+$0x0 ss:$0x0], $0xffff;
	v3 =	vmul.f32 v3, v8;
	[tilespmem:s5+$0xF0] =	vst v5  }
0xf3: {  	v5 =	vld [tilespmem:s15+$0xFFFFFEF0];
	[tilespmem:s5+$0x100] =	vst v12  }
0xf4: {  	v2 =	vmov v11;
	v7 =	vld [tilespmem:s15+$0xFFFFFF00];
	v8 =	vmul.f32 v9, v11;
	[tilespmem:s5+$0xFFFFFEE0] =	vst v3;
	s5 =	smov.u32 s15  }
0xf5: {  	v9 =	vld [tilespmem:s15+$0xFFFFFF10]  }
0xf6: {  	v11 =	vld [tilespmem:s15+$0xFFFFFF20];
	[tilespmem:s15+$0x110] =	vst v8;
	v3 =	vmov v10  }
0xf7: {  	v8 =	vld [tilespmem:s15+$0xFFFFFF30]  }
0xf8: {  	v5 =	vmul.f32 v5, v3;
	v10 =	vld [tilespmem:s15+$0xFFFFFF40]  }
0xf9: {  	v7 =	vmul.f32 v7, v3;
	v12 =	vld [tilespmem:s15+$0xFFFFFF50]  }
0xfa: {  	[tilespmem:s15+$0xFFFFFEF0] =	vst v5;
	v5 =	vmul.f32 v9, v3;
	v9 =	vld [tilespmem:s15+$0xFFFFFF60]  }
0xfb: {  	[tilespmem:s15+$0xFFFFFF00] =	vst v7;
	v7 =	vmul.f32 v11, v3;
	v11 =	vld [tilespmem:s15+$0xFFFFFF70]  }
0xfc: {  	[tilespmem:s15+$0xFFFFFF10] =	vst v5;
	v5 =	vmul.f32 v8, v3;
	v8 =	vld [tilespmem:s15+$0xFFFFFF80]  }
0xfd: {  	[tilespmem:s15+$0xFFFFFF20] =	vst v7;
	v7 =	vmul.f32 v10, v3;
	v10 =	vld [tilespmem:s15+$0xFFFFFF90]  }
0xfe: {  	[tilespmem:s15+$0xFFFFFF30] =	vst v5;
	v5 =	vmul.f32 v12, v3;
	v12 =	vld [tilespmem:s15+$0xFFFFFFA0]  }
0xff: {  	[tilespmem:s15+$0xFFFFFF40] =	vst v7;
	v7 =	vmul.f32 v9, v3;
	v9 =	vld [tilespmem:s15+$0xFFFFFFB0]  }
0x100: {  	[tilespmem:s15+$0xFFFFFF50] =	vst v5;
	v5 =	vmul.f32 v6, v11;
	v11 =	vld [tilespmem:s15+$0xFFFFFFC0]  }
0x101: {  	[tilespmem:s15+$0xFFFFFF60] =	vst v7;
	v7 =	vmul.f32 v8, v6;
	v8 =	vld [tilespmem:s15+$0xFFFFFFD0]  }
0x102: {  	[tilespmem:s15+$0xFFFFFF70] =	vst v5;
	v5 =	vmul.f32 v10, v6;
	v10 =	vld [tilespmem:s15+$0xFFFFFFE0]  }
0x103: {  	[tilespmem:s15+$0xFFFFFF80] =	vst v7;
	v7 =	vmul.f32 v12, v6;
	v12 =	vld [tilespmem:s15+$0xFFFFFFF0]  }
0x104: {  	[tilespmem:s15+$0xFFFFFF90] =	vst v5;
	v5 =	vmul.f32 v9, v6;
	v9 =	vld [tilespmem:s15+$0x0]  }
0x105: {  	[tilespmem:s15+$0xFFFFFFA0] =	vst v7;
	v7 =	vmul.f32 v11, v6;
	v11 =	vld [tilespmem:s15+$0x10]  }
0x106: {  	[tilespmem:s15+$0xFFFFFFB0] =	vst v5;
	v5 =	vmul.f32 v8, v6;
	v8 =	vld [tilespmem:s15+$0x20]  }
0x107: {  	[tilespmem:s15+$0xFFFFFFC0] =	vst v7;
	v7 =	vmul.f32 v10, v6;
	v10 =	vld [tilespmem:s15+$0x30]  }
0x108: {  	[tilespmem:s15+$0xFFFFFFD0] =	vst v5;
	v5 =	vmul.f32 v12, v6;
	v6 =	vld [tilespmem:s15+$0x40]  }
0x109: {  	[tilespmem:s15+$0xFFFFFFE0] =	vst v7;
	v7 =	vmul.f32 v4, v9;
	v9 =	vld [tilespmem:s15+$0x50]  }
0x10a: {  	[tilespmem:s15+$0xFFFFFFF0] =	vst v5;
	v5 =	vmul.f32 v11, v4;
	v11 =	vld [tilespmem:s15+$0x60]  }
0x10b: {  	[tilespmem:s15+$0x0] =	vst v7;
	v7 =	vmul.f32 v8, v4;
	v8 =	vld [tilespmem:s15+$0x70]  }
0x10c: {  	[tilespmem:s15+$0x10] =	vst v5;
	v5 =	vmul.f32 v10, v4;
	v10 =	vld [tilespmem:s15+$0x80]  }
0x10d: {  	[tilespmem:s15+$0x20] =	vst v7;
	v6 =	vmul.f32 v6, v4;
	v7 =	vld [tilespmem:s15+$0x90]  }
0x10e: {  	[tilespmem:s15+$0x30] =	vst v5;
	v5 =	vmul.f32 v9, v4;
	v9 =	vld [tilespmem:s15+$0xA0]  }
0x10f: {  	[tilespmem:s15+$0x40] =	vst v6;
	v6 =	vmul.f32 v11, v4;
	v11 =	vld [tilespmem:s15+$0xB0]  }
0x110: {  	[tilespmem:s15+$0x50] =	vst v5;
	v8 =	vmul.f32 v8, v4;
	v12 =	vld [tilespmem:s15+$0xC0]  }
.Ltmp1:
0x111: {  	[tilespmem:s15+$0x60] =	vst v6;
	v6 =	vmul.f32 v10, v4;
	v5 =	vld [tilespmem:s15+$0xD0];
	(pc) =	sbr.rel @p0 .LBB2_5-.Ltmp1, $4  }
0x112: {  	[tilespmem:s15+$0x70] =	vst v8;
	v7 =	vmul.f32 v2, v7;
	v4 =	vld [tilespmem:s15+$0xE0]  }
0x113: {  	[tilespmem:s15+$0x80] =	vst v6;
	v10 =	vmul.f32 v9, v2;
	v6 =	vld [tilespmem:s15+$0xF0]  }
0x114: {  	[tilespmem:s15+$0x90] =	vst v7;
	v9 =	vmul.f32 v11, v2;
	v7 =	vld [tilespmem:s15+$0x100]  }
0x115: {  	s8 =	sadd.s32 $0x4, s8;
	v8 =	vld [tilespmem:s15+$0xFFFFFEE0];
	[tilespmem:s15+$0xA0] =	vst v10;
	v10 =	vmul.f32 v12, v2  }
0x116: {  	[tilespmem:s5+$0xB0] =	vst v9;
	v5 =	vmul.f32 v5, v2  }
0x117: {  	[tilespmem:s5+$0xC0] =	vst v10;
	v4 =	vmul.f32 v4, v2  }
0x118: {  	[tilespmem:s5+$0xD0] =	vst v5;
	v63 =	vmul.f32 v6, v2  }
0x119: {  	[tilespmem:s5+$0xE0] =	vst v4;
	v2 =	vmul.f32 v7, v2  }
0x11a: {  	s0 =	sadd.s32 $0x1, s0;
	v3 =	vmul.f32 v3, v8;
	[tilespmem:s5+$0xF0] =	vst v63  }
0x11b: {  	p0 =	sne.s32 s0, $0x9D;
	[tilespmem:s5+$0x100] =	vst v2  }
.Ltmp2:
0x11c: {  	[tilespmem:s5+$0xFFFFFEE0] =	vst v3;
	(pc) =	sbr.rel @p0 .LBB2_4-.Ltmp2, $4  }
0x11d: {  	[spmem:s3] =	stream.indirect.scatter.add.f32 [tilespmem:s24], [sflag:$0x2], $0x90, s26, s28, $0xb8;
	[tilespmem:$0x1FBD0] =	vst v63  }
0x11e: {  	_ =	swait.ge [sflag:s22], $0x4800  }
0x11f: {  	[sflag:s22] =	ssyncset.done $0x0  }
0x120: {  	[sflag:s22] =	ssyncadd.s32 $0xFFFFB800  }
0x121: {  	[bflag:$0x0] =	sbarrier.arrive $0xFFFF  }
0x122: {  	[tilespmem:s24], [sflag:$0x2] =	stream.linear.gather [spmem:s9], $0x4800, $0x38;
	[tilespmem:$0x1FBD0] =	vst v63  }
0x123: {  	_ =	swait.ge [sflag:s22], $0x4800  }
0x124: {  	[sflag:s22] =	ssyncset.done $0x0  }
0x125: {  	s0 =	rddreg [dreg:$0x7];
	[sflag:s22] =	ssyncadd.s32 $0xFFFFB800  }
0x126: {  	[hbm4b:s0+s4] =	stream.linear.scatter [tilespmem:s24], [sflag:$0x2], $0x4800, $0x38;
	[tilespmem:$0x1FBD0] =	vst v63  }
0x127: {  	_ =	swait.ge [sflag:s22], $0x4800  }
0x128: {  	[sflag:s22] =	ssyncset.done $0x0  }
0x129: {  	[sflag:s22] =	ssyncadd.s32 $0xFFFFB800  }
0x12a: {  	[tilespmem:s24], [sflag:$0x2] =	stream.linear.gather [spmem:s10], $0x4800, $0x38;
	[tilespmem:$0x1FBD0] =	vst v63  }
0x12b: {  	_ =	swait.ge [sflag:s22], $0x4800  }
0x12c: {  	[sflag:s22] =	ssyncset.done $0x0  }
0x12d: {  	[sflag:s22] =	ssyncadd.s32 $0xFFFFB800  }
0x12e: {  	[hbm4b:s16+s4] =	stream.linear.scatter [tilespmem:s24], [sflag:$0x2], $0x4800, $0x38;
	[tilespmem:$0x1FBD0] =	vst v63  }
0x12f: {  	_ =	swait.ge [sflag:s22], $0x4800  }
0x130: {  	[sflag:s22] =	ssyncset.done $0x0  }
0x131: {  	[sflag:s22] =	ssyncadd.s32 $0xFFFFB800  }
0x132: {  	[tilespmem:s24], [sflag:$0x2] =	stream.linear.gather [spmem:s11], $0x4800, $0x38;
	[tilespmem:$0x1FBD0] =	vst v63  }
0x133: {  	_ =	swait.ge [sflag:s22], $0x4800  }
0x134: {  	[sflag:s22] =	ssyncset.done $0x0  }
0x135: {  	[sflag:s22] =	ssyncadd.s32 $0xFFFFB800  }
0x136: {  	[hbm4b:s17+s4] =	stream.linear.scatter [tilespmem:s24], [sflag:$0x2], $0x4800, $0x38;
	[tilespmem:$0x1FBD0] =	vst v63  }
0x137: {  	_ =	swait.ge [sflag:s22], $0x4800  }
0x138: {  	[sflag:s22] =	ssyncset.done $0x0  }
0x139: {  	[sflag:s22] =	ssyncadd.s32 $0xFFFFB800  }
0x13a: {  	[tilespmem:s24], [sflag:$0x2] =	stream.linear.gather [spmem:s12], $0x4800, $0x38;
	[tilespmem:$0x1FBD0] =	vst v63  }
0x13b: {  	_ =	swait.ge [sflag:s22], $0x4800  }
0x13c: {  	[sflag:s22] =	ssyncset.done $0x0  }
0x13d: {  	[sflag:s22] =	ssyncadd.s32 $0xFFFFB800  }
0x13e: {  	[hbm4b:s18+s4] =	stream.linear.scatter [tilespmem:s24], [sflag:$0x2], $0x4800, $0x38;
	[tilespmem:$0x1FBD0] =	vst v63  }
0x13f: {  	_ =	swait.ge [sflag:s22], $0x4800  }
0x140: {  	[sflag:s22] =	ssyncset.done $0x0  }
0x141: {  	[sflag:s22] =	ssyncadd.s32 $0xFFFFB800  }
0x142: {  	[tilespmem:s24], [sflag:$0x2] =	stream.linear.gather [spmem:s13], $0x4380, $0x38;
	[tilespmem:$0x1FBD0] =	vst v63  }
0x143: {  	s31 =	sadd.s32 $0x1, s31;
	_ =	swait.ge [sflag:s22], $0x4380  }
0x144: {  	p0 =	sne.s32 s31, s20;
	[sflag:s22] =	ssyncset.done $0x0  }
.Ltmp3:
0x145: {  	[sflag:s22] =	ssyncadd.s32 $0xFFFFBC80;
	(pc) =	sbr.rel @p0 .LBB2_1-.Ltmp3, $4  }
0x146: {  	[hbm4b:s19+s4] =	stream.linear.scatter [tilespmem:s24], [sflag:$0x2], $0x4380, $0x38;
	[tilespmem:$0x1FBD0] =	vst v63  }
0x147: {  	_ =	swait.ge [sflag:s22], $0x4380  }
0x148: {  	[sflag:s22] =	ssyncset.done $0x0  }
0x149: {  	[sflag:s22] =	ssyncadd.s32 $0xFFFFBC80  }
0x14a: {  	_ =	sfence.sel $0x180000  }
0x14b: {  	[bflag:$0x0] =	sbarrier.arrive $0xFFFF  }
0x14c: {  	_ =	strace $0x9000004A  }
0x14d: {  	s0 =	stileid.u32;
	[bflag:$0x2] =	sbarrier.arrive $0xFFFF  }
0x14e: {  	p0 =	sne.s32 s0, $0x0;
	s0 =	rddreg [dreg:$0x4]  }
0x14f: {  	s0 =	sadd.s32 @!p0 $0x100000, s0  }
0x150: {  	[sflag:s0] =	ssyncadd.tile.s32 @!p0 $0x1;
	_ =	shalt  }
.Lfunc_end2:
_tile_overlayer_lowered:
.L_overlay_start_2:
0x151: {  	(tag) =	ssettag $0x2  }
0x152: {  	s0 =	rddreg [dreg:$0x0];
	s2 =	stileid.u32  }
0x153: {  	s1 =	rddreg [dreg:$0x1];
	p0 =	sne.s32 s2, $0x0  }
0x154: {  	s3 =	rddreg [dreg:$0x2];
	[bflag:$0x3] =	sbarrier.arrive $0xFFFF;
	s2 =	simm.s32 @!p0 $0x1C02  }
0x155: {  	[timem:s3], [sflag:s2] =	dma.local @!p0 [hbm:s0], s1  }
0x156: {  	s0 =	simm.s32 @!p0 $0x2  }
0x157: {  	_ =	swait.ge @!p0 [sflag:s0], s1  }
0x158: {  	s1 =	ssub.s32 @!p0 $0x0, s1;
	[sflag:s0] =	ssyncset.done @!p0 $0x0  }
0x159: {  	[sflag:s0] =	ssyncadd.s32 @!p0 s1  }
0x15a: {  	[bflag:$0x3] =	sbarrier.arrive $0xFFFF  }
0x15b: {  	_ =	shalt  }

// kernel: kernel.7.cloned.1.call-start
scs
__scs_entry_jumppad:
0x0: {  	(pc) =	sbr.rel $0x88, $3  }
0x1: {  	(tag) =	ssettag $0x0;
	lr =	simm.s32 $0x1  }
0x2: {  	[smem:$0x3F93] =	sst lr;
	_ =	strace $0xD0000000  }
0x3: {  	_ = 	snop  }
0x4: {  	_ = 	snop  }
0x5: {  	_ = 	snop  }
0x6: {  	_ = 	snop  }
0x7: {  	_ = 	snop  }
__scs_overlays_trampoline_lowered:
0x8: {  	[smem:$0x3FA2] =	sst s0  }
0x9: {  	[smem:$0x3FA3] =	sst s1  }
0xa: {  	[smem:$0x3FA4] =	sst s2  }
0xb: {  	[smem:$0x3FA5] =	sst s3  }
0xc: {  	[smem:$0x3FA6] =	sst s4  }
0xd: {  	[smem:$0x3FA7] =	sst s5  }
0xe: {  	[smem:$0x3FA8] =	sst s6  }
0xf: {  	[smem:$0x3FA9] =	sst s7  }
0x10: {  	[smem:$0x3FAA] =	sst s8  }
0x11: {  	[smem:$0x3FAB] =	sst s9;
	s0 =	simm.s32 @!p0 $0x0  }
0x12: {  	s1 =	sld [smem:$0x3F91];
	s0 =	simm.s32 @p0 $0x1  }
0x13: {  	[smem:$0x3FAC] =	sst s0;
	s0 =	simm.s32 @!p1 $0x0  }
0x14: {  	s2 =	sld [smem:$0x3F90];
	s0 =	simm.s32 @p1 $0x1  }
0x15: {  	[smem:$0x3FAD] =	sst s0;
	s0 =	simm.s32 @!p2 $0x0  }
0x16: {  	s3 =	sld [smem:$0x3FDB];
	s0 =	simm.s32 @p2 $0x1  }
0x17: {  	s4 =	simm.s32 $0x1BF5;
	[smem:$0x3FAF] =	sst s0  }
0x18: {  	s0 =	sld [smem:$0x3F92];
	_ =	swait.ge [sflag:s4], $0x0  }
0x19: {  	s7 =	sld [smem:$0x3F93]  }
0x1a: {  	s8 =	sadd.s32 $0xFFFFE003, lr  }
0x1b: {  	s9 =	sadd.s32 $0xFFFFFEF7, lr;
	s5 =	simm.s32 $0xFFFFFFFF;
	p2 =	slt.u32 s8, $0xFFFFF086  }
0x1c: {  	p1 =	slt.u32 s9, $0xF7A;
	s5 =	simm.s32 @!p2 $0x0  }
0x1d: {  	s5 =	simm.s32 @p1 $0x1;
	p0 =	seq.s32 s7, s2  }
0x1e: {  	s7 =	smul.u32 @!p0 $0xF7A, s2;
	p2 =	seq.s32 @!p0 s5, $0x0  }
0x1f: {  	s9 =	smul.u32 $0xF7A, s1;
	s8 =	simm.s32 @!p0 $0x1BF5;
	p2 =	por !p2, p0  }
0x20: {  	[sflag:s8] =	ssyncset.s32 @!p0 $0xFFFFF086;
	s6 =	sadd.s32 @!p0 s3, s7;
	s7 =	simm.s32 @!p0 $0x108  }
0x21: {  	s3 =	sadd.s32 s3, s9;
	s6 =	sadd.s32 @!p0 $0x88, s6;
	s7 =	simm.s32 @p2 $0x1082  }
0x22: {  	[simem:s7], [sflag:s8] =	dma.local @!p0 [hbm:s6], $0xF7A  }
0x23: {  	s9 =	sor.u32 $0xD0000000, s2;
	s6 =	simm.s32 $0x108;
	_ =	swait.ge @!p0 [sflag:s8], $0x0  }
0x24: {  	s3 =	sadd.s32 $0x88, s3;
	s6 =	simm.s32 @!p1 $0x1082;
	[sflag:s4] =	ssyncset.s32 $0xFFFFF086  }
0x25: {  	[simem:s6], [sflag:s4] =	dma.local [hbm:s3], $0xF7A  }
0x26: {  	[smem:$0x3F93] =	sst s1;
	(tag) =	ssettag s2;
	_ =	strace s9  }
0x27: {  	s1 =	sld [smem:$0x3FA3]  }
0x28: {  	s2 =	sld [smem:$0x3FA4]  }
0x29: {  	s4 =	sld [smem:$0x3FA6]  }
0x2a: {  	p0 =	seq.s32 s5, $0x0;
	s5 =	sld [smem:$0x3FA7]  }
0x2b: {  	s6 =	sld [smem:$0x3FA8]  }
0x2c: {  	s7 =	sld [smem:$0x3FA9]  }
0x2d: {  	s3 =	simm.s32 $0x108;
	s8 =	sld [smem:$0x3FAA]  }
0x2e: {  	s3 =	simm.s32 @!p0 $0x1082;
	s9 =	sld [smem:$0x3FAB]  }
0x2f: {  	lr =	sadd.s32 s0, s3;
	s0 =	sld [smem:$0x3FA2]  }
0x30: {  	s3 =	sld [smem:$0x3FA5]  }
0x31: {  	[smem:$0x3FAE] =	sst s10  }
0x32: {  	s10 =	sld [smem:$0x3FAC];
	_ =	sdelay $0x3  }
0x33: {  	p0 =	seq.s32 s10, $0x1;
	s10 =	sld [smem:$0x3FAE];
	_ =	sdelay $0x3  }
0x34: {  	[smem:$0x3FAE] =	sst s10  }
0x35: {  	s10 =	sld [smem:$0x3FAD];
	_ =	sdelay $0x3  }
0x36: {  	p1 =	seq.s32 s10, $0x1;
	s10 =	sld [smem:$0x3FAE];
	_ =	sdelay $0x3  }
0x37: {  	[smem:$0x3FAE] =	sst s10  }
0x38: {  	s10 =	sld [smem:$0x3FAF]  }
0x39: {  	_ = 	snop;
	(pc) =	sbr.ind lr, $3  }
0x3a: {  	_ = 	snop  }
0x3b: {  	_ = 	snop  }
0x3c: {  	p2 =	seq.s32 s10, $0x1;
	s10 =	sld [smem:$0x3FAE]  }
0x3d: {  	_ =	shalt  }
0x3e: {  	_ =	shalt  }
0x3f: {  	_ =	shalt  }
0x40: {  	_ =	shalt  }
0x41: {  	_ =	shalt  }
0x42: {  	_ =	shalt  }
0x43: {  	_ =	shalt  }
0x44: {  	_ =	shalt  }
0x45: {  	_ =	shalt  }
0x46: {  	_ =	shalt  }
0x47: {  	_ =	shalt  }
0x48: {  	_ =	shalt  }
0x49: {  	_ =	shalt  }
0x4a: {  	_ =	shalt  }
0x4b: {  	_ =	shalt  }
0x4c: {  	_ =	shalt  }
0x4d: {  	_ =	shalt  }
0x4e: {  	_ =	shalt  }
0x4f: {  	_ =	shalt  }
0x50: {  	_ =	shalt  }
0x51: {  	_ =	shalt  }
0x52: {  	_ =	shalt  }
0x53: {  	_ =	shalt  }
0x54: {  	_ =	shalt  }
0x55: {  	_ =	shalt  }
0x56: {  	_ =	shalt  }
0x57: {  	_ =	shalt  }
0x58: {  	_ =	shalt  }
0x59: {  	_ =	shalt  }
0x5a: {  	_ =	shalt  }
0x5b: {  	_ =	shalt  }
0x5c: {  	_ =	shalt  }
0x5d: {  	_ =	shalt  }
0x5e: {  	_ =	shalt  }
0x5f: {  	_ =	shalt  }
0x60: {  	_ =	shalt  }
0x61: {  	_ =	shalt  }
0x62: {  	_ =	shalt  }
0x63: {  	_ =	shalt  }
0x64: {  	_ =	shalt  }
0x65: {  	_ =	shalt  }
0x66: {  	_ =	shalt  }
0x67: {  	_ =	shalt  }
0x68: {  	_ =	shalt  }
0x69: {  	_ =	shalt  }
0x6a: {  	_ =	shalt  }
0x6b: {  	_ =	shalt  }
0x6c: {  	_ =	shalt  }
0x6d: {  	_ =	shalt  }
0x6e: {  	_ =	shalt  }
0x6f: {  	_ =	shalt  }
0x70: {  	_ =	shalt  }
0x71: {  	_ =	shalt  }
0x72: {  	_ =	shalt  }
0x73: {  	_ =	shalt  }
0x74: {  	_ =	shalt  }
0x75: {  	_ =	shalt  }
0x76: {  	_ =	shalt  }
0x77: {  	_ =	shalt  }
0x78: {  	_ =	shalt  }
0x79: {  	_ =	shalt  }
0x7a: {  	_ =	shalt  }
0x7b: {  	_ =	shalt  }
0x7c: {  	_ =	shalt  }
0x7d: {  	_ =	shalt  }
0x7e: {  	_ =	shalt  }
0x7f: {  	_ =	shalt  }
0x80: {  	_ =	shalt  }
0x81: {  	_ =	shalt  }
0x82: {  	_ =	shalt  }
0x83: {  	_ =	shalt  }
0x84: {  	_ =	shalt  }
0x85: {  	_ =	shalt  }
0x86: {  	_ =	shalt  }
0x87: {  	_ =	shalt  }
.Lfunc_end0:
.L_simem_size_0:
called_computation_lowered:
.L_overlay_start_0:
0x88: {  	s2 =	sld [smem:$0x3FD9]  }
0x89: {  	s3 =	sld [smem:$0x3FFE];
	_ =	sdelay $0x1  }
0x8a: {  	s1 =	srdreg.scid  }
0x8b: {  	s0 =	sand.u32 $0x1, s1  }
0x8c: {  	s14 =	sshll.u32 s0, $0xA;
	s2 =	sadd.s32 s3, s2  }
0x8d: {  	s2 =	sadd.s32 s2, s14  }
0x8e: {  	[smem:$0x3FBA] =	sst s2  }
0x8f: {  	_ = 	snop  }
0x90: {  	s2 =	sld [smem:$0x3FD0];
	_ =	sdelay $0x2  }
0x91: {  	s15 =	simm.s32 $0xA;
	s4 =	simm.s32 $0x10  }
0x92: {  	[smem:s4], [sflag:s15] =	dma.local [hbm:s2], $0x1  }
0x93: {  	_ =	swait.eq [sflag:s15], $0x1  }
0x94: {  	[sflag:s15] =	ssyncset.done $0x0  }
0x95: {  	s16 =	sld [smem:$0x10];
	[sflag:s15] =	ssyncadd.s32 $0xFFFFFFFF  }
0x96: {  	s17 =	sld [smem:$0x11];
	(tm) =	ssettm $0x1  }
0x97: {  	s18 =	sld [smem:$0x3FFB];
	_ =	sdelay $0x3  }
0x98: {  	_ =	strace s18  }
0x99: {  	s4 =	sld [smem:$0x3FFC];
	_ =	sdelay $0x3  }
0x9a: {  	_ =	strace s4  }
0x9b: {  	s4 =	sld [smem:$0x3FFD];
	_ =	sdelay $0x3  }
0x9c: {  	_ =	strace s4  }
0x9d: {  	_ =	strace $0x8FFFFFFF  }
0x9e: {  	s19 =	sld [smem:$0x3FDB];
	_ =	sdelay $0x1  }
0x9f: {  	s5 =	simm.s32 $_scs_section_size  }
0xa0: {  	s6 =	simm.s32 $_size__tile_overlayer_lowered;
	s7 =	simm.s32 $_tile_overlayer_lowered  }
0xa1: {  	s22 =	simm.s32 $0x1BFF;
	s21 =	sshll.u32 s7, $0x1;
	s4 =	sadd.s32 s5, s19  }
0xa2: {  	s8 =	simm.s32 $0x0;
	s20 =	sshll.u32 s6, $0x1;
	s6 =	sadd.s32 s21, s4  }
0xa3: {  	[timem:s8], [sflag:s22] =	dma.local [hbm:s6], s20  }
0xa4: {  	_ =	swait.ge [sflag:s22], s20  }
0xa5: {  	s5 =	ssub.s32 $0x0, s20;
	[sflag:s22] =	ssyncset.done $0x0  }
0xa6: {  	[sflag:s22] =	ssyncadd.s32 s5;
	_ =	sdelay $0x1  }
0xa7: {  	s23 =	simm.s32 $0x1B8B  }
0xa8: {  	_ =	swait.ge [sflag:s23], $0x1  }
0xa9: {  	[sflag:s23] =	ssyncset.done $0x0  }
0xaa: {  	s25 =	simm.s32 $0x1B8E;
	s24 =	sld [smem:$0x3FFE];
	[sflag:s23] =	ssyncadd.s32 $0xFFFFFFFF  }
0xab: {  	s26 =	simm.s32 $execute0_lowered;
	[smem:$0x3FD2] =	sst s25  }
0xac: {  	s6 =	sshll.u32 s26, $0x1;
	_ =	strace $0x80000046;
	[dreg:$0x1] =	wrdreg $0xFFFFFFFF  }
0xad: {  	s28 =	simm.s32 $_size_execute0_lowered;
	s4 =	sadd.s32 s4, s6;
	[dreg:$0x0] =	wrdreg $0x0  }
0xae: {  	s6 =	sshll.u32 s28, $0x1;
	[dreg:$0x2] =	wrdreg s4  }
0xaf: {  	[dreg:$0x3] =	wrdreg s6  }
0xb0: {  	[dreg:$0x4] =	wrdreg $0xC0  }
0xb1: {  	_ =	task [dreg:s8], $0x5FFFF  }
0xb2: {  	[dreg:$0x1] =	wrdreg $0xFFFFFFFF  }
0xb3: {  	[dreg:$0x0] =	wrdreg $0x60  }
0xb4: {  	[dreg:$0x2] =	wrdreg s24  }
0xb5: {  	[dreg:$0x3] =	wrdreg s16  }
0xb6: {  	[dreg:$0x4] =	wrdreg s17  }
0xb7: {  	[dreg:$0x5] =	wrdreg $0x0  }
0xb8: {  	[dreg:$0x6] =	wrdreg $0x9  }
0xb9: {  	_ =	task.clear_ibuf [dreg:s8], $0x7FFFF;
	_ =	strace $0x90000046  }
0xba: {  	s29 =	simm.s32 $0x9;
	_ =	strace $0x80000048  }
0xbb: {  	_ =	swait.ge [sflag:s29], $0x1  }
0xbc: {  	[sflag:s29] =	ssyncadd.s32 $0xFFFFFFFF  }
0xbd: {  	_ =	strace $0x90000048  }
0xbe: {  	_ =	sfence  }
0xbf: {  	s30 =	sld [smem:$0x0];
	_ =	sdelay $0x2  }
0xc0: {  	s31 =	sshll.u32 s1, $0xD;
	s1 =	sshrl.u32 s1, $0x2  }
0xc1: {  	s3 =	sand.u32 $0x4000, s31;
	s1 =	sadd.s32 s1, s30  }
0xc2: {  	s0 =	sor.u32 s3, s0;
	s1 =	sshll.u32 s1, $0x11  }
0xc3: {  	s0 =	sor.u32 s1, s0  }
0xc4: {  	s0 =	sadd.s32 $0x8F2B, s0  }
0xc5: {  	[sflag:s0] =	ssyncadd.remote.s32 $0x1  }
0xc6: {  	_ =	sfence.sel $0xFFFF  }
0xc7: {  	[dreg:$0x0] =	wrdreg $0xFFFFFFFF;
	(pc) =	sbr.abs _section_cstart, $3  }
0xc8: {  	[dreg:$0x1] =	wrdreg $0xFFFFFFFF  }
0xc9: {  	_ =	task.clear_ibuf [dreg:s8], $0x2FFFF;
	_ =	strace $0x9FFFFFFF  }
0xca: {  	(tm) =	ssettm $0x7FFFFFFF  }
0xcb: {  	_ =	shalt  }
tec
execute0_lowered:
.L_overlay_start_1:
0x0: {  	(tag) =	ssettag $0x1  }
0x1: {  	s0 =	rddreg [dreg:$0x0]  }
0x2: {  	s1 =	rddreg [dreg:$0x1]  }
0x3: {  	s2 =	rddreg [dreg:$0x2]  }
0x4: {  	s3 =	rddreg [dreg:$0x3]  }
0x5: {  	s4 =	simm.s32 $0x0;
	s5 =	srdreg.scid;
	s20 =	stileid.u32  }
0x6: {  	s21 =	simm.s32 $0x16380;
	s28 =	simm.s32 $0x80;
	s29 =	simm.s32 $0x1B2C0  }
0x7: {  	s30 =	simm.s32 $0x1;
	s5 =	sand.u32 $0x1, s5;
	s14 =	smul.u32 $0x16380, s20  }
0x8: {  	s31 =	simm.s32 $0x0;
	[smem:$0x7FF] =	sst s4;
	s7 =	smul.u32 $0x4E4, s5  }
0x9: {  	s6 =	sadd.s32 $0xED400, s0;
	s8 =	ssub.s32 $0x2, s5;
	s17 =	smul.u32 $0x163800, s5  }
0xa: {  	_ =	strace $0x80000047;
	s5 =	smul.u32 $0x2780, s5;
	s9 =	sshrl.u32 s8, $0x1  }
0xb: {  	s23 =	sadd.s32 $0x4800, s14;
	s15 =	sadd.s32 $0x9000, s14;
	s18 =	sadd.s32 $0xD800, s14  }
0xc: {  	s19 =	sadd.s32 $0x12000, s14;
	s7 =	sadd.s32 s7, s0;
	s0 =	sadd.s32 $0x4F400, s0  }
0xd: {  	s8 =	ssub.s32 s8, s9;
	s9 =	sadd.s32 s14, s3;
	s10 =	sadd.s32 s23, s3  }
0xe: {  	s11 =	sadd.s32 s15, s3;
	s12 =	sadd.s32 s18, s3;
	s13 =	sadd.s32 s19, s3  }
0xf: {  	s16 =	sadd.s32 s14, s17;
	s14 =	smul.u32 $0x4E80, s20;
	s24 =	sadd.s32 s17, s15  }
0x10: {  	s25 =	sadd.s32 s17, s18;
	s19 =	sadd.s32 s17, s19;
	s22 =	sadd.s32 $0xE00, s7  }
0x11: {  	s7 =	sadd.s32 $0x400, s7;
	s16 =	sshrl.u32 s16, $0x3;
	s15 =	sshrl.u32 s25, $0x3  }
0x12: {  	s26 =	sshrl.u32 s19, $0x3;
	s20 =	smax.u32 s8, $0x1;
	[dreg:$0x5] =	wrdreg s22  }
0x13: {  	s25 =	simm.s32 $0x1B1C0;
	[dreg:$0x6] =	wrdreg s7;
	s7 =	sadd.s32 s17, s23  }
0x14: {  	s16 =	sadd.s32 s0, s16;
	s18 =	sadd.s32 s0, s15;
	s19 =	sadd.s32 s0, s26  }
0x15: {  	s22 =	simm.s32 $0x2;
	s23 =	simm.s32 $0x18AA0;
	s7 =	sshrl.u32 s7, $0x3  }
0x16: {  	[dreg:$0x7] =	wrdreg s16;
	s16 =	sadd.s32 s0, s7;
	s7 =	sshrl.u32 s24, $0x3  }
0x17: {  	v1 =	vimm.f32 $0.0e+00;
	v0 =	vmov s5;
	s26 =	simm.s32 $0x1B240;
	s24 =	simm.s32 $0x1B3D0;
	s17 =	sadd.s32 s0, s7  }
.LBB2_1:
0x18: {  	s0 =	rddreg [dreg:$0x5]  }
0x19: {  	[tilespmem:s21], [sflag:$0x2] =	stream.linear.gather [hbm4b:s0+s4], $0x2720, $0x38;
	[tilespmem:$0x1FBD0] =	vst v63  }
0x1a: {  	_ =	swait.ge [sflag:s22], $0x2720  }
0x1b: {  	[sflag:s22] =	ssyncset.done $0x0  }
0x1c: {  	s15 =	rddreg [dreg:$0x6];
	[sflag:s22] =	ssyncadd.s32 $0xFFFFD8E0  }
0x1d: {  	[tilespmem:s23], [sflag:$0x2] =	stream.linear.gather [hbm4b:s15+s4], $0x2720, $0x38;
	[tilespmem:$0x1FBD0] =	vst v63  }
0x1e: {  	_ =	swait.ge [sflag:s22], $0x2720  }
0x1f: {  	[sflag:s22] =	ssyncset.done $0x0  }
0x20: {  	s5 =	simm.s32 $0x240;
	s0 =	simm.s32 $0x0;
	[sflag:s22] =	ssyncadd.s32 $0xFFFFD8E0  }
.LBB2_2:
0x21: {  	p0 =	sne.s32 s5, $0x11DC0;
	[tilespmem:s0+$0x1B450] =	vst v1  }
0x22: {  	[tilespmem:s0+$0x1B3D0] =	vst v1  }
0x23: {  	[tilespmem:s0+$0x1B3E0] =	vst v1  }
0x24: {  	[tilespmem:s0+$0x1B3F0] =	vst v1  }
.Ltmp0:
0x25: {  	[tilespmem:s0+$0x1B400] =	vst v1;
	(pc) =	sbr.rel @p0 .LBB2_2-.Ltmp0, $4  }
0x26: {  	[tilespmem:s0+$0x1B410] =	vst v1  }
0x27: {  	[tilespmem:s0+$0x1B420] =	vst v1  }
0x28: {  	[tilespmem:s0+$0x1B430] =	vst v1  }
0x29: {  	[tilespmem:s0+$0x1B440] =	vst v1;
	s0 =	sshra.s32 s5, $0x2;
	s5 =	sadd.s32 $0x240, s5  }
0x2a: {  	[tilespmem:s0+$0x1B450] =	vst v1  }
0x2b: {  	[tilespmem:s0+$0x1B3D0] =	vst v1  }
0x2c: {  	[tilespmem:s0+$0x1B3E0] =	vst v1  }
0x2d: {  	[tilespmem:s0+$0x1B3F0] =	vst v1  }
0x2e: {  	[tilespmem:s0+$0x1B400] =	vst v1  }
0x2f: {  	[tilespmem:s0+$0x1B410] =	vst v1  }
0x30: {  	[tilespmem:s0+$0x1B420] =	vst v1  }
0x31: {  	[tilespmem:s0+$0x1B430] =	vst v1  }
0x32: {  	[tilespmem:s0+$0x1B440] =	vst v1  }
0x33: {  	[spmem:s9] =	stream.linear.scatter [tilespmem:s24], [sflag:$0x2], $0x4800, $0x38;
	[tilespmem:$0x1FBD0] =	vst v63  }
0x34: {  	_ =	swait.ge [sflag:s22], $0x4800  }
0x35: {  	[sflag:s22] =	ssyncset.done $0x0  }
0x36: {  	[sflag:s22] =	ssyncadd.s32 $0xFFFFB800  }
0x37: {  	[spmem:s10] =	stream.linear.scatter [tilespmem:s24], [sflag:$0x2], $0x4800, $0x38;
	[tilespmem:$0x1FBD0] =	vst v63  }
0x38: {  	_ =	swait.ge [sflag:s22], $0x4800  }
0x39: {  	[sflag:s22] =	ssyncset.done $0x0  }
0x3a: {  	[sflag:s22] =	ssyncadd.s32 $0xFFFFB800  }
0x3b: {  	[spmem:s11] =	stream.linear.scatter [tilespmem:s24], [sflag:$0x2], $0x4800, $0x38;
	[tilespmem:$0x1FBD0] =	vst v63  }
0x3c: {  	_ =	swait.ge [sflag:s22], $0x4800  }
0x3d: {  	[sflag:s22] =	ssyncset.done $0x0  }
0x3e: {  	[sflag:s22] =	ssyncadd.s32 $0xFFFFB800  }
0x3f: {  	[spmem:s12] =	stream.linear.scatter [tilespmem:s24], [sflag:$0x2], $0x4800, $0x38;
	[tilespmem:$0x1FBD0] =	vst v63  }
0x40: {  	_ =	swait.ge [sflag:s22], $0x4800  }
0x41: {  	[sflag:s22] =	ssyncset.done $0x0  }
0x42: {  	[sflag:s22] =	ssyncadd.s32 $0xFFFFB800  }
0x43: {  	[spmem:s13] =	stream.linear.scatter [tilespmem:s24], [sflag:$0x2], $0x4380, $0x38;
	[tilespmem:$0x1FBD0] =	vst v63  }
0x44: {  	_ =	swait.ge [sflag:s22], $0x4380  }
0x45: {  	[sflag:s22] =	ssyncset.done $0x0  }
0x46: {  	[sflag:s22] =	ssyncadd.s32 $0xFFFFBC80  }
0x47: {  	s0 =	simm.s32 $0x0;
	[bflag:$0x0] =	sbarrier.arrive $0xFFFF  }
.LBB2_4:
0x48: {  	s5 =	sshll.u32 s0, $0x7  }
0x49: {  	s5 =	sadd.s32 s14, s5  }
0x4a: {  	s5 =	sshrl.u32 s5, $0x3  }
0x4b: {  	s7 =	sadd.s32 s1, s5  }
0x4c: {  	[tilespmem:s25], [sflag:$0x2] =	stream.linear.gather [hbm4b:s7+s4], $0x80, $0x38;
	[tilespmem:$0x1FBD0] =	vst v63  }
0x4d: {  	_ =	swait.ge [sflag:s22], $0x80  }
0x4e: {  	[sflag:s22] =	ssyncset.done $0x0  }
0x4f: {  	s5 =	sadd.s32 s2, s5;
	[sflag:s22] =	ssyncadd.s32 $0xFFFFFF80  }
0x50: {  	[tilespmem:s26], [sflag:$0x2] =	stream.linear.gather [hbm4b:s5+s4], $0x80, $0x38;
	[tilespmem:$0x1FBD0] =	vst v63  }
0x51: {  	_ =	swait.ge [sflag:s22], $0x80  }
0x52: {  	[sflag:s22] =	ssyncset.done $0x0  }
0x53: {  	[sflag:s22] =	ssyncadd.s32 $0xFFFFFF80  }
0x54: {  	v2 =	vld [tilespmem:$0x1B1C0]  }
0x55: {  	v3 =	vld [tilespmem:$0x1B1D0]  }
0x56: {  	v4 =	vld [tilespmem:$0x1B1E0]  }
0x57: {  	v5 =	vld [tilespmem:$0x1B1F0]  }
0x58: {  	v6 =	vld [tilespmem:$0x1B200]  }
0x59: {  	v7 =	vld [tilespmem:$0x1B210];
	v2 =	vadd.s32 v0, v2  }
0x5a: {  	[tilespmem:$0x1B2C0] =	vst v2;
	v2 =	vadd.s32 v0, v3;
	v3 =	vld [tilespmem:$0x1B220]  }
0x5b: {  	[tilespmem:$0x1B2D0] =	vst v2;
	v2 =	vadd.s32 v0, v4;
	v4 =	vld [tilespmem:$0x1B230]  }
0x5c: {  	[tilespmem:$0x1B2E0] =	vst v2;
	v2 =	vadd.s32 v0, v5  }
0x5d: {  	[tilespmem:$0x1B2F0] =	vst v2;
	v2 =	vadd.s32 v0, v6  }
0x5e: {  	[tilespmem:$0x1B300] =	vst v2;
	v2 =	vadd.s32 v0, v7  }
0x5f: {  	[tilespmem:$0x1B310] =	vst v2;
	v2 =	vadd.s32 v0, v3  }
0x60: {  	[tilespmem:$0x1B320] =	vst v2;
	v2 =	vadd.s32 v0, v4  }
0x61: {  	[tilespmem:$0x1B330] =	vst v2  }
0x62: {  	[tilespmem:s24], [sflag:$0x1] =	stream.indirect.gather [hbm4b:s6+s28], $0x90, s29, s28, $0xb8;
	[tilespmem:$0x1FBD0] =	vst v63  }
0x63: {  	v2 =	vld [tilespmem:$0x1B1C0]  }
0x64: {  	v3 =	vld [tilespmem:$0x1B240];
	_ =	sdelay $0x6  }
0x65: {  	v2 =	vld.idx.msk [tilespmem:v2+s21+$0x0], $0xffff  }
0x66: {  	v3 =	vld.idx.msk [tilespmem:v3+s23+$0x0], $0xffff;
	_ =	sdelay $0x4  }
0x67: {  	v2 =	vadd.f32 v3, v2;
	_ =	sdelay $0x1  }
0x68: {  	v3 =	vmul.f32 $2.000000030e-01, v2  }
0x69: {  	vm0 =	vlt.f32 v2, $0.0e+00  }
0x6a: {  	v2 =	vsel vm0, v3, v2  }
0x6b: {  	v2 =	vmul.f32 $1.442695020e+00, v2;
	_ =	sdelay $0x1  }
0x6c: {  	(erf) = vpow2.f32 v2;
	_ =	sdelay $0x2  }
0x6d: {  	v2 =	vld [tilespmem:$0x1B1D0]  }
0x6e: {  	v3 =	vld [tilespmem:$0x1B250];
	_ =	sdelay $0x4  }
0x6f: {  	v4 =	vpop (erf)  }
0x70: {  	[tilespmem:$0x1B340] =	vst v4  }
0x71: {  	v2 =	vld.idx.msk [tilespmem:v2+s21+$0x0], $0xffff  }
0x72: {  	v3 =	vld.idx.msk [tilespmem:v3+s23+$0x0], $0xffff;
	_ =	sdelay $0x4  }
0x73: {  	v2 =	vadd.f32 v3, v2;
	_ =	sdelay $0x1  }
0x74: {  	v3 =	vmul.f32 $2.000000030e-01, v2  }
0x75: {  	vm9 =	vlt.f32 v2, $0.0e+00  }
0x76: {  	v2 =	vsel vm9, v3, v2  }
0x77: {  	v2 =	vmul.f32 $1.442695020e+00, v2;
	_ =	sdelay $0x1  }
0x78: {  	(erf) = vpow2.f32 v2;
	_ =	sdelay $0x2  }
0x79: {  	v2 =	vld [tilespmem:$0x1B1E0]  }
0x7a: {  	v3 =	vld [tilespmem:$0x1B260];
	_ =	sdelay $0x4  }
0x7b: {  	v4 =	vpop (erf)  }
0x7c: {  	[tilespmem:$0x1B350] =	vst v4  }
0x7d: {  	v2 =	vld.idx.msk [tilespmem:v2+s21+$0x0], $0xffff  }
0x7e: {  	v3 =	vld.idx.msk [tilespmem:v3+s23+$0x0], $0xffff;
	_ =	sdelay $0x4  }
0x7f: {  	v2 =	vadd.f32 v3, v2;
	_ =	sdelay $0x1  }
0x80: {  	v3 =	vmul.f32 $2.000000030e-01, v2  }
0x81: {  	vm10 =	vlt.f32 v2, $0.0e+00  }
0x82: {  	v2 =	vsel vm10, v3, v2  }
0x83: {  	v2 =	vmul.f32 $1.442695020e+00, v2;
	_ =	sdelay $0x1  }
0x84: {  	(erf) = vpow2.f32 v2;
	_ =	sdelay $0x2  }
0x85: {  	v2 =	vld [tilespmem:$0x1B1F0]  }
0x86: {  	v3 =	vld [tilespmem:$0x1B270];
	_ =	sdelay $0x4  }
0x87: {  	v4 =	vpop (erf)  }
0x88: {  	[tilespmem:$0x1B360] =	vst v4  }
0x89: {  	v2 =	vld.idx.msk [tilespmem:v2+s21+$0x0], $0xffff  }
0x8a: {  	v3 =	vld.idx.msk [tilespmem:v3+s23+$0x0], $0xffff;
	_ =	sdelay $0x4  }
0x8b: {  	v2 =	vadd.f32 v3, v2;
	_ =	sdelay $0x1  }
0x8c: {  	v3 =	vmul.f32 $2.000000030e-01, v2  }
0x8d: {  	vm11 =	vlt.f32 v2, $0.0e+00  }
0x8e: {  	v2 =	vsel vm11, v3, v2  }
0x8f: {  	v2 =	vmul.f32 $1.442695020e+00, v2;
	_ =	sdelay $0x1  }
0x90: {  	(erf) = vpow2.f32 v2;
	_ =	sdelay $0x2  }
0x91: {  	v2 =	vld [tilespmem:$0x1B200]  }
0x92: {  	v3 =	vld [tilespmem:$0x1B280];
	_ =	sdelay $0x4  }
0x93: {  	v4 =	vpop (erf)  }
0x94: {  	[tilespmem:$0x1B370] =	vst v4  }
0x95: {  	v2 =	vld.idx.msk [tilespmem:v2+s21+$0x0], $0xffff  }
0x96: {  	v3 =	vld.idx.msk [tilespmem:v3+s23+$0x0], $0xffff;
	_ =	sdelay $0x4  }
0x97: {  	v2 =	vadd.f32 v3, v2;
	_ =	sdelay $0x1  }
0x98: {  	v3 =	vmul.f32 $2.000000030e-01, v2  }
0x99: {  	vm12 =	vlt.f32 v2, $0.0e+00  }
0x9a: {  	v2 =	vsel vm12, v3, v2  }
0x9b: {  	v2 =	vmul.f32 $1.442695020e+00, v2;
	_ =	sdelay $0x1  }
0x9c: {  	(erf) = vpow2.f32 v2;
	_ =	sdelay $0x2  }
0x9d: {  	v2 =	vld [tilespmem:$0x1B210]  }
0x9e: {  	v3 =	vld [tilespmem:$0x1B290];
	_ =	sdelay $0x4  }
0x9f: {  	v4 =	vpop (erf)  }
0xa0: {  	[tilespmem:$0x1B380] =	vst v4  }
0xa1: {  	v2 =	vld.idx.msk [tilespmem:v2+s21+$0x0], $0xffff  }
0xa2: {  	v3 =	vld.idx.msk [tilespmem:v3+s23+$0x0], $0xffff;
	_ =	sdelay $0x4  }
0xa3: {  	v2 =	vadd.f32 v3, v2;
	_ =	sdelay $0x1  }
0xa4: {  	v3 =	vmul.f32 $2.000000030e-01, v2  }
0xa5: {  	vm13 =	vlt.f32 v2, $0.0e+00  }
0xa6: {  	v2 =	vsel vm13, v3, v2  }
0xa7: {  	v2 =	vmul.f32 $1.442695020e+00, v2;
	_ =	sdelay $0x1  }
0xa8: {  	(erf) = vpow2.f32 v2;
	_ =	sdelay $0x2  }
0xa9: {  	v2 =	vld [tilespmem:$0x1B220]  }
0xaa: {  	v3 =	vld [tilespmem:$0x1B2A0];
	_ =	sdelay $0x4  }
0xab: {  	v4 =	vpop (erf)  }
0xac: {  	[tilespmem:$0x1B390] =	vst v4  }
0xad: {  	v2 =	vld.idx.msk [tilespmem:v2+s21+$0x0], $0xffff  }
0xae: {  	v3 =	vld.idx.msk [tilespmem:v3+s23+$0x0], $0xffff;
	_ =	sdelay $0x4  }
0xaf: {  	v2 =	vadd.f32 v3, v2;
	_ =	sdelay $0x1  }
0xb0: {  	v3 =	vmul.f32 $2.000000030e-01, v2  }
0xb1: {  	vm14 =	vlt.f32 v2, $0.0e+00  }
0xb2: {  	v2 =	vsel vm14, v3, v2  }
0xb3: {  	v2 =	vmul.f32 $1.442695020e+00, v2;
	_ =	sdelay $0x1  }
0xb4: {  	(erf) = vpow2.f32 v2;
	_ =	sdelay $0x2  }
0xb5: {  	v2 =	vld [tilespmem:$0x1B230]  }
0xb6: {  	v3 =	vld [tilespmem:$0x1B2B0];
	_ =	sdelay $0x4  }
0xb7: {  	v4 =	vpop (erf)  }
0xb8: {  	[tilespmem:$0x1B3A0] =	vst v4  }
0xb9: {  	v2 =	vld.idx.msk [tilespmem:v2+s21+$0x0], $0xffff  }
0xba: {  	v3 =	vld.idx.msk [tilespmem:v3+s23+$0x0], $0xffff;
	_ =	sdelay $0x4  }
0xbb: {  	v2 =	vadd.f32 v3, v2;
	_ =	sdelay $0x1  }
0xbc: {  	v3 =	vmul.f32 $2.000000030e-01, v2  }
0xbd: {  	vm15 =	vlt.f32 v2, $0.0e+00  }
0xbe: {  	v2 =	vsel vm15, v3, v2  }
0xbf: {  	v2 =	vmul.f32 $1.442695020e+00, v2;
	_ =	sdelay $0x1  }
0xc0: {  	(erf) = vpow2.f32 v2;
	_ =	sdelay $0x8  }
0xc1: {  	v2 =	vpop (erf)  }
0xc2: {  	[tilespmem:$0x1B3B0] =	vst v2  }
0xc3: {  	_ =	swait.ge [sflag:s30], $0x4800  }
0xc4: {  	[sflag:s30] =	ssyncset.done $0x0  }
0xc5: {  	s15 =	simm.s32 $0x1B342;
	[sflag:s30] =	ssyncadd.s32 $0xFFFFB800  }
0xc6: {  	s5 =	simm.s32 $0x1B4F0;
	v2 =	vld.msk [tilespmem:s15+$0x1 ss:$0x0], $0xffff  }
0xc7: {  	v4 =	vld [tilespmem:s5+$0x110]  }
0xc8: {  	v3 =	vld.msk [tilespmem:s15+$0xFFFFFFFE ss:$0x0], $0xffff  }
0xc9: {  	v5 =	vld [tilespmem:s5+$0xFFFFFEF0]  }
0xca: {  	v6 =	vld [tilespmem:s5+$0xFFFFFF00]  }
0xcb: {  	v7 =	vld [tilespmem:s5+$0xFFFFFF10]  }
0xcc: {  	v8 =	vld [tilespmem:s5+$0xFFFFFF20]  }
0xcd: {  	v9 =	vld [tilespmem:s5+$0xFFFFFF30]  }
0xce: {  	v10 =	vld [tilespmem:s5+$0xFFFFFF40]  }
0xcf: {  	v11 =	vld [tilespmem:s5+$0xFFFFFF50];
	v5 =	vmul.f32 v5, v3  }
0xd0: {  	v12 =	vld.msk [tilespmem:s15+$0xFFFFFFFF ss:$0x0], $0xffff;
	v4 =	vmul.f32 v4, v2  }
0xd1: {  	v13 =	vld [tilespmem:s5+$0xFFFFFF70];
	v6 =	vmul.f32 v6, v3;
	[tilespmem:s5+$0xFFFFFEF0] =	vst v5  }
0xd2: {  	v14 =	vld [tilespmem:s5+$0xFFFFFF80];
	v8 =	vmul.f32 v8, v3;
	[tilespmem:s5+$0x110] =	vst v4  }
0xd3: {  	v15 =	vld [tilespmem:s5+$0xFFFFFF90];
	v9 =	vmul.f32 v9, v3;
	[tilespmem:s5+$0xFFFFFF00] =	vst v6  }
0xd4: {  	v16 =	vld [tilespmem:s5+$0xFFFFFFA0];
	v10 =	vmul.f32 v10, v3;
	[tilespmem:s5+$0xFFFFFF20] =	vst v8  }
0xd5: {  	v5 =	vld [tilespmem:s5+$0xFFFFFF60];
	v4 =	vmul.f32 v7, v3;
	[tilespmem:s5+$0xFFFFFF30] =	vst v9  }
0xd6: {  	v7 =	vld [tilespmem:s5+$0xFFFFFFB0];
	v6 =	vmul.f32 v12, v13;
	[tilespmem:s5+$0xFFFFFF40] =	vst v10  }
0xd7: {  	v8 =	vld [tilespmem:s5+$0xFFFFFFE0];
	v9 =	vmul.f32 v11, v3;
	[tilespmem:s5+$0xFFFFFF10] =	vst v4  }
0xd8: {  	v11 =	vld [tilespmem:s5+$0xFFFFFFF0];
	[tilespmem:s5+$0xFFFFFF70] =	vst v6;
	v6 =	vmul.f32 v14, v12  }
0xd9: {  	v10 =	vld [tilespmem:s5+$0x0];
	[tilespmem:s5+$0xFFFFFF50] =	vst v9;
	v9 =	vmul.f32 v15, v12  }
0xda: {  	v4 =	vld [tilespmem:s5+$0xFFFFFFD0];
	[tilespmem:s5+$0xFFFFFF80] =	vst v6;
	v5 =	vmul.f32 v5, v3  }
0xdb: {  	v6 =	vld.msk [tilespmem:s15+$0x0 ss:$0x0], $0xffff;
	[tilespmem:s5+$0xFFFFFF90] =	vst v9;
	v7 =	vmul.f32 v7, v12  }
0xdc: {  	v58 =	vld [tilespmem:s5+$0xFFFFFFC0];
	v8 =	vmul.f32 v8, v12;
	[tilespmem:s5+$0xFFFFFF60] =	vst v5  }
0xdd: {  	v59 =	vld [tilespmem:s5+$0x10];
	v11 =	vmul.f32 v11, v12;
	[tilespmem:s5+$0xFFFFFFB0] =	vst v7  }
0xde: {  	v9 =	vld [tilespmem:s5+$0x30];
	v5 =	vmul.f32 v16, v12;
	[tilespmem:s5+$0xFFFFFFE0] =	vst v8  }
0xdf: {  	v60 =	vld [tilespmem:s5+$0x20];
	v4 =	vmul.f32 v4, v12;
	[tilespmem:s5+$0xFFFFFFF0] =	vst v11  }
0xe0: {  	v8 =	vld [tilespmem:s5+$0x80];
	[tilespmem:s5+$0xFFFFFFA0] =	vst v5;
	v7 =	vmul.f32 v6, v10  }
0xe1: {  	v61 =	vld [tilespmem:s5+$0x40];
	v5 =	vmul.f32 v58, v12;
	[tilespmem:s5+$0xFFFFFFD0] =	vst v4  }
0xe2: {  	v10 =	vld [tilespmem:s5+$0x50];
	[tilespmem:s5+$0x0] =	vst v7;
	v7 =	vmul.f32 v59, v6  }
0xe3: {  	v9 =	vmul.f32 v9, v6;
	[tilespmem:s5+$0xFFFFFFC0] =	vst v5;
	v5 =	vld [tilespmem:s5+$0x60]  }
0xe4: {  	v4 =	vld [tilespmem:s5+$0x70];
	[tilespmem:s5+$0x10] =	vst v7;
	v7 =	vmul.f32 v60, v6  }
0xe5: {  	v11 =	vld [tilespmem:s5+$0x90];
	[tilespmem:s5+$0x30] =	vst v9;
	v8 =	vmul.f32 v8, v6  }
0xe6: {  	v62 =	vld [tilespmem:s5+$0xA0];
	[tilespmem:s5+$0x20] =	vst v7;
	v7 =	vmul.f32 v61, v6  }
0xe7: {  	v9 =	vmul.f32 v10, v6;
	v10 =	vld [tilespmem:s5+$0xB0];
	[tilespmem:s5+$0x80] =	vst v8  }
0xe8: {  	v63 =	vld [tilespmem:s5+$0xC0];
	[tilespmem:s5+$0x40] =	vst v7;
	v7 =	vmul.f32 v5, v6  }
0xe9: {  	[tilespmem:s5+$0x50] =	vst v9;
	v9 =	vmul.f32 v4, v6;
	v5 =	vld [tilespmem:s5+$0xD0]  }
0xea: {  	v4 =	vld [tilespmem:s5+$0xE0];
	[tilespmem:s5+$0x60] =	vst v7;
	v7 =	vmul.f32 v2, v11  }
0xeb: {  	v6 =	vld [tilespmem:s5+$0xF0];
	[tilespmem:s5+$0x70] =	vst v9;
	v11 =	vmul.f32 v62, v2  }
0xec: {  	v9 =	vmul.f32 v10, v2;
	[tilespmem:s5+$0x90] =	vst v7;
	v7 =	vld [tilespmem:s5+$0x100]  }
0xed: {  	s8 =	simm.s32 $0x1B346;
	s7 =	simm.s32 $0x0;
	s15 =	simm.s32 $0x1B4F0;
	v8 =	vld [tilespmem:s5+$0xFFFFFEE0];
	v10 =	vmul.f32 v63, v2;
	[tilespmem:s5+$0xA0] =	vst v11  }
.LBB2_5:
0xee: {  	v11 =	vld.msk [tilespmem:s8+$0x1 ss:$0x0], $0xffff;
	s7 =	sadd.s32 $0x4, s7;
	[tilespmem:s5+$0xB0] =	vst v9;
	v5 =	vmul.f32 v5, v2;
	s15 =	sadd.s32 $0x240, s15  }
0xef: {  	v9 =	vld [tilespmem:s15+$0x110];
	p0 =	slt.u32 s7, $0x7C;
	[tilespmem:s5+$0xC0] =	vst v10;
	v4 =	vmul.f32 v4, v2  }
0xf0: {  	v10 =	vld.msk [tilespmem:s8+$0xFFFFFFFE ss:$0x0], $0xffff;
	[tilespmem:s5+$0xD0] =	vst v5;
	v5 =	vmul.f32 v6, v2  }
0xf1: {  	v6 =	vld.msk [tilespmem:s8+$0xFFFFFFFF ss:$0x0], $0xffff;
	[tilespmem:s5+$0xE0] =	vst v4;
	v12 =	vmul.f32 v7, v2  }
0xf2: {  	v4 =	vld.msk [tilespmem:s8+$0x0 ss:$0x0], $0xffff;
	v3 =	vmul.f32 v3, v8;
	[tilespmem:s5+$0xF0] =	vst v5  }
0xf3: {  	v5 =	vld [tilespmem:s15+$0xFFFFFEF0];
	[tilespmem:s5+$0x100] =	vst v12  }
0xf4: {  	v2 =	vmov v11;
	v7 =	vld [tilespmem:s15+$0xFFFFFF00];
	v8 =	vmul.f32 v9, v11;
	[tilespmem:s5+$0xFFFFFEE0] =	vst v3;
	s5 =	smov.u32 s15  }
0xf5: {  	v9 =	vld [tilespmem:s15+$0xFFFFFF10]  }
0xf6: {  	v11 =	vld [tilespmem:s15+$0xFFFFFF20];
	[tilespmem:s15+$0x110] =	vst v8;
	v3 =	vmov v10  }
0xf7: {  	v8 =	vld [tilespmem:s15+$0xFFFFFF30]  }
0xf8: {  	v5 =	vmul.f32 v5, v3;
	v10 =	vld [tilespmem:s15+$0xFFFFFF40]  }
0xf9: {  	v7 =	vmul.f32 v7, v3;
	v12 =	vld [tilespmem:s15+$0xFFFFFF50]  }
0xfa: {  	[tilespmem:s15+$0xFFFFFEF0] =	vst v5;
	v5 =	vmul.f32 v9, v3;
	v9 =	vld [tilespmem:s15+$0xFFFFFF60]  }
0xfb: {  	[tilespmem:s15+$0xFFFFFF00] =	vst v7;
	v7 =	vmul.f32 v11, v3;
	v11 =	vld [tilespmem:s15+$0xFFFFFF70]  }
0xfc: {  	[tilespmem:s15+$0xFFFFFF10] =	vst v5;
	v5 =	vmul.f32 v8, v3;
	v8 =	vld [tilespmem:s15+$0xFFFFFF80]  }
0xfd: {  	[tilespmem:s15+$0xFFFFFF20] =	vst v7;
	v7 =	vmul.f32 v10, v3;
	v10 =	vld [tilespmem:s15+$0xFFFFFF90]  }
0xfe: {  	[tilespmem:s15+$0xFFFFFF30] =	vst v5;
	v5 =	vmul.f32 v12, v3;
	v12 =	vld [tilespmem:s15+$0xFFFFFFA0]  }
0xff: {  	[tilespmem:s15+$0xFFFFFF40] =	vst v7;
	v7 =	vmul.f32 v9, v3;
	v9 =	vld [tilespmem:s15+$0xFFFFFFB0]  }
0x100: {  	[tilespmem:s15+$0xFFFFFF50] =	vst v5;
	v5 =	vmul.f32 v6, v11;
	v11 =	vld [tilespmem:s15+$0xFFFFFFC0]  }
0x101: {  	[tilespmem:s15+$0xFFFFFF60] =	vst v7;
	v7 =	vmul.f32 v8, v6;
	v8 =	vld [tilespmem:s15+$0xFFFFFFD0]  }
0x102: {  	[tilespmem:s15+$0xFFFFFF70] =	vst v5;
	v5 =	vmul.f32 v10, v6;
	v10 =	vld [tilespmem:s15+$0xFFFFFFE0]  }
0x103: {  	[tilespmem:s15+$0xFFFFFF80] =	vst v7;
	v7 =	vmul.f32 v12, v6;
	v12 =	vld [tilespmem:s15+$0xFFFFFFF0]  }
0x104: {  	[tilespmem:s15+$0xFFFFFF90] =	vst v5;
	v5 =	vmul.f32 v9, v6;
	v9 =	vld [tilespmem:s15+$0x0]  }
0x105: {  	[tilespmem:s15+$0xFFFFFFA0] =	vst v7;
	v7 =	vmul.f32 v11, v6;
	v11 =	vld [tilespmem:s15+$0x10]  }
0x106: {  	[tilespmem:s15+$0xFFFFFFB0] =	vst v5;
	v5 =	vmul.f32 v8, v6;
	v8 =	vld [tilespmem:s15+$0x20]  }
0x107: {  	[tilespmem:s15+$0xFFFFFFC0] =	vst v7;
	v7 =	vmul.f32 v10, v6;
	v10 =	vld [tilespmem:s15+$0x30]  }
0x108: {  	[tilespmem:s15+$0xFFFFFFD0] =	vst v5;
	v5 =	vmul.f32 v12, v6;
	v6 =	vld [tilespmem:s15+$0x40]  }
0x109: {  	[tilespmem:s15+$0xFFFFFFE0] =	vst v7;
	v7 =	vmul.f32 v4, v9;
	v9 =	vld [tilespmem:s15+$0x50]  }
0x10a: {  	[tilespmem:s15+$0xFFFFFFF0] =	vst v5;
	v5 =	vmul.f32 v11, v4;
	v11 =	vld [tilespmem:s15+$0x60]  }
0x10b: {  	[tilespmem:s15+$0x0] =	vst v7;
	v7 =	vmul.f32 v8, v4;
	v8 =	vld [tilespmem:s15+$0x70]  }
0x10c: {  	[tilespmem:s15+$0x10] =	vst v5;
	v5 =	vmul.f32 v10, v4;
	v10 =	vld [tilespmem:s15+$0x80]  }
0x10d: {  	[tilespmem:s15+$0x20] =	vst v7;
	v6 =	vmul.f32 v6, v4;
	v7 =	vld [tilespmem:s15+$0x90]  }
0x10e: {  	[tilespmem:s15+$0x30] =	vst v5;
	v5 =	vmul.f32 v9, v4;
	v9 =	vld [tilespmem:s15+$0xA0]  }
0x10f: {  	[tilespmem:s15+$0x40] =	vst v6;
	v6 =	vmul.f32 v11, v4;
	v11 =	vld [tilespmem:s15+$0xB0]  }
0x110: {  	[tilespmem:s15+$0x50] =	vst v5;
	v8 =	vmul.f32 v8, v4;
	v12 =	vld [tilespmem:s15+$0xC0]  }
.Ltmp1:
0x111: {  	[tilespmem:s15+$0x60] =	vst v6;
	v6 =	vmul.f32 v10, v4;
	v5 =	vld [tilespmem:s15+$0xD0];
	(pc) =	sbr.rel @p0 .LBB2_5-.Ltmp1, $4  }
0x112: {  	[tilespmem:s15+$0x70] =	vst v8;
	v7 =	vmul.f32 v2, v7;
	v4 =	vld [tilespmem:s15+$0xE0]  }
0x113: {  	[tilespmem:s15+$0x80] =	vst v6;
	v10 =	vmul.f32 v9, v2;
	v6 =	vld [tilespmem:s15+$0xF0]  }
0x114: {  	[tilespmem:s15+$0x90] =	vst v7;
	v9 =	vmul.f32 v11, v2;
	v7 =	vld [tilespmem:s15+$0x100]  }
0x115: {  	s8 =	sadd.s32 $0x4, s8;
	v8 =	vld [tilespmem:s15+$0xFFFFFEE0];
	[tilespmem:s15+$0xA0] =	vst v10;
	v10 =	vmul.f32 v12, v2  }
0x116: {  	[tilespmem:s5+$0xB0] =	vst v9;
	v5 =	vmul.f32 v5, v2  }
0x117: {  	[tilespmem:s5+$0xC0] =	vst v10;
	v4 =	vmul.f32 v4, v2  }
0x118: {  	[tilespmem:s5+$0xD0] =	vst v5;
	v63 =	vmul.f32 v6, v2  }
0x119: {  	[tilespmem:s5+$0xE0] =	vst v4;
	v2 =	vmul.f32 v7, v2  }
0x11a: {  	s0 =	sadd.s32 $0x1, s0;
	v3 =	vmul.f32 v3, v8;
	[tilespmem:s5+$0xF0] =	vst v63  }
0x11b: {  	p0 =	sne.s32 s0, $0x9D;
	[tilespmem:s5+$0x100] =	vst v2  }
.Ltmp2:
0x11c: {  	[tilespmem:s5+$0xFFFFFEE0] =	vst v3;
	(pc) =	sbr.rel @p0 .LBB2_4-.Ltmp2, $4  }
0x11d: {  	[spmem:s3] =	stream.indirect.scatter.add.f32 [tilespmem:s24], [sflag:$0x2], $0x90, s26, s28, $0xb8;
	[tilespmem:$0x1FBD0] =	vst v63  }
0x11e: {  	_ =	swait.ge [sflag:s22], $0x4800  }
0x11f: {  	[sflag:s22] =	ssyncset.done $0x0  }
0x120: {  	[sflag:s22] =	ssyncadd.s32 $0xFFFFB800  }
0x121: {  	[bflag:$0x0] =	sbarrier.arrive $0xFFFF  }
0x122: {  	[tilespmem:s24], [sflag:$0x2] =	stream.linear.gather [spmem:s9], $0x4800, $0x38;
	[tilespmem:$0x1FBD0] =	vst v63  }
0x123: {  	_ =	swait.ge [sflag:s22], $0x4800  }
0x124: {  	[sflag:s22] =	ssyncset.done $0x0  }
0x125: {  	s0 =	rddreg [dreg:$0x7];
	[sflag:s22] =	ssyncadd.s32 $0xFFFFB800  }
0x126: {  	[hbm4b:s0+s4] =	stream.linear.scatter [tilespmem:s24], [sflag:$0x2], $0x4800, $0x38;
	[tilespmem:$0x1FBD0] =	vst v63  }
0x127: {  	_ =	swait.ge [sflag:s22], $0x4800  }
0x128: {  	[sflag:s22] =	ssyncset.done $0x0  }
0x129: {  	[sflag:s22] =	ssyncadd.s32 $0xFFFFB800  }
0x12a: {  	[tilespmem:s24], [sflag:$0x2] =	stream.linear.gather [spmem:s10], $0x4800, $0x38;
	[tilespmem:$0x1FBD0] =	vst v63  }
0x12b: {  	_ =	swait.ge [sflag:s22], $0x4800  }
0x12c: {  	[sflag:s22] =	ssyncset.done $0x0  }
0x12d: {  	[sflag:s22] =	ssyncadd.s32 $0xFFFFB800  }
0x12e: {  	[hbm4b:s16+s4] =	stream.linear.scatter [tilespmem:s24], [sflag:$0x2], $0x4800, $0x38;
	[tilespmem:$0x1FBD0] =	vst v63  }
0x12f: {  	_ =	swait.ge [sflag:s22], $0x4800  }
0x130: {  	[sflag:s22] =	ssyncset.done $0x0  }
0x131: {  	[sflag:s22] =	ssyncadd.s32 $0xFFFFB800  }
0x132: {  	[tilespmem:s24], [sflag:$0x2] =	stream.linear.gather [spmem:s11], $0x4800, $0x38;
	[tilespmem:$0x1FBD0] =	vst v63  }
0x133: {  	_ =	swait.ge [sflag:s22], $0x4800  }
0x134: {  	[sflag:s22] =	ssyncset.done $0x0  }
0x135: {  	[sflag:s22] =	ssyncadd.s32 $0xFFFFB800  }
0x136: {  	[hbm4b:s17+s4] =	stream.linear.scatter [tilespmem:s24], [sflag:$0x2], $0x4800, $0x38;
	[tilespmem:$0x1FBD0] =	vst v63  }
0x137: {  	_ =	swait.ge [sflag:s22], $0x4800  }
0x138: {  	[sflag:s22] =	ssyncset.done $0x0  }
0x139: {  	[sflag:s22] =	ssyncadd.s32 $0xFFFFB800  }
0x13a: {  	[tilespmem:s24], [sflag:$0x2] =	stream.linear.gather [spmem:s12], $0x4800, $0x38;
	[tilespmem:$0x1FBD0] =	vst v63  }
0x13b: {  	_ =	swait.ge [sflag:s22], $0x4800  }
0x13c: {  	[sflag:s22] =	ssyncset.done $0x0  }
0x13d: {  	[sflag:s22] =	ssyncadd.s32 $0xFFFFB800  }
0x13e: {  	[hbm4b:s18+s4] =	stream.linear.scatter [tilespmem:s24], [sflag:$0x2], $0x4800, $0x38;
	[tilespmem:$0x1FBD0] =	vst v63  }
0x13f: {  	_ =	swait.ge [sflag:s22], $0x4800  }
0x140: {  	[sflag:s22] =	ssyncset.done $0x0  }
0x141: {  	[sflag:s22] =	ssyncadd.s32 $0xFFFFB800  }
0x142: {  	[tilespmem:s24], [sflag:$0x2] =	stream.linear.gather [spmem:s13], $0x4380, $0x38;
	[tilespmem:$0x1FBD0] =	vst v63  }
0x143: {  	s31 =	sadd.s32 $0x1, s31;
	_ =	swait.ge [sflag:s22], $0x4380  }
0x144: {  	p0 =	sne.s32 s31, s20;
	[sflag:s22] =	ssyncset.done $0x0  }
.Ltmp3:
0x145: {  	[sflag:s22] =	ssyncadd.s32 $0xFFFFBC80;
	(pc) =	sbr.rel @p0 .LBB2_1-.Ltmp3, $4  }
0x146: {  	[hbm4b:s19+s4] =	stream.linear.scatter [tilespmem:s24], [sflag:$0x2], $0x4380, $0x38;
	[tilespmem:$0x1FBD0] =	vst v63  }
0x147: {  	_ =	swait.ge [sflag:s22], $0x4380  }
0x148: {  	[sflag:s22] =	ssyncset.done $0x0  }
0x149: {  	[sflag:s22] =	ssyncadd.s32 $0xFFFFBC80  }
0x14a: {  	_ =	sfence.sel $0x180000  }
0x14b: {  	[bflag:$0x0] =	sbarrier.arrive $0xFFFF  }
0x14c: {  	_ =	strace $0x90000047  }
0x14d: {  	s0 =	stileid.u32;
	[bflag:$0x2] =	sbarrier.arrive $0xFFFF  }
0x14e: {  	p0 =	sne.s32 s0, $0x0;
	s0 =	rddreg [dreg:$0x4]  }
0x14f: {  	s0 =	sadd.s32 @!p0 $0x100000, s0  }
0x150: {  	[sflag:s0] =	ssyncadd.tile.s32 @!p0 $0x1;
	_ =	shalt  }
.Lfunc_end2:
_tile_overlayer_lowered:
.L_overlay_start_2:
0x151: {  	(tag) =	ssettag $0x2  }
0x152: {  	s0 =	rddreg [dreg:$0x0];
	s2 =	stileid.u32  }
0x153: {  	s1 =	rddreg [dreg:$0x1];
	p0 =	sne.s32 s2, $0x0  }
0x154: {  	s3 =	rddreg [dreg:$0x2];
	[bflag:$0x3] =	sbarrier.arrive $0xFFFF;
	s2 =	simm.s32 @!p0 $0x1C02  }
0x155: {  	[timem:s3], [sflag:s2] =	dma.local @!p0 [hbm:s0], s1  }
0x156: {  	s0 =	simm.s32 @!p0 $0x2  }
0x157: {  	_ =	swait.ge @!p0 [sflag:s0], s1  }
0x158: {  	s1 =	ssub.s32 @!p0 $0x0, s1;
	[sflag:s0] =	ssyncset.done @!p0 $0x0  }
0x159: {  	[sflag:s0] =	ssyncadd.s32 @!p0 s1  }
0x15a: {  	[bflag:$0x3] =	sbarrier.arrive $0xFFFF  }
0x15b: {  	_ =	shalt  }

</sc_bundles>
